<compile_context>
chip_gen: v7x
topology: tpu7x:2x2x1
jax: 0.10.2.dev20260603
libtpu: 0.0.44.dev20260713+nightly
codegen_flags: <defaults>
</compile_context>

<pallas_src>
import functools

import jax
import jax.numpy as jnp
from jax import lax
from jax.experimental import pallas as pl
from jax.experimental.pallas import tpu as pltpu
from jax.experimental.pallas import tpu_sc as plsc

N_SPECIES = 1000000
EMBED_DIM = 32
BATCH = 16384
OUT_DIM = EMBED_DIM + 3

NC = 2
NS = 16
NW = NC * NS
BPW = BATCH // NW
GRP = 8
N_GRP = BPW // GRP


def _body(idx_hbm, g_hbm, s_hbm, c_hbm, tabT_hbm, out_hbm,
          idx_v, blocks_v, g_v, s_v, c_v, out_v, sem):
    c = lax.axis_index("c")
    s = lax.axis_index("s")
    wid = s * NC + c
    base = wid * BPW

    pltpu.sync_copy(idx_hbm.at[pl.ds(base, BPW)], idx_v.at[pl.ds(0, BPW)])
    pltpu.sync_copy(g_hbm.at[pl.ds(base, BPW)], g_v)
    pltpu.sync_copy(s_hbm.at[pl.ds(base, BPW)], s_v)
    pltpu.sync_copy(c_hbm.at[pl.ds(base, BPW)], c_v)

    lanes = lax.iota(jnp.int32, 16)

    def fire(gv, slot0):
        for j in range(GRP):
            r = gv[j]
            blk = lax.shift_right_logical(r, 7)
            off = pl.multiple_of(blk * 128, 128)
            pltpu.async_copy(tabT_hbm.at[:, pl.ds(off, 128)],
                             blocks_v.at[slot0 + j], sem)

    fire(idx_v[pl.ds(0, 16)], 0)

    def group(g, _):
        gn = jnp.minimum(g + 1, N_GRP - 1)
        fire(idx_v[pl.ds(gn * GRP, 16)], GRP * lax.rem(g + 1, 2))
        for _j in range(GRP):
            pltpu.make_async_copy(tabT_hbm.at[:, pl.ds(0, 128)],
                                  blocks_v.at[0], sem).wait()
        v16 = idx_v[pl.ds(g * GRP, 16)]
        slot0 = GRP * lax.rem(g, 2)
        for j in range(GRP):
            r = v16[j]
            lm = lax.bitwise_and(r, jnp.int32(127))
            jv = jnp.full((16,), 0, jnp.int32) + (slot0 + j)
            lmv = jnp.full((16,), 0, jnp.int32) + lm
            lo = plsc.load_gather(blocks_v, [jv, lanes, lmv])
            hi = plsc.load_gather(blocks_v, [jv, lanes + 16, lmv])
            dst = (g * GRP + j) * OUT_DIM + lanes
            plsc.store_scatter(out_v, [dst], lo)
            plsc.store_scatter(out_v, [dst + 16], hi)
        return 0

    lax.fori_loop(0, N_GRP, group, 0, unroll=False)
    for _j in range(GRP):
        pltpu.make_async_copy(tabT_hbm.at[:, pl.ds(0, 128)],
                              blocks_v.at[0], sem).wait()

    for gblk in range(BPW // 16):
        dst = (16 * gblk + lanes) * OUT_DIM + EMBED_DIM
        plsc.store_scatter(out_v, [dst], g_v[pl.ds(16 * gblk, 16)])
        plsc.store_scatter(out_v, [dst + 1], s_v[pl.ds(16 * gblk, 16)])
        plsc.store_scatter(out_v, [dst + 2], c_v[pl.ds(16 * gblk, 16)])

    pltpu.sync_copy(out_v, out_hbm.at[pl.ds(base * OUT_DIM, BPW * OUT_DIM)])


@functools.partial(jax.jit, static_argnums=())
def kernel(species_idx, group_idx, sin_date, cos_date, species_embedding):
    mesh = plsc.VectorSubcoreMesh(core_axis_name="c", subcore_axis_name="s")
    run = pl.kernel(
        _body,
        mesh=mesh,
        compiler_params=pltpu.CompilerParams(needs_layout_passes=False),
        out_type=jax.ShapeDtypeStruct((BATCH * OUT_DIM,), jnp.float32),
        scratch_types=[
            pltpu.VMEM((BPW + 16,), jnp.int32),
            pltpu.VMEM((2 * GRP, EMBED_DIM, 128), jnp.float32),
            pltpu.VMEM((BPW,), jnp.float32),
            pltpu.VMEM((BPW,), jnp.float32),
            pltpu.VMEM((BPW,), jnp.float32),
            pltpu.VMEM((BPW * OUT_DIM,), jnp.float32),
            pltpu.SemaphoreType.DMA,
        ],
    )
    flat = run(species_idx.astype(jnp.int32), group_idx, sin_date, cos_date,
               species_embedding.T)
    return flat.reshape(BATCH, OUT_DIM)

# --- scband reference (transcript-rebuilt; emitter-appended) ---
"""Pipeline reference for scband-embedding-module-47321949667389 (READ-ONLY COPY).

The authoritative reference and input builder live on the scoring server;
editing this copy changes nothing except your own understanding.
"""

import jax, jax.numpy as jnp
import numpy as np

N_SPECIES = 1000000
EMBED_DIM = 32
BATCH = 16384

def setup_inputs(seed: int = 0) -> dict:
    key = jax.random.key(seed)
    k1, k2, k3, k4, k5 = jax.random.split(key, 5)
    species_idx = jax.random.randint(k1, (BATCH,), 0, N_SPECIES, dtype=jnp.int64 if jax.config.jax_enable_x64 else jnp.int32)
    group_idx = jax.random.uniform(k2, (BATCH,), dtype=jnp.float32)
    sin_date = jax.random.normal(k3, (BATCH,), dtype=jnp.float32)
    cos_date = jax.random.normal(k4, (BATCH,), dtype=jnp.float32)
    species_embedding = jax.random.normal(k5, (N_SPECIES, EMBED_DIM), dtype=jnp.float32) * 0.02
    return {"species_idx": species_idx, "group_idx": group_idx, "sin_date": sin_date, "cos_date": cos_date, "species_embedding": species_embedding}

def reference(species_idx, group_idx, sin_date, cos_date, species_embedding):
    species_embed = jnp.take(species_embedding, species_idx, axis=0)
    combined_embed = jnp.concatenate([
        species_embed,
        group_idx[:, None],
        sin_date[:, None],
        cos_date[:, None],
    ], axis=1).astype(jnp.float32)
    return combined_embed

if __name__ == "__main__":
    import jax
    _d = setup_inputs()
    print(jax.jit(kernel)(*tuple(_d.values())))

</pallas_src>

<mosaic_0001>
#map = affine_map<(d0, d1) -> (0)>
#map1 = affine_map<(d0, d1) -> (0, 0)>
module attributes {stable_mosaic.version = 14 : i64} {
  func.func @_body(%arg0: i32, %arg1: i32, %arg2: memref<16384xi32, #tpu.memory_space<hbm>>, %arg3: memref<16384xf32, #tpu.memory_space<hbm>>, %arg4: memref<16384xf32, #tpu.memory_space<hbm>>, %arg5: memref<16384xf32, #tpu.memory_space<hbm>>, %arg6: memref<32x1000000xf32, #tpu.memory_space<hbm>>, %arg7: memref<573440xf32, #tpu.memory_space<hbm>>, %arg8: memref<528xi32, #tpu.memory_space<vmem>>, %arg9: memref<16x32x128xf32, #tpu.memory_space<vmem>>, %arg10: memref<512xf32, #tpu.memory_space<vmem>>, %arg11: memref<512xf32, #tpu.memory_space<vmem>>, %arg12: memref<512xf32, #tpu.memory_space<vmem>>, %arg13: memref<17920xf32, #tpu.memory_space<vmem>>, %arg14: memref<!tpu.dma_semaphore, #tpu.memory_space<semaphore_mem>>) attributes {dimension_semantics = [#tpu.dimension_semantics<core_parallel>, #tpu.dimension_semantics<subcore_parallel>], iteration_bounds = array<i64: 2, 16>, scalar_prefetch = 0 : i64, scratch_operands = 7 : i64, tpu.core_type = #tpu.core_type<sc_vector_subcore>, window_params = [{transform_indices = #map}, {transform_indices = #map}, {transform_indices = #map}, {transform_indices = #map}, {transform_indices = #map1}, {transform_indices = #map}]} {
    %mul3A = arith.constant 2 : i32
    %mul3A_0 = arith.muli %arg1, %mul3A : i32
    %add3A = arith.addi %mul3A_0, %arg0 : i32
    %mul3A_1 = arith.constant 512 : i32
    %mul3A_2 = arith.muli %add3A, %mul3A_1 : i32
    "tpu.region"() ({
      %run_scoped3A = tpu.sem_alloc : memref<!tpu.dma_semaphore, #tpu.memory_space<semaphore_mem>>
      %dma_start3A_958 = arith.constant 0 : i32
      %dma_start3A_959 = tpu.memref_slice %arg8[%dma_start3A_958] : memref<528xi32, #tpu.memory_space<vmem>> -> memref<512xi32, #tpu.memory_space<vmem>>
      %dma_start3A_960 = tpu.memref_slice %arg2[%mul3A_2] : memref<16384xi32, #tpu.memory_space<hbm>> -> memref<512xi32, #tpu.memory_space<hbm>>
      %dma_start3A_961 = arith.constant 0 : i32
      %dma_start3A_962 = tpu.memref_slice %arg8[%dma_start3A_961] : memref<528xi32, #tpu.memory_space<vmem>> -> memref<512xi32, #tpu.memory_space<vmem>>
      %dma_start3A_963 = tpu.memref_slice %arg2[%mul3A_2] : memref<16384xi32, #tpu.memory_space<hbm>> -> memref<512xi32, #tpu.memory_space<hbm>>
      tpu.enqueue_dma source(%dma_start3A_963 : memref<512xi32, #tpu.memory_space<hbm>>) target(%dma_start3A_962 : memref<512xi32, #tpu.memory_space<vmem>>) target_semaphore(%run_scoped3A : memref<!tpu.dma_semaphore, #tpu.memory_space<semaphore_mem>>)
      %dma_wait3A_964 = arith.constant 0 : i32
      %dma_wait3A_965 = tpu.memref_slice %arg8[%dma_wait3A_964] : memref<528xi32, #tpu.memory_space<vmem>> -> memref<512xi32, #tpu.memory_space<vmem>>
      %dma_wait3A_966 = tpu.memref_slice %arg2[%mul3A_2] : memref<16384xi32, #tpu.memory_space<hbm>> -> memref<512xi32, #tpu.memory_space<hbm>>
      %dma_wait3A_967 = arith.constant 0 : i32
      %dma_wait3A_968 = tpu.memref_slice %arg8[%dma_wait3A_967] : memref<528xi32, #tpu.memory_space<vmem>> -> memref<512xi32, #tpu.memory_space<vmem>>
      %dma_wait3A_969 = tpu.memref_slice %arg2[%mul3A_2] : memref<16384xi32, #tpu.memory_space<hbm>> -> memref<512xi32, #tpu.memory_space<hbm>>
      tpu.wait_dma2 semaphore(%run_scoped3A : memref<!tpu.dma_semaphore, #tpu.memory_space<semaphore_mem>>) src(%dma_wait3A_969 : memref<512xi32, #tpu.memory_space<hbm>>) dst(%dma_wait3A_968 : memref<512xi32, #tpu.memory_space<vmem>>)
      tpu.yield
    }) : () -> ()
    "tpu.region"() ({
      %run_scoped3A = tpu.sem_alloc : memref<!tpu.dma_semaphore, #tpu.memory_space<semaphore_mem>>
      %dma_start3A_958 = tpu.memref_slice %arg3[%mul3A_2] : memref<16384xf32, #tpu.memory_space<hbm>> -> memref<512xf32, #tpu.memory_space<hbm>>
      %dma_start3A_959 = tpu.memref_slice %arg3[%mul3A_2] : memref<16384xf32, #tpu.memory_space<hbm>> -> memref<512xf32, #tpu.memory_space<hbm>>
      tpu.enqueue_dma source(%dma_start3A_959 : memref<512xf32, #tpu.memory_space<hbm>>) target(%arg10 : memref<512xf32, #tpu.memory_space<vmem>>) target_semaphore(%run_scoped3A : memref<!tpu.dma_semaphore, #tpu.memory_space<semaphore_mem>>)
      %dma_wait3A_960 = tpu.memref_slice %arg3[%mul3A_2] : memref<16384xf32, #tpu.memory_space<hbm>> -> memref<512xf32, #tpu.memory_space<hbm>>
      %dma_wait3A_961 = tpu.memref_slice %arg3[%mul3A_2] : memref<16384xf32, #tpu.memory_space<hbm>> -> memref<512xf32, #tpu.memory_space<hbm>>
      tpu.wait_dma2 semaphore(%run_scoped3A : memref<!tpu.dma_semaphore, #tpu.memory_space<semaphore_mem>>) src(%dma_wait3A_961 : memref<512xf32, #tpu.memory_space<hbm>>) dst(%arg10 : memref<512xf32, #tpu.memory_space<vmem>>)
      tpu.yield
    }) : () -> ()
    "tpu.region"() ({
      %run_scoped3A = tpu.sem_alloc : memref<!tpu.dma_semaphore, #tpu.memory_space<semaphore_mem>>
      %dma_start3A_958 = tpu.memref_slice %arg4[%mul3A_2] : memref<16384xf32, #tpu.memory_space<hbm>> -> memref<512xf32, #tpu.memory_space<hbm>>
      %dma_start3A_959 = tpu.memref_slice %arg4[%mul3A_2] : memref<16384xf32, #tpu.memory_space<hbm>> -> memref<512xf32, #tpu.memory_space<hbm>>
      tpu.enqueue_dma source(%dma_start3A_959 : memref<512xf32, #tpu.memory_space<hbm>>) target(%arg11 : memref<512xf32, #tpu.memory_space<vmem>>) target_semaphore(%run_scoped3A : memref<!tpu.dma_semaphore, #tpu.memory_space<semaphore_mem>>)
      %dma_wait3A_960 = tpu.memref_slice %arg4[%mul3A_2] : memref<16384xf32, #tpu.memory_space<hbm>> -> memref<512xf32, #tpu.memory_space<hbm>>
      %dma_wait3A_961 = tpu.memref_slice %arg4[%mul3A_2] : memref<16384xf32, #tpu.memory_space<hbm>> -> memref<512xf32, #tpu.memory_space<hbm>>
      tpu.wait_dma2 semaphore(%run_scoped3A : memref<!tpu.dma_semaphore, #tpu.memory_space<semaphore_mem>>) src(%dma_wait3A_961 : memref<512xf32, #tpu.memory_space<hbm>>) dst(%arg11 : memref<512xf32, #tpu.memory_space<vmem>>)
      tpu.yield
    }) : () -> ()
    "tpu.region"() ({
      %run_scoped3A = tpu.sem_alloc : memref<!tpu.dma_semaphore, #tpu.memory_space<semaphore_mem>>
      %dma_start3A_958 = tpu.memref_slice %arg5[%mul3A_2] : memref<16384xf32, #tpu.memory_space<hbm>> -> memref<512xf32, #tpu.memory_space<hbm>>
      %dma_start3A_959 = tpu.memref_slice %arg5[%mul3A_2] : memref<16384xf32, #tpu.memory_space<hbm>> -> memref<512xf32, #tpu.memory_space<hbm>>
      tpu.enqueue_dma source(%dma_start3A_959 : memref<512xf32, #tpu.memory_space<hbm>>) target(%arg12 : memref<512xf32, #tpu.memory_space<vmem>>) target_semaphore(%run_scoped3A : memref<!tpu.dma_semaphore, #tpu.memory_space<semaphore_mem>>)
      %dma_wait3A_960 = tpu.memref_slice %arg5[%mul3A_2] : memref<16384xf32, #tpu.memory_space<hbm>> -> memref<512xf32, #tpu.memory_space<hbm>>
      %dma_wait3A_961 = tpu.memref_slice %arg5[%mul3A_2] : memref<16384xf32, #tpu.memory_space<hbm>> -> memref<512xf32, #tpu.memory_space<hbm>>
      tpu.wait_dma2 semaphore(%run_scoped3A : memref<!tpu.dma_semaphore, #tpu.memory_space<semaphore_mem>>) src(%dma_wait3A_961 : memref<512xf32, #tpu.memory_space<hbm>>) dst(%arg12 : memref<512xf32, #tpu.memory_space<vmem>>)
      tpu.yield
    }) : () -> ()
    %iota3A = tpu.iota {dimensions = array<i32: 0>} : vector<16xi32>
    %get3A = arith.constant 0 : index
    %get3A_3 = tpu.vector_load %arg8[%get3A] {strides = array<i32>} : memref<528xi32, #tpu.memory_space<vmem>>, vector<16xi32>,
    %slice3A = vector.extract_strided_slice %get3A_3 {offsets = [0], sizes = [1], strides = [1]} : vector<16xi32> to vector<1xi32>
    %squeeze3A = vector.extract %slice3A[0] : i32 from vector<1xi32>
    %shift_right_logical3A = arith.constant 7 : i32
    %shift_right_logical3A_4 = arith.shrui %squeeze3A, %shift_right_logical3A : i32
    %mul3A_5 = arith.constant 128 : i32
    %mul3A_6 = arith.muli %shift_right_logical3A_4, %mul3A_5 : i32
    %multiple_of3A = tpu.assume_multiple %mul3A_6, 128 : i32
    %dma_start3A = arith.constant 0 : i32
    %dma_start3A_7 = arith.constant 0 : i32
    %dma_start3A_8 = arith.constant 0 : i32
    %dma_start3A_9 = tpu.memref_slice %arg9[%dma_start3A, %dma_start3A_7, %dma_start3A_8] : memref<16x32x128xf32, #tpu.memory_space<vmem>> -> memref<1x32x128xf32, #tpu.memory_space<vmem>>
    %dma_start3A_10 = tpu.memref_squeeze %dma_start3A_9 : memref<1x32x128xf32, #tpu.memory_space<vmem>> -> memref<32x128xf32, #tpu.memory_space<vmem>>
    %dma_start3A_11 = arith.constant 0 : i32
    %dma_start3A_12 = tpu.memref_slice %arg6[%dma_start3A_11, %multiple_of3A] : memref<32x1000000xf32, #tpu.memory_space<hbm>> -> memref<32x128xf32, #tpu.memory_space<hbm>>
    %dma_start3A_13 = arith.constant 0 : i32
    %dma_start3A_14 = arith.constant 0 : i32
    %dma_start3A_15 = tpu.memref_slice %arg9[%dma_start3A, %dma_start3A_13, %dma_start3A_14] : memref<16x32x128xf32, #tpu.memory_space<vmem>> -> memref<1x32x128xf32, #tpu.memory_space<vmem>>
    %dma_start3A_16 = tpu.memref_squeeze %dma_start3A_15 : memref<1x32x128xf32, #tpu.memory_space<vmem>> -> memref<32x128xf32, #tpu.memory_space<vmem>>
    %dma_start3A_17 = arith.constant 0 : i32
    %dma_start3A_18 = tpu.memref_slice %arg6[%dma_start3A_17, %multiple_of3A] : memref<32x1000000xf32, #tpu.memory_space<hbm>> -> memref<32x128xf32, #tpu.memory_space<hbm>>
    tpu.enqueue_dma source(%dma_start3A_18 : memref<32x128xf32, #tpu.memory_space<hbm>>) target(%dma_start3A_16 : memref<32x128xf32, #tpu.memory_space<vmem>>) target_semaphore(%arg14 : memref<!tpu.dma_semaphore, #tpu.memory_space<semaphore_mem>>)
    %slice3A_19 = vector.extract_strided_slice %get3A_3 {offsets = [1], sizes = [1], strides = [1]} : vector<16xi32> to vector<1xi32>
    %squeeze3A_20 = vector.extract %slice3A_19[0] : i32 from vector<1xi32>
    %shift_right_logical3A_21 = arith.constant 7 : i32
    %shift_right_logical3A_22 = arith.shrui %squeeze3A_20, %shift_right_logical3A_21 : i32
    %mul3A_23 = arith.constant 128 : i32
    %mul3A_24 = arith.muli %shift_right_logical3A_22, %mul3A_23 : i32
    %multiple_of3A_25 = tpu.assume_multiple %mul3A_24, 128 : i32
    %dma_start3A_26 = arith.constant 1 : i32
    %dma_start3A_27 = arith.constant 0 : i32
    %dma_start3A_28 = arith.constant 0 : i32
    %dma_start3A_29 = tpu.memref_slice %arg9[%dma_start3A_26, %dma_start3A_27, %dma_start3A_28] : memref<16x32x128xf32, #tpu.memory_space<vmem>> -> memref<1x32x128xf32, #tpu.memory_space<vmem>>
    %dma_start3A_30 = tpu.memref_squeeze %dma_start3A_29 : memref<1x32x128xf32, #tpu.memory_space<vmem>> -> memref<32x128xf32, #tpu.memory_space<vmem>>
    %dma_start3A_31 = arith.constant 0 : i32
    %dma_start3A_32 = tpu.memref_slice %arg6[%dma_start3A_31, %multiple_of3A_25] : memref<32x1000000xf32, #tpu.memory_space<hbm>> -> memref<32x128xf32, #tpu.memory_space<hbm>>
    %dma_start3A_33 = arith.constant 0 : i32
    %dma_start3A_34 = arith.constant 0 : i32
    %dma_start3A_35 = tpu.memref_slice %arg9[%dma_start3A_26, %dma_start3A_33, %dma_start3A_34] : memref<16x32x128xf32, #tpu.memory_space<vmem>> -> memref<1x32x128xf32, #tpu.memory_space<vmem>>
    %dma_start3A_36 = tpu.memref_squeeze %dma_start3A_35 : memref<1x32x128xf32, #tpu.memory_space<vmem>> -> memref<32x128xf32, #tpu.memory_space<vmem>>
    %dma_start3A_37 = arith.constant 0 : i32
    %dma_start3A_38 = tpu.memref_slice %arg6[%dma_start3A_37, %multiple_of3A_25] : memref<32x1000000xf32, #tpu.memory_space<hbm>> -> memref<32x128xf32, #tpu.memory_space<hbm>>
    tpu.enqueue_dma source(%dma_start3A_38 : memref<32x128xf32, #tpu.memory_space<hbm>>) target(%dma_start3A_36 : memref<32x128xf32, #tpu.memory_space<vmem>>) target_semaphore(%arg14 : memref<!tpu.dma_semaphore, #tpu.memory_space<semaphore_mem>>)
    %slice3A_39 = vector.extract_strided_slice %get3A_3 {offsets = [2], sizes = [1], strides = [1]} : vector<16xi32> to vector<1xi32>
    %squeeze3A_40 = vector.extract %slice3A_39[0] : i32 from vector<1xi32>
    %shift_right_logical3A_41 = arith.constant 7 : i32
    %shift_right_logical3A_42 = arith.shrui %squeeze3A_40, %shift_right_logical3A_41 : i32
    %mul3A_43 = arith.constant 128 : i32
    %mul3A_44 = arith.muli %shift_right_logical3A_42, %mul3A_43 : i32
    %multiple_of3A_45 = tpu.assume_multiple %mul3A_44, 128 : i32
    %dma_start3A_46 = arith.constant 2 : i32
    %dma_start3A_47 = arith.constant 0 : i32
    %dma_start3A_48 = arith.constant 0 : i32
    %dma_start3A_49 = tpu.memref_slice %arg9[%dma_start3A_46, %dma_start3A_47, %dma_start3A_48] : memref<16x32x128xf32, #tpu.memory_space<vmem>> -> memref<1x32x128xf32, #tpu.memory_space<vmem>>
    %dma_start3A_50 = tpu.memref_squeeze %dma_start3A_49 : memref<1x32x128xf32, #tpu.memory_space<vmem>> -> memref<32x128xf32, #tpu.memory_space<vmem>>
    %dma_start3A_51 = arith.constant 0 : i32
    %dma_start3A_52 = tpu.memref_slice %arg6[%dma_start3A_51, %multiple_of3A_45] : memref<32x1000000xf32, #tpu.memory_space<hbm>> -> memref<32x128xf32, #tpu.memory_space<hbm>>
    %dma_start3A_53 = arith.constant 0 : i32
    %dma_start3A_54 = arith.constant 0 : i32
    %dma_start3A_55 = tpu.memref_slice %arg9[%dma_start3A_46, %dma_start3A_53, %dma_start3A_54] : memref<16x32x128xf32, #tpu.memory_space<vmem>> -> memref<1x32x128xf32, #tpu.memory_space<vmem>>
    %dma_start3A_56 = tpu.memref_squeeze %dma_start3A_55 : memref<1x32x128xf32, #tpu.memory_space<vmem>> -> memref<32x128xf32, #tpu.memory_space<vmem>>
    %dma_start3A_57 = arith.constant 0 : i32
    %dma_start3A_58 = tpu.memref_slice %arg6[%dma_start3A_57, %multiple_of3A_45] : memref<32x1000000xf32, #tpu.memory_space<hbm>> -> memref<32x128xf32, #tpu.memory_space<hbm>>
    tpu.enqueue_dma source(%dma_start3A_58 : memref<32x128xf32, #tpu.memory_space<hbm>>) target(%dma_start3A_56 : memref<32x128xf32, #tpu.memory_space<vmem>>) target_semaphore(%arg14 : memref<!tpu.dma_semaphore, #tpu.memory_space<semaphore_mem>>)
    %slice3A_59 = vector.extract_strided_slice %get3A_3 {offsets = [3], sizes = [1], strides = [1]} : vector<16xi32> to vector<1xi32>
    %squeeze3A_60 = vector.extract %slice3A_59[0] : i32 from vector<1xi32>
    %shift_right_logical3A_61 = arith.constant 7 : i32
    %shift_right_logical3A_62 = arith.shrui %squeeze3A_60, %shift_right_logical3A_61 : i32
    %mul3A_63 = arith.constant 128 : i32
    %mul3A_64 = arith.muli %shift_right_logical3A_62, %mul3A_63 : i32
    %multiple_of3A_65 = tpu.assume_multiple %mul3A_64, 128 : i32
    %dma_start3A_66 = arith.constant 3 : i32
    %dma_start3A_67 = arith.constant 0 : i32
    %dma_start3A_68 = arith.constant 0 : i32
    %dma_start3A_69 = tpu.memref_slice %arg9[%dma_start3A_66, %dma_start3A_67, %dma_start3A_68] : memref<16x32x128xf32, #tpu.memory_space<vmem>> -> memref<1x32x128xf32, #tpu.memory_space<vmem>>
    %dma_start3A_70 = tpu.memref_squeeze %dma_start3A_69 : memref<1x32x128xf32, #tpu.memory_space<vmem>> -> memref<32x128xf32, #tpu.memory_space<vmem>>
    %dma_start3A_71 = arith.constant 0 : i32
    %dma_start3A_72 = tpu.memref_slice %arg6[%dma_start3A_71, %multiple_of3A_65] : memref<32x1000000xf32, #tpu.memory_space<hbm>> -> memref<32x128xf32, #tpu.memory_space<hbm>>
    %dma_start3A_73 = arith.constant 0 : i32
    %dma_start3A_74 = arith.constant 0 : i32
    %dma_start3A_75 = tpu.memref_slice %arg9[%dma_start3A_66, %dma_start3A_73, %dma_start3A_74] : memref<16x32x128xf32, #tpu.memory_space<vmem>> -> memref<1x32x128xf32, #tpu.memory_space<vmem>>
    %dma_start3A_76 = tpu.memref_squeeze %dma_start3A_75 : memref<1x32x128xf32, #tpu.memory_space<vmem>> -> memref<32x128xf32, #tpu.memory_space<vmem>>
    %dma_start3A_77 = arith.constant 0 : i32
    %dma_start3A_78 = tpu.memref_slice %arg6[%dma_start3A_77, %multiple_of3A_65] : memref<32x1000000xf32, #tpu.memory_space<hbm>> -> memref<32x128xf32, #tpu.memory_space<hbm>>
    tpu.enqueue_dma source(%dma_start3A_78 : memref<32x128xf32, #tpu.memory_space<hbm>>) target(%dma_start3A_76 : memref<32x128xf32, #tpu.memory_space<vmem>>) target_semaphore(%arg14 : memref<!tpu.dma_semaphore, #tpu.memory_space<semaphore_mem>>)
    %slice3A_79 = vector.extract_strided_slice %get3A_3 {offsets = [4], sizes = [1], strides = [1]} : vector<16xi32> to vector<1xi32>
    %squeeze3A_80 = vector.extract %slice3A_79[0] : i32 from vector<1xi32>
    %shift_right_logical3A_81 = arith.constant 7 : i32
    %shift_right_logical3A_82 = arith.shrui %squeeze3A_80, %shift_right_logical3A_81 : i32
    %mul3A_83 = arith.constant 128 : i32
    %mul3A_84 = arith.muli %shift_right_logical3A_82, %mul3A_83 : i32
    %multiple_of3A_85 = tpu.assume_multiple %mul3A_84, 128 : i32
    %dma_start3A_86 = arith.constant 4 : i32
    %dma_start3A_87 = arith.constant 0 : i32
    %dma_start3A_88 = arith.constant 0 : i32
    %dma_start3A_89 = tpu.memref_slice %arg9[%dma_start3A_86, %dma_start3A_87, %dma_start3A_88] : memref<16x32x128xf32, #tpu.memory_space<vmem>> -> memref<1x32x128xf32, #tpu.memory_space<vmem>>
    %dma_start3A_90 = tpu.memref_squeeze %dma_start3A_89 : memref<1x32x128xf32, #tpu.memory_space<vmem>> -> memref<32x128xf32, #tpu.memory_space<vmem>>
    %dma_start3A_91 = arith.constant 0 : i32
    %dma_start3A_92 = tpu.memref_slice %arg6[%dma_start3A_91, %multiple_of3A_85] : memref<32x1000000xf32, #tpu.memory_space<hbm>> -> memref<32x128xf32, #tpu.memory_space<hbm>>
    %dma_start3A_93 = arith.constant 0 : i32
    %dma_start3A_94 = arith.constant 0 : i32
    %dma_start3A_95 = tpu.memref_slice %arg9[%dma_start3A_86, %dma_start3A_93, %dma_start3A_94] : memref<16x32x128xf32, #tpu.memory_space<vmem>> -> memref<1x32x128xf32, #tpu.memory_space<vmem>>
    %dma_start3A_96 = tpu.memref_squeeze %dma_start3A_95 : memref<1x32x128xf32, #tpu.memory_space<vmem>> -> memref<32x128xf32, #tpu.memory_space<vmem>>
    %dma_start3A_97 = arith.constant 0 : i32
    %dma_start3A_98 = tpu.memref_slice %arg6[%dma_start3A_97, %multiple_of3A_85] : memref<32x1000000xf32, #tpu.memory_space<hbm>> -> memref<32x128xf32, #tpu.memory_space<hbm>>
    tpu.enqueue_dma source(%dma_start3A_98 : memref<32x128xf32, #tpu.memory_space<hbm>>) target(%dma_start3A_96 : memref<32x128xf32, #tpu.memory_space<vmem>>) target_semaphore(%arg14 : memref<!tpu.dma_semaphore, #tpu.memory_space<semaphore_mem>>)
    %slice3A_99 = vector.extract_strided_slice %get3A_3 {offsets = [5], sizes = [1], strides = [1]} : vector<16xi32> to vector<1xi32>
    %squeeze3A_100 = vector.extract %slice3A_99[0] : i32 from vector<1xi32>
    %shift_right_logical3A_101 = arith.constant 7 : i32
    %shift_right_logical3A_102 = arith.shrui %squeeze3A_100, %shift_right_logical3A_101 : i32
    %mul3A_103 = arith.constant 128 : i32
    %mul3A_104 = arith.muli %shift_right_logical3A_102, %mul3A_103 : i32
    %multiple_of3A_105 = tpu.assume_multiple %mul3A_104, 128 : i32
    %dma_start3A_106 = arith.constant 5 : i32
    %dma_start3A_107 = arith.constant 0 : i32
    %dma_start3A_108 = arith.constant 0 : i32
    %dma_start3A_109 = tpu.memref_slice %arg9[%dma_start3A_106, %dma_start3A_107, %dma_start3A_108] : memref<16x32x128xf32, #tpu.memory_space<vmem>> -> memref<1x32x128xf32, #tpu.memory_space<vmem>>
    %dma_start3A_110 = tpu.memref_squeeze %dma_start3A_109 : memref<1x32x128xf32, #tpu.memory_space<vmem>> -> memref<32x128xf32, #tpu.memory_space<vmem>>
    %dma_start3A_111 = arith.constant 0 : i32
    %dma_start3A_112 = tpu.memref_slice %arg6[%dma_start3A_111, %multiple_of3A_105] : memref<32x1000000xf32, #tpu.memory_space<hbm>> -> memref<32x128xf32, #tpu.memory_space<hbm>>
    %dma_start3A_113 = arith.constant 0 : i32
    %dma_start3A_114 = arith.constant 0 : i32
    %dma_start3A_115 = tpu.memref_slice %arg9[%dma_start3A_106, %dma_start3A_113, %dma_start3A_114] : memref<16x32x128xf32, #tpu.memory_space<vmem>> -> memref<1x32x128xf32, #tpu.memory_space<vmem>>
    %dma_start3A_116 = tpu.memref_squeeze %dma_start3A_115 : memref<1x32x128xf32, #tpu.memory_space<vmem>> -> memref<32x128xf32, #tpu.memory_space<vmem>>
    %dma_start3A_117 = arith.constant 0 : i32
    %dma_start3A_118 = tpu.memref_slice %arg6[%dma_start3A_117, %multiple_of3A_105] : memref<32x1000000xf32, #tpu.memory_space<hbm>> -> memref<32x128xf32, #tpu.memory_space<hbm>>
    tpu.enqueue_dma source(%dma_start3A_118 : memref<32x128xf32, #tpu.memory_space<hbm>>) target(%dma_start3A_116 : memref<32x128xf32, #tpu.memory_space<vmem>>) target_semaphore(%arg14 : memref<!tpu.dma_semaphore, #tpu.memory_space<semaphore_mem>>)
    %slice3A_119 = vector.extract_strided_slice %get3A_3 {offsets = [6], sizes = [1], strides = [1]} : vector<16xi32> to vector<1xi32>
    %squeeze3A_120 = vector.extract %slice3A_119[0] : i32 from vector<1xi32>
    %shift_right_logical3A_121 = arith.constant 7 : i32
    %shift_right_logical3A_122 = arith.shrui %squeeze3A_120, %shift_right_logical3A_121 : i32
    %mul3A_123 = arith.constant 128 : i32
    %mul3A_124 = arith.muli %shift_right_logical3A_122, %mul3A_123 : i32
    %multiple_of3A_125 = tpu.assume_multiple %mul3A_124, 128 : i32
    %dma_start3A_126 = arith.constant 6 : i32
    %dma_start3A_127 = arith.constant 0 : i32
    %dma_start3A_128 = arith.constant 0 : i32
    %dma_start3A_129 = tpu.memref_slice %arg9[%dma_start3A_126, %dma_start3A_127, %dma_start3A_128] : memref<16x32x128xf32, #tpu.memory_space<vmem>> -> memref<1x32x128xf32, #tpu.memory_space<vmem>>
    %dma_start3A_130 = tpu.memref_squeeze %dma_start3A_129 : memref<1x32x128xf32, #tpu.memory_space<vmem>> -> memref<32x128xf32, #tpu.memory_space<vmem>>
    %dma_start3A_131 = arith.constant 0 : i32
    %dma_start3A_132 = tpu.memref_slice %arg6[%dma_start3A_131, %multiple_of3A_125] : memref<32x1000000xf32, #tpu.memory_space<hbm>> -> memref<32x128xf32, #tpu.memory_space<hbm>>
    %dma_start3A_133 = arith.constant 0 : i32
    %dma_start3A_134 = arith.constant 0 : i32
    %dma_start3A_135 = tpu.memref_slice %arg9[%dma_start3A_126, %dma_start3A_133, %dma_start3A_134] : memref<16x32x128xf32, #tpu.memory_space<vmem>> -> memref<1x32x128xf32, #tpu.memory_space<vmem>>
    %dma_start3A_136 = tpu.memref_squeeze %dma_start3A_135 : memref<1x32x128xf32, #tpu.memory_space<vmem>> -> memref<32x128xf32, #tpu.memory_space<vmem>>
    %dma_start3A_137 = arith.constant 0 : i32
    %dma_start3A_138 = tpu.memref_slice %arg6[%dma_start3A_137, %multiple_of3A_125] : memref<32x1000000xf32, #tpu.memory_space<hbm>> -> memref<32x128xf32, #tpu.memory_space<hbm>>
    tpu.enqueue_dma source(%dma_start3A_138 : memref<32x128xf32, #tpu.memory_space<hbm>>) target(%dma_start3A_136 : memref<32x128xf32, #tpu.memory_space<vmem>>) target_semaphore(%arg14 : memref<!tpu.dma_semaphore, #tpu.memory_space<semaphore_mem>>)
    %slice3A_139 = vector.extract_strided_slice %get3A_3 {offsets = [7], sizes = [1], strides = [1]} : vector<16xi32> to vector<1xi32>
    %squeeze3A_140 = vector.extract %slice3A_139[0] : i32 from vector<1xi32>
    %shift_right_logical3A_141 = arith.constant 7 : i32
    %shift_right_logical3A_142 = arith.shrui %squeeze3A_140, %shift_right_logical3A_141 : i32
    %mul3A_143 = arith.constant 128 : i32
    %mul3A_144 = arith.muli %shift_right_logical3A_142, %mul3A_143 : i32
    %multiple_of3A_145 = tpu.assume_multiple %mul3A_144, 128 : i32
    %dma_start3A_146 = arith.constant 7 : i32
    %dma_start3A_147 = arith.constant 0 : i32
    %dma_start3A_148 = arith.constant 0 : i32
    %dma_start3A_149 = tpu.memref_slice %arg9[%dma_start3A_146, %dma_start3A_147, %dma_start3A_148] : memref<16x32x128xf32, #tpu.memory_space<vmem>> -> memref<1x32x128xf32, #tpu.memory_space<vmem>>
    %dma_start3A_150 = tpu.memref_squeeze %dma_start3A_149 : memref<1x32x128xf32, #tpu.memory_space<vmem>> -> memref<32x128xf32, #tpu.memory_space<vmem>>
    %dma_start3A_151 = arith.constant 0 : i32
    %dma_start3A_152 = tpu.memref_slice %arg6[%dma_start3A_151, %multiple_of3A_145] : memref<32x1000000xf32, #tpu.memory_space<hbm>> -> memref<32x128xf32, #tpu.memory_space<hbm>>
    %dma_start3A_153 = arith.constant 0 : i32
    %dma_start3A_154 = arith.constant 0 : i32
    %dma_start3A_155 = tpu.memref_slice %arg9[%dma_start3A_146, %dma_start3A_153, %dma_start3A_154] : memref<16x32x128xf32, #tpu.memory_space<vmem>> -> memref<1x32x128xf32, #tpu.memory_space<vmem>>
    %dma_start3A_156 = tpu.memref_squeeze %dma_start3A_155 : memref<1x32x128xf32, #tpu.memory_space<vmem>> -> memref<32x128xf32, #tpu.memory_space<vmem>>
    %dma_start3A_157 = arith.constant 0 : i32
    %dma_start3A_158 = tpu.memref_slice %arg6[%dma_start3A_157, %multiple_of3A_145] : memref<32x1000000xf32, #tpu.memory_space<hbm>> -> memref<32x128xf32, #tpu.memory_space<hbm>>
    tpu.enqueue_dma source(%dma_start3A_158 : memref<32x128xf32, #tpu.memory_space<hbm>>) target(%dma_start3A_156 : memref<32x128xf32, #tpu.memory_space<vmem>>) target_semaphore(%arg14 : memref<!tpu.dma_semaphore, #tpu.memory_space<semaphore_mem>>)
    %scan3A = arith.constant 0 : i32
    %scan3A_159 = arith.constant 0 : i32
    %scan3A_160 = arith.constant 64 : i32
    %scan3A_161 = arith.addi %scan3A_159, %scan3A_160 : i32
    %scan3A_162 = arith.constant 1 : i32
    %scan3A_163 = scf.for %scan3A_958 = %scan3A_159 to %scan3A_161 step %scan3A_162 iter_args(%scan3A_959 = %scan3A) -> (i32)  : i32 {
      %add3A_960 = arith.constant 1 : i32
      %add3A_961 = arith.addi %scan3A_958, %add3A_960 : i32
      %min3A = arith.constant 63 : i32
      %min3A_962 = arith.minsi %add3A_961, %min3A : i32
      %mul3A_963 = arith.constant 8 : i32
      %mul3A_964 = arith.muli %min3A_962, %mul3A_963 : i32
      %get3A_965 = arith.index_cast %mul3A_964 : i32 to index
      %get3A_966 = tpu.vector_load %arg8[%get3A_965] {strides = array<i32>} : memref<528xi32, #tpu.memory_space<vmem>>, vector<16xi32>,
      %add3A_967 = arith.constant 1 : i32
      %add3A_968 = arith.addi %scan3A_958, %add3A_967 : i32
      %rem3A = arith.constant 2 : i32
      %rem3A_969 = arith.remsi %add3A_968, %rem3A : i32
      %mul3A_970 = arith.constant 8 : i32
      %mul3A_971 = arith.muli %mul3A_970, %rem3A_969 : i32
      %slice3A_972 = vector.extract_strided_slice %get3A_966 {offsets = [0], sizes = [1], strides = [1]} : vector<16xi32> to vector<1xi32>
      %squeeze3A_973 = vector.extract %slice3A_972[0] : i32 from vector<1xi32>
      %shift_right_logical3A_974 = arith.constant 7 : i32
      %shift_right_logical3A_975 = arith.shrui %squeeze3A_973, %shift_right_logical3A_974 : i32
      %mul3A_976 = arith.constant 128 : i32
      %mul3A_977 = arith.muli %shift_right_logical3A_975, %mul3A_976 : i32
      %multiple_of3A_978 = tpu.assume_multiple %mul3A_977, 128 : i32
      %add3A_979 = arith.constant 0 : i32
      %add3A_980 = arith.addi %mul3A_971, %add3A_979 : i32
      %dma_start3A_981 = arith.constant 0 : i32
      %dma_start3A_982 = arith.constant 0 : i32
      %dma_start3A_983 = tpu.memref_slice %arg9[%add3A_980, %dma_start3A_981, %dma_start3A_982] : memref<16x32x128xf32, #tpu.memory_space<vmem>> -> memref<1x32x128xf32, #tpu.memory_space<vmem>>
      %dma_start3A_984 = tpu.memref_squeeze %dma_start3A_983 : memref<1x32x128xf32, #tpu.memory_space<vmem>> -> memref<32x128xf32, #tpu.memory_space<vmem>>
      %dma_start3A_985 = arith.constant 0 : i32
      %dma_start3A_986 = tpu.memref_slice %arg6[%dma_start3A_985, %multiple_of3A_978] : memref<32x1000000xf32, #tpu.memory_space<hbm>> -> memref<32x128xf32, #tpu.memory_space<hbm>>
      %dma_start3A_987 = arith.constant 0 : i32
      %dma_start3A_988 = arith.constant 0 : i32
      %dma_start3A_989 = tpu.memref_slice %arg9[%add3A_980, %dma_start3A_987, %dma_start3A_988] : memref<16x32x128xf32, #tpu.memory_space<vmem>> -> memref<1x32x128xf32, #tpu.memory_space<vmem>>
      %dma_start3A_990 = tpu.memref_squeeze %dma_start3A_989 : memref<1x32x128xf32, #tpu.memory_space<vmem>> -> memref<32x128xf32, #tpu.memory_space<vmem>>
      %dma_start3A_991 = arith.constant 0 : i32
      %dma_start3A_992 = tpu.memref_slice %arg6[%dma_start3A_991, %multiple_of3A_978] : memref<32x1000000xf32, #tpu.memory_space<hbm>> -> memref<32x128xf32, #tpu.memory_space<hbm>>
      tpu.enqueue_dma source(%dma_start3A_992 : memref<32x128xf32, #tpu.memory_space<hbm>>) target(%dma_start3A_990 : memref<32x128xf32, #tpu.memory_space<vmem>>) target_semaphore(%arg14 : memref<!tpu.dma_semaphore, #tpu.memory_space<semaphore_mem>>)
      %slice3A_993 = vector.extract_strided_slice %get3A_966 {offsets = [1], sizes = [1], strides = [1]} : vector<16xi32> to vector<1xi32>
      %squeeze3A_994 = vector.extract %slice3A_993[0] : i32 from vector<1xi32>
      %shift_right_logical3A_995 = arith.constant 7 : i32
      %shift_right_logical3A_996 = arith.shrui %squeeze3A_994, %shift_right_logical3A_995 : i32
      %mul3A_997 = arith.constant 128 : i32
      %mul3A_998 = arith.muli %shift_right_logical3A_996, %mul3A_997 : i32
      %multiple_of3A_999 = tpu.assume_multiple %mul3A_998, 128 : i32
      %add3A_1000 = arith.constant 1 : i32
      %add3A_1001 = arith.addi %mul3A_971, %add3A_1000 : i32
      %dma_start3A_1002 = arith.constant 0 : i32
      %dma_start3A_1003 = arith.constant 0 : i32
      %dma_start3A_1004 = tpu.memref_slice %arg9[%add3A_1001, %dma_start3A_1002, %dma_start3A_1003] : memref<16x32x128xf32, #tpu.memory_space<vmem>> -> memref<1x32x128xf32, #tpu.memory_space<vmem>>
      %dma_start3A_1005 = tpu.memref_squeeze %dma_start3A_1004 : memref<1x32x128xf32, #tpu.memory_space<vmem>> -> memref<32x128xf32, #tpu.memory_space<vmem>>
      %dma_start3A_1006 = arith.constant 0 : i32
      %dma_start3A_1007 = tpu.memref_slice %arg6[%dma_start3A_1006, %multiple_of3A_999] : memref<32x1000000xf32, #tpu.memory_space<hbm>> -> memref<32x128xf32, #tpu.memory_space<hbm>>
      %dma_start3A_1008 = arith.constant 0 : i32
      %dma_start3A_1009 = arith.constant 0 : i32
      %dma_start3A_1010 = tpu.memref_slice %arg9[%add3A_1001, %dma_start3A_1008, %dma_start3A_1009] : memref<16x32x128xf32, #tpu.memory_space<vmem>> -> memref<1x32x128xf32, #tpu.memory_space<vmem>>
      %dma_start3A_1011 = tpu.memref_squeeze %dma_start3A_1010 : memref<1x32x128xf32, #tpu.memory_space<vmem>> -> memref<32x128xf32, #tpu.memory_space<vmem>>
      %dma_start3A_1012 = arith.constant 0 : i32
      %dma_start3A_1013 = tpu.memref_slice %arg6[%dma_start3A_1012, %multiple_of3A_999] : memref<32x1000000xf32, #tpu.memory_space<hbm>> -> memref<32x128xf32, #tpu.memory_space<hbm>>
      tpu.enqueue_dma source(%dma_start3A_1013 : memref<32x128xf32, #tpu.memory_space<hbm>>) target(%dma_start3A_1011 : memref<32x128xf32, #tpu.memory_space<vmem>>) target_semaphore(%arg14 : memref<!tpu.dma_semaphore, #tpu.memory_space<semaphore_mem>>)
      %slice3A_1014 = vector.extract_strided_slice %get3A_966 {offsets = [2], sizes = [1], strides = [1]} : vector<16xi32> to vector<1xi32>
      %squeeze3A_1015 = vector.extract %slice3A_1014[0] : i32 from vector<1xi32>
      %shift_right_logical3A_1016 = arith.constant 7 : i32
      %shift_right_logical3A_1017 = arith.shrui %squeeze3A_1015, %shift_right_logical3A_1016 : i32
      %mul3A_1018 = arith.constant 128 : i32
      %mul3A_1019 = arith.muli %shift_right_logical3A_1017, %mul3A_1018 : i32
      %multiple_of3A_1020 = tpu.assume_multiple %mul3A_1019, 128 : i32
      %add3A_1021 = arith.constant 2 : i32
      %add3A_1022 = arith.addi %mul3A_971, %add3A_1021 : i32
      %dma_start3A_1023 = arith.constant 0 : i32
      %dma_start3A_1024 = arith.constant 0 : i32
      %dma_start3A_1025 = tpu.memref_slice %arg9[%add3A_1022, %dma_start3A_1023, %dma_start3A_1024] : memref<16x32x128xf32, #tpu.memory_space<vmem>> -> memref<1x32x128xf32, #tpu.memory_space<vmem>>
      %dma_start3A_1026 = tpu.memref_squeeze %dma_start3A_1025 : memref<1x32x128xf32, #tpu.memory_space<vmem>> -> memref<32x128xf32, #tpu.memory_space<vmem>>
      %dma_start3A_1027 = arith.constant 0 : i32
      %dma_start3A_1028 = tpu.memref_slice %arg6[%dma_start3A_1027, %multiple_of3A_1020] : memref<32x1000000xf32, #tpu.memory_space<hbm>> -> memref<32x128xf32, #tpu.memory_space<hbm>>
      %dma_start3A_1029 = arith.constant 0 : i32
      %dma_start3A_1030 = arith.constant 0 : i32
      %dma_start3A_1031 = tpu.memref_slice %arg9[%add3A_1022, %dma_start3A_1029, %dma_start3A_1030] : memref<16x32x128xf32, #tpu.memory_space<vmem>> -> memref<1x32x128xf32, #tpu.memory_space<vmem>>
      %dma_start3A_1032 = tpu.memref_squeeze %dma_start3A_1031 : memref<1x32x128xf32, #tpu.memory_space<vmem>> -> memref<32x128xf32, #tpu.memory_space<vmem>>
      %dma_start3A_1033 = arith.constant 0 : i32
      %dma_start3A_1034 = tpu.memref_slice %arg6[%dma_start3A_1033, %multiple_of3A_1020] : memref<32x1000000xf32, #tpu.memory_space<hbm>> -> memref<32x128xf32, #tpu.memory_space<hbm>>
      tpu.enqueue_dma source(%dma_start3A_1034 : memref<32x128xf32, #tpu.memory_space<hbm>>) target(%dma_start3A_1032 : memref<32x128xf32, #tpu.memory_space<vmem>>) target_semaphore(%arg14 : memref<!tpu.dma_semaphore, #tpu.memory_space<semaphore_mem>>)
      %slice3A_1035 = vector.extract_strided_slice %get3A_966 {offsets = [3], sizes = [1], strides = [1]} : vector<16xi32> to vector<1xi32>
      %squeeze3A_1036 = vector.extract %slice3A_1035[0] : i32 from vector<1xi32>
      %shift_right_logical3A_1037 = arith.constant 7 : i32
      %shift_right_logical3A_1038 = arith.shrui %squeeze3A_1036, %shift_right_logical3A_1037 : i32
      %mul3A_1039 = arith.constant 128 : i32
      %mul3A_1040 = arith.muli %shift_right_logical3A_1038, %mul3A_1039 : i32
      %multiple_of3A_1041 = tpu.assume_multiple %mul3A_1040, 128 : i32
      %add3A_1042 = arith.constant 3 : i32
      %add3A_1043 = arith.addi %mul3A_971, %add3A_1042 : i32
      %dma_start3A_1044 = arith.constant 0 : i32
      %dma_start3A_1045 = arith.constant 0 : i32
      %dma_start3A_1046 = tpu.memref_slice %arg9[%add3A_1043, %dma_start3A_1044, %dma_start3A_1045] : memref<16x32x128xf32, #tpu.memory_space<vmem>> -> memref<1x32x128xf32, #tpu.memory_space<vmem>>
      %dma_start3A_1047 = tpu.memref_squeeze %dma_start3A_1046 : memref<1x32x128xf32, #tpu.memory_space<vmem>> -> memref<32x128xf32, #tpu.memory_space<vmem>>
      %dma_start3A_1048 = arith.constant 0 : i32
      %dma_start3A_1049 = tpu.memref_slice %arg6[%dma_start3A_1048, %multiple_of3A_1041] : memref<32x1000000xf32, #tpu.memory_space<hbm>> -> memref<32x128xf32, #tpu.memory_space<hbm>>
      %dma_start3A_1050 = arith.constant 0 : i32
      %dma_start3A_1051 = arith.constant 0 : i32
      %dma_start3A_1052 = tpu.memref_slice %arg9[%add3A_1043, %dma_start3A_1050, %dma_start3A_1051] : memref<16x32x128xf32, #tpu.memory_space<vmem>> -> memref<1x32x128xf32, #tpu.memory_space<vmem>>
      %dma_start3A_1053 = tpu.memref_squeeze %dma_start3A_1052 : memref<1x32x128xf32, #tpu.memory_space<vmem>> -> memref<32x128xf32, #tpu.memory_space<vmem>>
      %dma_start3A_1054 = arith.constant 0 : i32
      %dma_start3A_1055 = tpu.memref_slice %arg6[%dma_start3A_1054, %multiple_of3A_1041] : memref<32x1000000xf32, #tpu.memory_space<hbm>> -> memref<32x128xf32, #tpu.memory_space<hbm>>
      tpu.enqueue_dma source(%dma_start3A_1055 : memref<32x128xf32, #tpu.memory_space<hbm>>) target(%dma_start3A_1053 : memref<32x128xf32, #tpu.memory_space<vmem>>) target_semaphore(%arg14 : memref<!tpu.dma_semaphore, #tpu.memory_space<semaphore_mem>>)
      %slice3A_1056 = vector.extract_strided_slice %get3A_966 {offsets = [4], sizes = [1], strides = [1]} : vector<16xi32> to vector<1xi32>
      %squeeze3A_1057 = vector.extract %slice3A_1056[0] : i32 from vector<1xi32>
      %shift_right_logical3A_1058 = arith.constant 7 : i32
      %shift_right_logical3A_1059 = arith.shrui %squeeze3A_1057, %shift_right_logical3A_1058 : i32
      %mul3A_1060 = arith.constant 128 : i32
      %mul3A_1061 = arith.muli %shift_right_logical3A_1059, %mul3A_1060 : i32
      %multiple_of3A_1062 = tpu.assume_multiple %mul3A_1061, 128 : i32
      %add3A_1063 = arith.constant 4 : i32
      %add3A_1064 = arith.addi %mul3A_971, %add3A_1063 : i32
      %dma_start3A_1065 = arith.constant 0 : i32
      %dma_start3A_1066 = arith.constant 0 : i32
      %dma_start3A_1067 = tpu.memref_slice %arg9[%add3A_1064, %dma_start3A_1065, %dma_start3A_1066] : memref<16x32x128xf32, #tpu.memory_space<vmem>> -> memref<1x32x128xf32, #tpu.memory_space<vmem>>
      %dma_start3A_1068 = tpu.memref_squeeze %dma_start3A_1067 : memref<1x32x128xf32, #tpu.memory_space<vmem>> -> memref<32x128xf32, #tpu.memory_space<vmem>>
      %dma_start3A_1069 = arith.constant 0 : i32
      %dma_start3A_1070 = tpu.memref_slice %arg6[%dma_start3A_1069, %multiple_of3A_1062] : memref<32x1000000xf32, #tpu.memory_space<hbm>> -> memref<32x128xf32, #tpu.memory_space<hbm>>
      %dma_start3A_1071 = arith.constant 0 : i32
      %dma_start3A_1072 = arith.constant 0 : i32
      %dma_start3A_1073 = tpu.memref_slice %arg9[%add3A_1064, %dma_start3A_1071, %dma_start3A_1072] : memref<16x32x128xf32, #tpu.memory_space<vmem>> -> memref<1x32x128xf32, #tpu.memory_space<vmem>>
      %dma_start3A_1074 = tpu.memref_squeeze %dma_start3A_1073 : memref<1x32x128xf32, #tpu.memory_space<vmem>> -> memref<32x128xf32, #tpu.memory_space<vmem>>
      %dma_start3A_1075 = arith.constant 0 : i32
      %dma_start3A_1076 = tpu.memref_slice %arg6[%dma_start3A_1075, %multiple_of3A_1062] : memref<32x1000000xf32, #tpu.memory_space<hbm>> -> memref<32x128xf32, #tpu.memory_space<hbm>>
      tpu.enqueue_dma source(%dma_start3A_1076 : memref<32x128xf32, #tpu.memory_space<hbm>>) target(%dma_start3A_1074 : memref<32x128xf32, #tpu.memory_space<vmem>>) target_semaphore(%arg14 : memref<!tpu.dma_semaphore, #tpu.memory_space<semaphore_mem>>)
      %slice3A_1077 = vector.extract_strided_slice %get3A_966 {offsets = [5], sizes = [1], strides = [1]} : vector<16xi32> to vector<1xi32>
      %squeeze3A_1078 = vector.extract %slice3A_1077[0] : i32 from vector<1xi32>
      %shift_right_logical3A_1079 = arith.constant 7 : i32
      %shift_right_logical3A_1080 = arith.shrui %squeeze3A_1078, %shift_right_logical3A_1079 : i32
      %mul3A_1081 = arith.constant 128 : i32
      %mul3A_1082 = arith.muli %shift_right_logical3A_1080, %mul3A_1081 : i32
      %multiple_of3A_1083 = tpu.assume_multiple %mul3A_1082, 128 : i32
      %add3A_1084 = arith.constant 5 : i32
      %add3A_1085 = arith.addi %mul3A_971, %add3A_1084 : i32
      %dma_start3A_1086 = arith.constant 0 : i32
      %dma_start3A_1087 = arith.constant 0 : i32
      %dma_start3A_1088 = tpu.memref_slice %arg9[%add3A_1085, %dma_start3A_1086, %dma_start3A_1087] : memref<16x32x128xf32, #tpu.memory_space<vmem>> -> memref<1x32x128xf32, #tpu.memory_space<vmem>>
      %dma_start3A_1089 = tpu.memref_squeeze %dma_start3A_1088 : memref<1x32x128xf32, #tpu.memory_space<vmem>> -> memref<32x128xf32, #tpu.memory_space<vmem>>
      %dma_start3A_1090 = arith.constant 0 : i32
      %dma_start3A_1091 = tpu.memref_slice %arg6[%dma_start3A_1090, %multiple_of3A_1083] : memref<32x1000000xf32, #tpu.memory_space<hbm>> -> memref<32x128xf32, #tpu.memory_space<hbm>>
      %dma_start3A_1092 = arith.constant 0 : i32
      %dma_start3A_1093 = arith.constant 0 : i32
      %dma_start3A_1094 = tpu.memref_slice %arg9[%add3A_1085, %dma_start3A_1092, %dma_start3A_1093] : memref<16x32x128xf32, #tpu.memory_space<vmem>> -> memref<1x32x128xf32, #tpu.memory_space<vmem>>
      %dma_start3A_1095 = tpu.memref_squeeze %dma_start3A_1094 : memref<1x32x128xf32, #tpu.memory_space<vmem>> -> memref<32x128xf32, #tpu.memory_space<vmem>>
      %dma_start3A_1096 = arith.constant 0 : i32
      %dma_start3A_1097 = tpu.memref_slice %arg6[%dma_start3A_1096, %multiple_of3A_1083] : memref<32x1000000xf32, #tpu.memory_space<hbm>> -> memref<32x128xf32, #tpu.memory_space<hbm>>
      tpu.enqueue_dma source(%dma_start3A_1097 : memref<32x128xf32, #tpu.memory_space<hbm>>) target(%dma_start3A_1095 : memref<32x128xf32, #tpu.memory_space<vmem>>) target_semaphore(%arg14 : memref<!tpu.dma_semaphore, #tpu.memory_space<semaphore_mem>>)
      %slice3A_1098 = vector.extract_strided_slice %get3A_966 {offsets = [6], sizes = [1], strides = [1]} : vector<16xi32> to vector<1xi32>
      %squeeze3A_1099 = vector.extract %slice3A_1098[0] : i32 from vector<1xi32>
      %shift_right_logical3A_1100 = arith.constant 7 : i32
      %shift_right_logical3A_1101 = arith.shrui %squeeze3A_1099, %shift_right_logical3A_1100 : i32
      %mul3A_1102 = arith.constant 128 : i32
      %mul3A_1103 = arith.muli %shift_right_logical3A_1101, %mul3A_1102 : i32
      %multiple_of3A_1104 = tpu.assume_multiple %mul3A_1103, 128 : i32
      %add3A_1105 = arith.constant 6 : i32
      %add3A_1106 = arith.addi %mul3A_971, %add3A_1105 : i32
      %dma_start3A_1107 = arith.constant 0 : i32
      %dma_start3A_1108 = arith.constant 0 : i32
      %dma_start3A_1109 = tpu.memref_slice %arg9[%add3A_1106, %dma_start3A_1107, %dma_start3A_1108] : memref<16x32x128xf32, #tpu.memory_space<vmem>> -> memref<1x32x128xf32, #tpu.memory_space<vmem>>
      %dma_start3A_1110 = tpu.memref_squeeze %dma_start3A_1109 : memref<1x32x128xf32, #tpu.memory_space<vmem>> -> memref<32x128xf32, #tpu.memory_space<vmem>>
      %dma_start3A_1111 = arith.constant 0 : i32
      %dma_start3A_1112 = tpu.memref_slice %arg6[%dma_start3A_1111, %multiple_of3A_1104] : memref<32x1000000xf32, #tpu.memory_space<hbm>> -> memref<32x128xf32, #tpu.memory_space<hbm>>
      %dma_start3A_1113 = arith.constant 0 : i32
      %dma_start3A_1114 = arith.constant 0 : i32
      %dma_start3A_1115 = tpu.memref_slice %arg9[%add3A_1106, %dma_start3A_1113, %dma_start3A_1114] : memref<16x32x128xf32, #tpu.memory_space<vmem>> -> memref<1x32x128xf32, #tpu.memory_space<vmem>>
      %dma_start3A_1116 = tpu.memref_squeeze %dma_start3A_1115 : memref<1x32x128xf32, #tpu.memory_space<vmem>> -> memref<32x128xf32, #tpu.memory_space<vmem>>
      %dma_start3A_1117 = arith.constant 0 : i32
      %dma_start3A_1118 = tpu.memref_slice %arg6[%dma_start3A_1117, %multiple_of3A_1104] : memref<32x1000000xf32, #tpu.memory_space<hbm>> -> memref<32x128xf32, #tpu.memory_space<hbm>>
      tpu.enqueue_dma source(%dma_start3A_1118 : memref<32x128xf32, #tpu.memory_space<hbm>>) target(%dma_start3A_1116 : memref<32x128xf32, #tpu.memory_space<vmem>>) target_semaphore(%arg14 : memref<!tpu.dma_semaphore, #tpu.memory_space<semaphore_mem>>)
      %slice3A_1119 = vector.extract_strided_slice %get3A_966 {offsets = [7], sizes = [1], strides = [1]} : vector<16xi32> to vector<1xi32>
      %squeeze3A_1120 = vector.extract %slice3A_1119[0] : i32 from vector<1xi32>
      %shift_right_logical3A_1121 = arith.constant 7 : i32
      %shift_right_logical3A_1122 = arith.shrui %squeeze3A_1120, %shift_right_logical3A_1121 : i32
      %mul3A_1123 = arith.constant 128 : i32
      %mul3A_1124 = arith.muli %shift_right_logical3A_1122, %mul3A_1123 : i32
      %multiple_of3A_1125 = tpu.assume_multiple %mul3A_1124, 128 : i32
      %add3A_1126 = arith.constant 7 : i32
      %add3A_1127 = arith.addi %mul3A_971, %add3A_1126 : i32
      %dma_start3A_1128 = arith.constant 0 : i32
      %dma_start3A_1129 = arith.constant 0 : i32
      %dma_start3A_1130 = tpu.memref_slice %arg9[%add3A_1127, %dma_start3A_1128, %dma_start3A_1129] : memref<16x32x128xf32, #tpu.memory_space<vmem>> -> memref<1x32x128xf32, #tpu.memory_space<vmem>>
      %dma_start3A_1131 = tpu.memref_squeeze %dma_start3A_1130 : memref<1x32x128xf32, #tpu.memory_space<vmem>> -> memref<32x128xf32, #tpu.memory_space<vmem>>
      %dma_start3A_1132 = arith.constant 0 : i32
      %dma_start3A_1133 = tpu.memref_slice %arg6[%dma_start3A_1132, %multiple_of3A_1125] : memref<32x1000000xf32, #tpu.memory_space<hbm>> -> memref<32x128xf32, #tpu.memory_space<hbm>>
      %dma_start3A_1134 = arith.constant 0 : i32
      %dma_start3A_1135 = arith.constant 0 : i32
      %dma_start3A_1136 = tpu.memref_slice %arg9[%add3A_1127, %dma_start3A_1134, %dma_start3A_1135] : memref<16x32x128xf32, #tpu.memory_space<vmem>> -> memref<1x32x128xf32, #tpu.memory_space<vmem>>
      %dma_start3A_1137 = tpu.memref_squeeze %dma_start3A_1136 : memref<1x32x128xf32, #tpu.memory_space<vmem>> -> memref<32x128xf32, #tpu.memory_space<vmem>>
      %dma_start3A_1138 = arith.constant 0 : i32
      %dma_start3A_1139 = tpu.memref_slice %arg6[%dma_start3A_1138, %multiple_of3A_1125] : memref<32x1000000xf32, #tpu.memory_space<hbm>> -> memref<32x128xf32, #tpu.memory_space<hbm>>
      tpu.enqueue_dma source(%dma_start3A_1139 : memref<32x128xf32, #tpu.memory_space<hbm>>) target(%dma_start3A_1137 : memref<32x128xf32, #tpu.memory_space<vmem>>) target_semaphore(%arg14 : memref<!tpu.dma_semaphore, #tpu.memory_space<semaphore_mem>>)
      %dma_wait3A_1140 = arith.constant 0 : i32
      %dma_wait3A_1141 = arith.constant 0 : i32
      %dma_wait3A_1142 = arith.constant 0 : i32
      %dma_wait3A_1143 = tpu.memref_slice %arg9[%dma_wait3A_1140, %dma_wait3A_1141, %dma_wait3A_1142] : memref<16x32x128xf32, #tpu.memory_space<vmem>> -> memref<1x32x128xf32, #tpu.memory_space<vmem>>
      %dma_wait3A_1144 = tpu.memref_squeeze %dma_wait3A_1143 : memref<1x32x128xf32, #tpu.memory_space<vmem>> -> memref<32x128xf32, #tpu.memory_space<vmem>>
      %dma_wait3A_1145 = arith.constant 0 : i32
      %dma_wait3A_1146 = arith.constant 0 : i32
      %dma_wait3A_1147 = tpu.memref_slice %arg6[%dma_wait3A_1145, %dma_wait3A_1146] : memref<32x1000000xf32, #tpu.memory_space<hbm>> -> memref<32x128xf32, #tpu.memory_space<hbm>>
      %dma_wait3A_1148 = arith.constant 0 : i32
      %dma_wait3A_1149 = arith.constant 0 : i32
      %dma_wait3A_1150 = tpu.memref_slice %arg9[%dma_wait3A_1140, %dma_wait3A_1148, %dma_wait3A_1149] : memref<16x32x128xf32, #tpu.memory_space<vmem>> -> memref<1x32x128xf32, #tpu.memory_space<vmem>>
      %dma_wait3A_1151 = tpu.memref_squeeze %dma_wait3A_1150 : memref<1x32x128xf32, #tpu.memory_space<vmem>> -> memref<32x128xf32, #tpu.memory_space<vmem>>
      %dma_wait3A_1152 = arith.constant 0 : i32
      %dma_wait3A_1153 = arith.constant 0 : i32
      %dma_wait3A_1154 = tpu.memref_slice %arg6[%dma_wait3A_1152, %dma_wait3A_1153] : memref<32x1000000xf32, #tpu.memory_space<hbm>> -> memref<32x128xf32, #tpu.memory_space<hbm>>
      tpu.wait_dma2 semaphore(%arg14 : memref<!tpu.dma_semaphore, #tpu.memory_space<semaphore_mem>>) src(%dma_wait3A_1154 : memref<32x128xf32, #tpu.memory_space<hbm>>) dst(%dma_wait3A_1151 : memref<32x128xf32, #tpu.memory_space<vmem>>)
      %dma_wait3A_1155 = arith.constant 0 : i32
      %dma_wait3A_1156 = arith.constant 0 : i32
      %dma_wait3A_1157 = arith.constant 0 : i32
      %dma_wait3A_1158 = tpu.memref_slice %arg9[%dma_wait3A_1155, %dma_wait3A_1156, %dma_wait3A_1157] : memref<16x32x128xf32, #tpu.memory_space<vmem>> -> memref<1x32x128xf32, #tpu.memory_space<vmem>>
      %dma_wait3A_1159 = tpu.memref_squeeze %dma_wait3A_1158 : memref<1x32x128xf32, #tpu.memory_space<vmem>> -> memref<32x128xf32, #tpu.memory_space<vmem>>
      %dma_wait3A_1160 = arith.constant 0 : i32
      %dma_wait3A_1161 = arith.constant 0 : i32
      %dma_wait3A_1162 = tpu.memref_slice %arg6[%dma_wait3A_1160, %dma_wait3A_1161] : memref<32x1000000xf32, #tpu.memory_space<hbm>> -> memref<32x128xf32, #tpu.memory_space<hbm>>
      %dma_wait3A_1163 = arith.constant 0 : i32
      %dma_wait3A_1164 = arith.constant 0 : i32
      %dma_wait3A_1165 = tpu.memref_slice %arg9[%dma_wait3A_1155, %dma_wait3A_1163, %dma_wait3A_1164] : memref<16x32x128xf32, #tpu.memory_space<vmem>> -> memref<1x32x128xf32, #tpu.memory_space<vmem>>
      %dma_wait3A_1166 = tpu.memref_squeeze %dma_wait3A_1165 : memref<1x32x128xf32, #tpu.memory_space<vmem>> -> memref<32x128xf32, #tpu.memory_space<vmem>>
      %dma_wait3A_1167 = arith.constant 0 : i32
      %dma_wait3A_1168 = arith.constant 0 : i32
      %dma_wait3A_1169 = tpu.memref_slice %arg6[%dma_wait3A_1167, %dma_wait3A_1168] : memref<32x1000000xf32, #tpu.memory_space<hbm>> -> memref<32x128xf32, #tpu.memory_space<hbm>>
      tpu.wait_dma2 semaphore(%arg14 : memref<!tpu.dma_semaphore, #tpu.memory_space<semaphore_mem>>) src(%dma_wait3A_1169 : memref<32x128xf32, #tpu.memory_space<hbm>>) dst(%dma_wait3A_1166 : memref<32x128xf32, #tpu.memory_space<vmem>>)
      %dma_wait3A_1170 = arith.constant 0 : i32
      %dma_wait3A_1171 = arith.constant 0 : i32
      %dma_wait3A_1172 = arith.constant 0 : i32
      %dma_wait3A_1173 = tpu.memref_slice %arg9[%dma_wait3A_1170, %dma_wait3A_1171, %dma_wait3A_1172] : memref<16x32x128xf32, #tpu.memory_space<vmem>> -> memref<1x32x128xf32, #tpu.memory_space<vmem>>
      %dma_wait3A_1174 = tpu.memref_squeeze %dma_wait3A_1173 : memref<1x32x128xf32, #tpu.memory_space<vmem>> -> memref<32x128xf32, #tpu.memory_space<vmem>>
      %dma_wait3A_1175 = arith.constant 0 : i32
      %dma_wait3A_1176 = arith.constant 0 : i32
      %dma_wait3A_1177 = tpu.memref_slice %arg6[%dma_wait3A_1175, %dma_wait3A_1176] : memref<32x1000000xf32, #tpu.memory_space<hbm>> -> memref<32x128xf32, #tpu.memory_space<hbm>>
      %dma_wait3A_1178 = arith.constant 0 : i32
      %dma_wait3A_1179 = arith.constant 0 : i32
      %dma_wait3A_1180 = tpu.memref_slice %arg9[%dma_wait3A_1170, %dma_wait3A_1178, %dma_wait3A_1179] : memref<16x32x128xf32, #tpu.memory_space<vmem>> -> memref<1x32x128xf32, #tpu.memory_space<vmem>>
      %dma_wait3A_1181 = tpu.memref_squeeze %dma_wait3A_1180 : memref<1x32x128xf32, #tpu.memory_space<vmem>> -> memref<32x128xf32, #tpu.memory_space<vmem>>
      %dma_wait3A_1182 = arith.constant 0 : i32
      %dma_wait3A_1183 = arith.constant 0 : i32
      %dma_wait3A_1184 = tpu.memref_slice %arg6[%dma_wait3A_1182, %dma_wait3A_1183] : memref<32x1000000xf32, #tpu.memory_space<hbm>> -> memref<32x128xf32, #tpu.memory_space<hbm>>
      tpu.wait_dma2 semaphore(%arg14 : memref<!tpu.dma_semaphore, #tpu.memory_space<semaphore_mem>>) src(%dma_wait3A_1184 : memref<32x128xf32, #tpu.memory_space<hbm>>) dst(%dma_wait3A_1181 : memref<32x128xf32, #tpu.memory_space<vmem>>)
      %dma_wait3A_1185 = arith.constant 0 : i32
      %dma_wait3A_1186 = arith.constant 0 : i32
      %dma_wait3A_1187 = arith.constant 0 : i32
      %dma_wait3A_1188 = tpu.memref_slice %arg9[%dma_wait3A_1185, %dma_wait3A_1186, %dma_wait3A_1187] : memref<16x32x128xf32, #tpu.memory_space<vmem>> -> memref<1x32x128xf32, #tpu.memory_space<vmem>>
      %dma_wait3A_1189 = tpu.memref_squeeze %dma_wait3A_1188 : memref<1x32x128xf32, #tpu.memory_space<vmem>> -> memref<32x128xf32, #tpu.memory_space<vmem>>
      %dma_wait3A_1190 = arith.constant 0 : i32
      %dma_wait3A_1191 = arith.constant 0 : i32
      %dma_wait3A_1192 = tpu.memref_slice %arg6[%dma_wait3A_1190, %dma_wait3A_1191] : memref<32x1000000xf32, #tpu.memory_space<hbm>> -> memref<32x128xf32, #tpu.memory_space<hbm>>
      %dma_wait3A_1193 = arith.constant 0 : i32
      %dma_wait3A_1194 = arith.constant 0 : i32
      %dma_wait3A_1195 = tpu.memref_slice %arg9[%dma_wait3A_1185, %dma_wait3A_1193, %dma_wait3A_1194] : memref<16x32x128xf32, #tpu.memory_space<vmem>> -> memref<1x32x128xf32, #tpu.memory_space<vmem>>
      %dma_wait3A_1196 = tpu.memref_squeeze %dma_wait3A_1195 : memref<1x32x128xf32, #tpu.memory_space<vmem>> -> memref<32x128xf32, #tpu.memory_space<vmem>>
      %dma_wait3A_1197 = arith.constant 0 : i32
      %dma_wait3A_1198 = arith.constant 0 : i32
      %dma_wait3A_1199 = tpu.memref_slice %arg6[%dma_wait3A_1197, %dma_wait3A_1198] : memref<32x1000000xf32, #tpu.memory_space<hbm>> -> memref<32x128xf32, #tpu.memory_space<hbm>>
      tpu.wait_dma2 semaphore(%arg14 : memref<!tpu.dma_semaphore, #tpu.memory_space<semaphore_mem>>) src(%dma_wait3A_1199 : memref<32x128xf32, #tpu.memory_space<hbm>>) dst(%dma_wait3A_1196 : memref<32x128xf32, #tpu.memory_space<vmem>>)
      %dma_wait3A_1200 = arith.constant 0 : i32
      %dma_wait3A_1201 = arith.constant 0 : i32
      %dma_wait3A_1202 = arith.constant 0 : i32
      %dma_wait3A_1203 = tpu.memref_slice %arg9[%dma_wait3A_1200, %dma_wait3A_1201, %dma_wait3A_1202] : memref<16x32x128xf32, #tpu.memory_space<vmem>> -> memref<1x32x128xf32, #tpu.memory_space<vmem>>
      %dma_wait3A_1204 = tpu.memref_squeeze %dma_wait3A_1203 : memref<1x32x128xf32, #tpu.memory_space<vmem>> -> memref<32x128xf32, #tpu.memory_space<vmem>>
      %dma_wait3A_1205 = arith.constant 0 : i32
      %dma_wait3A_1206 = arith.constant 0 : i32
      %dma_wait3A_1207 = tpu.memref_slice %arg6[%dma_wait3A_1205, %dma_wait3A_1206] : memref<32x1000000xf32, #tpu.memory_space<hbm>> -> memref<32x128xf32, #tpu.memory_space<hbm>>
      %dma_wait3A_1208 = arith.constant 0 : i32
      %dma_wait3A_1209 = arith.constant 0 : i32
      %dma_wait3A_1210 = tpu.memref_slice %arg9[%dma_wait3A_1200, %dma_wait3A_1208, %dma_wait3A_1209] : memref<16x32x128xf32, #tpu.memory_space<vmem>> -> memref<1x32x128xf32, #tpu.memory_space<vmem>>
      %dma_wait3A_1211 = tpu.memref_squeeze %dma_wait3A_1210 : memref<1x32x128xf32, #tpu.memory_space<vmem>> -> memref<32x128xf32, #tpu.memory_space<vmem>>
      %dma_wait3A_1212 = arith.constant 0 : i32
      %dma_wait3A_1213 = arith.constant 0 : i32
      %dma_wait3A_1214 = tpu.memref_slice %arg6[%dma_wait3A_1212, %dma_wait3A_1213] : memref<32x1000000xf32, #tpu.memory_space<hbm>> -> memref<32x128xf32, #tpu.memory_space<hbm>>
      tpu.wait_dma2 semaphore(%arg14 : memref<!tpu.dma_semaphore, #tpu.memory_space<semaphore_mem>>) src(%dma_wait3A_1214 : memref<32x128xf32, #tpu.memory_space<hbm>>) dst(%dma_wait3A_1211 : memref<32x128xf32, #tpu.memory_space<vmem>>)
      %dma_wait3A_1215 = arith.constant 0 : i32
      %dma_wait3A_1216 = arith.constant 0 : i32
      %dma_wait3A_1217 = arith.constant 0 : i32
      %dma_wait3A_1218 = tpu.memref_slice %arg9[%dma_wait3A_1215, %dma_wait3A_1216, %dma_wait3A_1217] : memref<16x32x128xf32, #tpu.memory_space<vmem>> -> memref<1x32x128xf32, #tpu.memory_space<vmem>>
      %dma_wait3A_1219 = tpu.memref_squeeze %dma_wait3A_1218 : memref<1x32x128xf32, #tpu.memory_space<vmem>> -> memref<32x128xf32, #tpu.memory_space<vmem>>
      %dma_wait3A_1220 = arith.constant 0 : i32
      %dma_wait3A_1221 = arith.constant 0 : i32
      %dma_wait3A_1222 = tpu.memref_slice %arg6[%dma_wait3A_1220, %dma_wait3A_1221] : memref<32x1000000xf32, #tpu.memory_space<hbm>> -> memref<32x128xf32, #tpu.memory_space<hbm>>
      %dma_wait3A_1223 = arith.constant 0 : i32
      %dma_wait3A_1224 = arith.constant 0 : i32
      %dma_wait3A_1225 = tpu.memref_slice %arg9[%dma_wait3A_1215, %dma_wait3A_1223, %dma_wait3A_1224] : memref<16x32x128xf32, #tpu.memory_space<vmem>> -> memref<1x32x128xf32, #tpu.memory_space<vmem>>
      %dma_wait3A_1226 = tpu.memref_squeeze %dma_wait3A_1225 : memref<1x32x128xf32, #tpu.memory_space<vmem>> -> memref<32x128xf32, #tpu.memory_space<vmem>>
      %dma_wait3A_1227 = arith.constant 0 : i32
      %dma_wait3A_1228 = arith.constant 0 : i32
      %dma_wait3A_1229 = tpu.memref_slice %arg6[%dma_wait3A_1227, %dma_wait3A_1228] : memref<32x1000000xf32, #tpu.memory_space<hbm>> -> memref<32x128xf32, #tpu.memory_space<hbm>>
      tpu.wait_dma2 semaphore(%arg14 : memref<!tpu.dma_semaphore, #tpu.memory_space<semaphore_mem>>) src(%dma_wait3A_1229 : memref<32x128xf32, #tpu.memory_space<hbm>>) dst(%dma_wait3A_1226 : memref<32x128xf32, #tpu.memory_space<vmem>>)
      %dma_wait3A_1230 = arith.constant 0 : i32
      %dma_wait3A_1231 = arith.constant 0 : i32
      %dma_wait3A_1232 = arith.constant 0 : i32
      %dma_wait3A_1233 = tpu.memref_slice %arg9[%dma_wait3A_1230, %dma_wait3A_1231, %dma_wait3A_1232] : memref<16x32x128xf32, #tpu.memory_space<vmem>> -> memref<1x32x128xf32, #tpu.memory_space<vmem>>
      %dma_wait3A_1234 = tpu.memref_squeeze %dma_wait3A_1233 : memref<1x32x128xf32, #tpu.memory_space<vmem>> -> memref<32x128xf32, #tpu.memory_space<vmem>>
      %dma_wait3A_1235 = arith.constant 0 : i32
      %dma_wait3A_1236 = arith.constant 0 : i32
      %dma_wait3A_1237 = tpu.memref_slice %arg6[%dma_wait3A_1235, %dma_wait3A_1236] : memref<32x1000000xf32, #tpu.memory_space<hbm>> -> memref<32x128xf32, #tpu.memory_space<hbm>>
      %dma_wait3A_1238 = arith.constant 0 : i32
      %dma_wait3A_1239 = arith.constant 0 : i32
      %dma_wait3A_1240 = tpu.memref_slice %arg9[%dma_wait3A_1230, %dma_wait3A_1238, %dma_wait3A_1239] : memref<16x32x128xf32, #tpu.memory_space<vmem>> -> memref<1x32x128xf32, #tpu.memory_space<vmem>>
      %dma_wait3A_1241 = tpu.memref_squeeze %dma_wait3A_1240 : memref<1x32x128xf32, #tpu.memory_space<vmem>> -> memref<32x128xf32, #tpu.memory_space<vmem>>
      %dma_wait3A_1242 = arith.constant 0 : i32
      %dma_wait3A_1243 = arith.constant 0 : i32
      %dma_wait3A_1244 = tpu.memref_slice %arg6[%dma_wait3A_1242, %dma_wait3A_1243] : memref<32x1000000xf32, #tpu.memory_space<hbm>> -> memref<32x128xf32, #tpu.memory_space<hbm>>
      tpu.wait_dma2 semaphore(%arg14 : memref<!tpu.dma_semaphore, #tpu.memory_space<semaphore_mem>>) src(%dma_wait3A_1244 : memref<32x128xf32, #tpu.memory_space<hbm>>) dst(%dma_wait3A_1241 : memref<32x128xf32, #tpu.memory_space<vmem>>)
      %dma_wait3A_1245 = arith.constant 0 : i32
      %dma_wait3A_1246 = arith.constant 0 : i32
      %dma_wait3A_1247 = arith.constant 0 : i32
      %dma_wait3A_1248 = tpu.memref_slice %arg9[%dma_wait3A_1245, %dma_wait3A_1246, %dma_wait3A_1247] : memref<16x32x128xf32, #tpu.memory_space<vmem>> -> memref<1x32x128xf32, #tpu.memory_space<vmem>>
      %dma_wait3A_1249 = tpu.memref_squeeze %dma_wait3A_1248 : memref<1x32x128xf32, #tpu.memory_space<vmem>> -> memref<32x128xf32, #tpu.memory_space<vmem>>
      %dma_wait3A_1250 = arith.constant 0 : i32
      %dma_wait3A_1251 = arith.constant 0 : i32
      %dma_wait3A_1252 = tpu.memref_slice %arg6[%dma_wait3A_1250, %dma_wait3A_1251] : memref<32x1000000xf32, #tpu.memory_space<hbm>> -> memref<32x128xf32, #tpu.memory_space<hbm>>
      %dma_wait3A_1253 = arith.constant 0 : i32
      %dma_wait3A_1254 = arith.constant 0 : i32
      %dma_wait3A_1255 = tpu.memref_slice %arg9[%dma_wait3A_1245, %dma_wait3A_1253, %dma_wait3A_1254] : memref<16x32x128xf32, #tpu.memory_space<vmem>> -> memref<1x32x128xf32, #tpu.memory_space<vmem>>
      %dma_wait3A_1256 = tpu.memref_squeeze %dma_wait3A_1255 : memref<1x32x128xf32, #tpu.memory_space<vmem>> -> memref<32x128xf32, #tpu.memory_space<vmem>>
      %dma_wait3A_1257 = arith.constant 0 : i32
      %dma_wait3A_1258 = arith.constant 0 : i32
      %dma_wait3A_1259 = tpu.memref_slice %arg6[%dma_wait3A_1257, %dma_wait3A_1258] : memref<32x1000000xf32, #tpu.memory_space<hbm>> -> memref<32x128xf32, #tpu.memory_space<hbm>>
      tpu.wait_dma2 semaphore(%arg14 : memref<!tpu.dma_semaphore, #tpu.memory_space<semaphore_mem>>) src(%dma_wait3A_1259 : memref<32x128xf32, #tpu.memory_space<hbm>>) dst(%dma_wait3A_1256 : memref<32x128xf32, #tpu.memory_space<vmem>>)
      %mul3A_1260 = arith.constant 8 : i32
      %mul3A_1261 = arith.muli %scan3A_958, %mul3A_1260 : i32
      %get3A_1262 = arith.index_cast %mul3A_1261 : i32 to index
      %get3A_1263 = tpu.vector_load %arg8[%get3A_1262] {strides = array<i32>} : memref<528xi32, #tpu.memory_space<vmem>>, vector<16xi32>,
      %rem3A_1264 = arith.constant 2 : i32
      %rem3A_1265 = arith.remsi %scan3A_958, %rem3A_1264 : i32
      %mul3A_1266 = arith.constant 8 : i32
      %mul3A_1267 = arith.muli %mul3A_1266, %rem3A_1265 : i32
      %slice3A_1268 = vector.extract_strided_slice %get3A_1263 {offsets = [0], sizes = [1], strides = [1]} : vector<16xi32> to vector<1xi32>
      %squeeze3A_1269 = vector.extract %slice3A_1268[0] : i32 from vector<1xi32>
      %and3A = arith.constant 127 : i32
      %and3A_1270 = arith.andi %squeeze3A_1269, %and3A : i32
      %broadcast_in_dim3A = arith.constant 0 : i32
      %broadcast_in_dim3A_1271 = vector.broadcast %broadcast_in_dim3A : i32 to vector<16xi32>
      %add3A_1272 = arith.constant 0 : i32
      %add3A_1273 = arith.addi %mul3A_1267, %add3A_1272 : i32
      %add3A_1274 = vector.broadcast %add3A_1273 : i32 to vector<16xi32>
      %add3A_1275 = arith.addi %broadcast_in_dim3A_1271, %add3A_1274 : vector<16xi32>
      %broadcast_in_dim3A_1276 = arith.constant 0 : i32
      %broadcast_in_dim3A_1277 = vector.broadcast %broadcast_in_dim3A_1276 : i32 to vector<16xi32>
      %add3A_1278 = vector.broadcast %and3A_1270 : i32 to vector<16xi32>
      %add3A_1279 = arith.addi %broadcast_in_dim3A_1277, %add3A_1278 : vector<16xi32>
      %gather3A = tpu.vector_load_idx %arg9[%add3A_1275, %iota3A, %add3A_1279] : memref<16x32x128xf32, #tpu.memory_space<vmem>>[vector<16xi32>, vector<16xi32>, vector<16xi32>], vector<16xf32>,
      %add3A_1280 = arith.constant 16 : i32
      %add3A_1281 = vector.broadcast %add3A_1280 : i32 to vector<16xi32>
      %add3A_1282 = arith.addi %iota3A, %add3A_1281 : vector<16xi32>
      %gather3A_1283 = tpu.vector_load_idx %arg9[%add3A_1275, %add3A_1282, %add3A_1279] : memref<16x32x128xf32, #tpu.memory_space<vmem>>[vector<16xi32>, vector<16xi32>, vector<16xi32>], vector<16xf32>,
      %mul3A_1284 = arith.constant 8 : i32
      %mul3A_1285 = arith.muli %scan3A_958, %mul3A_1284 : i32
      %add3A_1286 = arith.constant 0 : i32
      %add3A_1287 = arith.addi %mul3A_1285, %add3A_1286 : i32
      %mul3A_1288 = arith.constant 35 : i32
      %mul3A_1289 = arith.muli %add3A_1287, %mul3A_1288 : i32
      %add3A_1290 = vector.broadcast %mul3A_1289 : i32 to vector<16xi32>
      %add3A_1291 = arith.addi %add3A_1290, %iota3A : vector<16xi32>
      tpu.vector_store_idx %arg13[%add3A_1291], %gather3A : memref<17920xf32, #tpu.memory_space<vmem>>[vector<16xi32>], vector<16xf32>,
      %add3A_1292 = arith.constant 16 : i32
      %add3A_1293 = vector.broadcast %add3A_1292 : i32 to vector<16xi32>
      %add3A_1294 = arith.addi %add3A_1291, %add3A_1293 : vector<16xi32>
      tpu.vector_store_idx %arg13[%add3A_1294], %gather3A_1283 : memref<17920xf32, #tpu.memory_space<vmem>>[vector<16xi32>], vector<16xf32>,
      %slice3A_1295 = vector.extract_strided_slice %get3A_1263 {offsets = [1], sizes = [1], strides = [1]} : vector<16xi32> to vector<1xi32>
      %squeeze3A_1296 = vector.extract %slice3A_1295[0] : i32 from vector<1xi32>
      %and3A_1297 = arith.constant 127 : i32
      %and3A_1298 = arith.andi %squeeze3A_1296, %and3A_1297 : i32
      %broadcast_in_dim3A_1299 = arith.constant 0 : i32
      %broadcast_in_dim3A_1300 = vector.broadcast %broadcast_in_dim3A_1299 : i32 to vector<16xi32>
      %add3A_1301 = arith.constant 1 : i32
      %add3A_1302 = arith.addi %mul3A_1267, %add3A_1301 : i32
      %add3A_1303 = vector.broadcast %add3A_1302 : i32 to vector<16xi32>
      %add3A_1304 = arith.addi %broadcast_in_dim3A_1300, %add3A_1303 : vector<16xi32>
      %broadcast_in_dim3A_1305 = arith.constant 0 : i32
      %broadcast_in_dim3A_1306 = vector.broadcast %broadcast_in_dim3A_1305 : i32 to vector<16xi32>
      %add3A_1307 = vector.broadcast %and3A_1298 : i32 to vector<16xi32>
      %add3A_1308 = arith.addi %broadcast_in_dim3A_1306, %add3A_1307 : vector<16xi32>
      %gather3A_1309 = tpu.vector_load_idx %arg9[%add3A_1304, %iota3A, %add3A_1308] : memref<16x32x128xf32, #tpu.memory_space<vmem>>[vector<16xi32>, vector<16xi32>, vector<16xi32>], vector<16xf32>,
      %add3A_1310 = arith.constant 16 : i32
      %add3A_1311 = vector.broadcast %add3A_1310 : i32 to vector<16xi32>
      %add3A_1312 = arith.addi %iota3A, %add3A_1311 : vector<16xi32>
      %gather3A_1313 = tpu.vector_load_idx %arg9[%add3A_1304, %add3A_1312, %add3A_1308] : memref<16x32x128xf32, #tpu.memory_space<vmem>>[vector<16xi32>, vector<16xi32>, vector<16xi32>], vector<16xf32>,
      %mul3A_1314 = arith.constant 8 : i32
      %mul3A_1315 = arith.muli %scan3A_958, %mul3A_1314 : i32
      %add3A_1316 = arith.constant 1 : i32
      %add3A_1317 = arith.addi %mul3A_1315, %add3A_1316 : i32
      %mul3A_1318 = arith.constant 35 : i32
      %mul3A_1319 = arith.muli %add3A_1317, %mul3A_1318 : i32
      %add3A_1320 = vector.broadcast %mul3A_1319 : i32 to vector<16xi32>
      %add3A_1321 = arith.addi %add3A_1320, %iota3A : vector<16xi32>
      tpu.vector_store_idx %arg13[%add3A_1321], %gather3A_1309 : memref<17920xf32, #tpu.memory_space<vmem>>[vector<16xi32>], vector<16xf32>,
      %add3A_1322 = arith.constant 16 : i32
      %add3A_1323 = vector.broadcast %add3A_1322 : i32 to vector<16xi32>
      %add3A_1324 = arith.addi %add3A_1321, %add3A_1323 : vector<16xi32>
      tpu.vector_store_idx %arg13[%add3A_1324], %gather3A_1313 : memref<17920xf32, #tpu.memory_space<vmem>>[vector<16xi32>], vector<16xf32>,
      %slice3A_1325 = vector.extract_strided_slice %get3A_1263 {offsets = [2], sizes = [1], strides = [1]} : vector<16xi32> to vector<1xi32>
      %squeeze3A_1326 = vector.extract %slice3A_1325[0] : i32 from vector<1xi32>
      %and3A_1327 = arith.constant 127 : i32
      %and3A_1328 = arith.andi %squeeze3A_1326, %and3A_1327 : i32
      %broadcast_in_dim3A_1329 = arith.constant 0 : i32
      %broadcast_in_dim3A_1330 = vector.broadcast %broadcast_in_dim3A_1329 : i32 to vector<16xi32>
      %add3A_1331 = arith.constant 2 : i32
      %add3A_1332 = arith.addi %mul3A_1267, %add3A_1331 : i32
      %add3A_1333 = vector.broadcast %add3A_1332 : i32 to vector<16xi32>
      %add3A_1334 = arith.addi %broadcast_in_dim3A_1330, %add3A_1333 : vector<16xi32>
      %broadcast_in_dim3A_1335 = arith.constant 0 : i32
      %broadcast_in_dim3A_1336 = vector.broadcast %broadcast_in_dim3A_1335 : i32 to vector<16xi32>
      %add3A_1337 = vector.broadcast %and3A_1328 : i32 to vector<16xi32>
      %add3A_1338 = arith.addi %broadcast_in_dim3A_1336, %add3A_1337 : vector<16xi32>
      %gather3A_1339 = tpu.vector_load_idx %arg9[%add3A_1334, %iota3A, %add3A_1338] : memref<16x32x128xf32, #tpu.memory_space<vmem>>[vector<16xi32>, vector<16xi32>, vector<16xi32>], vector<16xf32>,
      %add3A_1340 = arith.constant 16 : i32
      %add3A_1341 = vector.broadcast %add3A_1340 : i32 to vector<16xi32>
      %add3A_1342 = arith.addi %iota3A, %add3A_1341 : vector<16xi32>
      %gather3A_1343 = tpu.vector_load_idx %arg9[%add3A_1334, %add3A_1342, %add3A_1338] : memref<16x32x128xf32, #tpu.memory_space<vmem>>[vector<16xi32>, vector<16xi32>, vector<16xi32>], vector<16xf32>,
      %mul3A_1344 = arith.constant 8 : i32
      %mul3A_1345 = arith.muli %scan3A_958, %mul3A_1344 : i32
      %add3A_1346 = arith.constant 2 : i32
      %add3A_1347 = arith.addi %mul3A_1345, %add3A_1346 : i32
      %mul3A_1348 = arith.constant 35 : i32
      %mul3A_1349 = arith.muli %add3A_1347, %mul3A_1348 : i32
      %add3A_1350 = vector.broadcast %mul3A_1349 : i32 to vector<16xi32>
      %add3A_1351 = arith.addi %add3A_1350, %iota3A : vector<16xi32>
      tpu.vector_store_idx %arg13[%add3A_1351], %gather3A_1339 : memref<17920xf32, #tpu.memory_space<vmem>>[vector<16xi32>], vector<16xf32>,
      %add3A_1352 = arith.constant 16 : i32
      %add3A_1353 = vector.broadcast %add3A_1352 : i32 to vector<16xi32>
      %add3A_1354 = arith.addi %add3A_1351, %add3A_1353 : vector<16xi32>
      tpu.vector_store_idx %arg13[%add3A_1354], %gather3A_1343 : memref<17920xf32, #tpu.memory_space<vmem>>[vector<16xi32>], vector<16xf32>,
      %slice3A_1355 = vector.extract_strided_slice %get3A_1263 {offsets = [3], sizes = [1], strides = [1]} : vector<16xi32> to vector<1xi32>
      %squeeze3A_1356 = vector.extract %slice3A_1355[0] : i32 from vector<1xi32>
      %and3A_1357 = arith.constant 127 : i32
      %and3A_1358 = arith.andi %squeeze3A_1356, %and3A_1357 : i32
      %broadcast_in_dim3A_1359 = arith.constant 0 : i32
      %broadcast_in_dim3A_1360 = vector.broadcast %broadcast_in_dim3A_1359 : i32 to vector<16xi32>
      %add3A_1361 = arith.constant 3 : i32
      %add3A_1362 = arith.addi %mul3A_1267, %add3A_1361 : i32
      %add3A_1363 = vector.broadcast %add3A_1362 : i32 to vector<16xi32>
      %add3A_1364 = arith.addi %broadcast_in_dim3A_1360, %add3A_1363 : vector<16xi32>
      %broadcast_in_dim3A_1365 = arith.constant 0 : i32
      %broadcast_in_dim3A_1366 = vector.broadcast %broadcast_in_dim3A_1365 : i32 to vector<16xi32>
      %add3A_1367 = vector.broadcast %and3A_1358 : i32 to vector<16xi32>
      %add3A_1368 = arith.addi %broadcast_in_dim3A_1366, %add3A_1367 : vector<16xi32>
      %gather3A_1369 = tpu.vector_load_idx %arg9[%add3A_1364, %iota3A, %add3A_1368] : memref<16x32x128xf32, #tpu.memory_space<vmem>>[vector<16xi32>, vector<16xi32>, vector<16xi32>], vector<16xf32>,
      %add3A_1370 = arith.constant 16 : i32
      %add3A_1371 = vector.broadcast %add3A_1370 : i32 to vector<16xi32>
      %add3A_1372 = arith.addi %iota3A, %add3A_1371 : vector<16xi32>
      %gather3A_1373 = tpu.vector_load_idx %arg9[%add3A_1364, %add3A_1372, %add3A_1368] : memref<16x32x128xf32, #tpu.memory_space<vmem>>[vector<16xi32>, vector<16xi32>, vector<16xi32>], vector<16xf32>,
      %mul3A_1374 = arith.constant 8 : i32
      %mul3A_1375 = arith.muli %scan3A_958, %mul3A_1374 : i32
      %add3A_1376 = arith.constant 3 : i32
      %add3A_1377 = arith.addi %mul3A_1375, %add3A_1376 : i32
      %mul3A_1378 = arith.constant 35 : i32
      %mul3A_1379 = arith.muli %add3A_1377, %mul3A_1378 : i32
      %add3A_1380 = vector.broadcast %mul3A_1379 : i32 to vector<16xi32>
      %add3A_1381 = arith.addi %add3A_1380, %iota3A : vector<16xi32>
      tpu.vector_store_idx %arg13[%add3A_1381], %gather3A_1369 : memref<17920xf32, #tpu.memory_space<vmem>>[vector<16xi32>], vector<16xf32>,
      %add3A_1382 = arith.constant 16 : i32
      %add3A_1383 = vector.broadcast %add3A_1382 : i32 to vector<16xi32>
      %add3A_1384 = arith.addi %add3A_1381, %add3A_1383 : vector<16xi32>
      tpu.vector_store_idx %arg13[%add3A_1384], %gather3A_1373 : memref<17920xf32, #tpu.memory_space<vmem>>[vector<16xi32>], vector<16xf32>,
      %slice3A_1385 = vector.extract_strided_slice %get3A_1263 {offsets = [4], sizes = [1], strides = [1]} : vector<16xi32> to vector<1xi32>
      %squeeze3A_1386 = vector.extract %slice3A_1385[0] : i32 from vector<1xi32>
      %and3A_1387 = arith.constant 127 : i32
      %and3A_1388 = arith.andi %squeeze3A_1386, %and3A_1387 : i32
      %broadcast_in_dim3A_1389 = arith.constant 0 : i32
      %broadcast_in_dim3A_1390 = vector.broadcast %broadcast_in_dim3A_1389 : i32 to vector<16xi32>
      %add3A_1391 = arith.constant 4 : i32
      %add3A_1392 = arith.addi %mul3A_1267, %add3A_1391 : i32
      %add3A_1393 = vector.broadcast %add3A_1392 : i32 to vector<16xi32>
      %add3A_1394 = arith.addi %broadcast_in_dim3A_1390, %add3A_1393 : vector<16xi32>
      %broadcast_in_dim3A_1395 = arith.constant 0 : i32
      %broadcast_in_dim3A_1396 = vector.broadcast %broadcast_in_dim3A_1395 : i32 to vector<16xi32>
      %add3A_1397 = vector.broadcast %and3A_1388 : i32 to vector<16xi32>
      %add3A_1398 = arith.addi %broadcast_in_dim3A_1396, %add3A_1397 : vector<16xi32>
      %gather3A_1399 = tpu.vector_load_idx %arg9[%add3A_1394, %iota3A, %add3A_1398] : memref<16x32x128xf32, #tpu.memory_space<vmem>>[vector<16xi32>, vector<16xi32>, vector<16xi32>], vector<16xf32>,
      %add3A_1400 = arith.constant 16 : i32
      %add3A_1401 = vector.broadcast %add3A_1400 : i32 to vector<16xi32>
      %add3A_1402 = arith.addi %iota3A, %add3A_1401 : vector<16xi32>
      %gather3A_1403 = tpu.vector_load_idx %arg9[%add3A_1394, %add3A_1402, %add3A_1398] : memref<16x32x128xf32, #tpu.memory_space<vmem>>[vector<16xi32>, vector<16xi32>, vector<16xi32>], vector<16xf32>,
      %mul3A_1404 = arith.constant 8 : i32
      %mul3A_1405 = arith.muli %scan3A_958, %mul3A_1404 : i32
      %add3A_1406 = arith.constant 4 : i32
      %add3A_1407 = arith.addi %mul3A_1405, %add3A_1406 : i32
      %mul3A_1408 = arith.constant 35 : i32
      %mul3A_1409 = arith.muli %add3A_1407, %mul3A_1408 : i32
      %add3A_1410 = vector.broadcast %mul3A_1409 : i32 to vector<16xi32>
      %add3A_1411 = arith.addi %add3A_1410, %iota3A : vector<16xi32>
      tpu.vector_store_idx %arg13[%add3A_1411], %gather3A_1399 : memref<17920xf32, #tpu.memory_space<vmem>>[vector<16xi32>], vector<16xf32>,
      %add3A_1412 = arith.constant 16 : i32
      %add3A_1413 = vector.broadcast %add3A_1412 : i32 to vector<16xi32>
      %add3A_1414 = arith.addi %add3A_1411, %add3A_1413 : vector<16xi32>
      tpu.vector_store_idx %arg13[%add3A_1414], %gather3A_1403 : memref<17920xf32, #tpu.memory_space<vmem>>[vector<16xi32>], vector<16xf32>,
      %slice3A_1415 = vector.extract_strided_slice %get3A_1263 {offsets = [5], sizes = [1], strides = [1]} : vector<16xi32> to vector<1xi32>
      %squeeze3A_1416 = vector.extract %slice3A_1415[0] : i32 from vector<1xi32>
      %and3A_1417 = arith.constant 127 : i32
      %and3A_1418 = arith.andi %squeeze3A_1416, %and3A_1417 : i32
      %broadcast_in_dim3A_1419 = arith.constant 0 : i32
      %broadcast_in_dim3A_1420 = vector.broadcast %broadcast_in_dim3A_1419 : i32 to vector<16xi32>
      %add3A_1421 = arith.constant 5 : i32
      %add3A_1422 = arith.addi %mul3A_1267, %add3A_1421 : i32
      %add3A_1423 = vector.broadcast %add3A_1422 : i32 to vector<16xi32>
      %add3A_1424 = arith.addi %broadcast_in_dim3A_1420, %add3A_1423 : vector<16xi32>
      %broadcast_in_dim3A_1425 = arith.constant 0 : i32
      %broadcast_in_dim3A_1426 = vector.broadcast %broadcast_in_dim3A_1425 : i32 to vector<16xi32>
      %add3A_1427 = vector.broadcast %and3A_1418 : i32 to vector<16xi32>
      %add3A_1428 = arith.addi %broadcast_in_dim3A_1426, %add3A_1427 : vector<16xi32>
      %gather3A_1429 = tpu.vector_load_idx %arg9[%add3A_1424, %iota3A, %add3A_1428] : memref<16x32x128xf32, #tpu.memory_space<vmem>>[vector<16xi32>, vector<16xi32>, vector<16xi32>], vector<16xf32>,
      %add3A_1430 = arith.constant 16 : i32
      %add3A_1431 = vector.broadcast %add3A_1430 : i32 to vector<16xi32>
      %add3A_1432 = arith.addi %iota3A, %add3A_1431 : vector<16xi32>
      %gather3A_1433 = tpu.vector_load_idx %arg9[%add3A_1424, %add3A_1432, %add3A_1428] : memref<16x32x128xf32, #tpu.memory_space<vmem>>[vector<16xi32>, vector<16xi32>, vector<16xi32>], vector<16xf32>,
      %mul3A_1434 = arith.constant 8 : i32
      %mul3A_1435 = arith.muli %scan3A_958, %mul3A_1434 : i32
      %add3A_1436 = arith.constant 5 : i32
      %add3A_1437 = arith.addi %mul3A_1435, %add3A_1436 : i32
      %mul3A_1438 = arith.constant 35 : i32
      %mul3A_1439 = arith.muli %add3A_1437, %mul3A_1438 : i32
      %add3A_1440 = vector.broadcast %mul3A_1439 : i32 to vector<16xi32>
      %add3A_1441 = arith.addi %add3A_1440, %iota3A : vector<16xi32>
      tpu.vector_store_idx %arg13[%add3A_1441], %gather3A_1429 : memref<17920xf32, #tpu.memory_space<vmem>>[vector<16xi32>], vector<16xf32>,
      %add3A_1442 = arith.constant 16 : i32
      %add3A_1443 = vector.broadcast %add3A_1442 : i32 to vector<16xi32>
      %add3A_1444 = arith.addi %add3A_1441, %add3A_1443 : vector<16xi32>
      tpu.vector_store_idx %arg13[%add3A_1444], %gather3A_1433 : memref<17920xf32, #tpu.memory_space<vmem>>[vector<16xi32>], vector<16xf32>,
      %slice3A_1445 = vector.extract_strided_slice %get3A_1263 {offsets = [6], sizes = [1], strides = [1]} : vector<16xi32> to vector<1xi32>
      %squeeze3A_1446 = vector.extract %slice3A_1445[0] : i32 from vector<1xi32>
      %and3A_1447 = arith.constant 127 : i32
      %and3A_1448 = arith.andi %squeeze3A_1446, %and3A_1447 : i32
      %broadcast_in_dim3A_1449 = arith.constant 0 : i32
      %broadcast_in_dim3A_1450 = vector.broadcast %broadcast_in_dim3A_1449 : i32 to vector<16xi32>
      %add3A_1451 = arith.constant 6 : i32
      %add3A_1452 = arith.addi %mul3A_1267, %add3A_1451 : i32
      %add3A_1453 = vector.broadcast %add3A_1452 : i32 to vector<16xi32>
      %add3A_1454 = arith.addi %broadcast_in_dim3A_1450, %add3A_1453 : vector<16xi32>
      %broadcast_in_dim3A_1455 = arith.constant 0 : i32
      %broadcast_in_dim3A_1456 = vector.broadcast %broadcast_in_dim3A_1455 : i32 to vector<16xi32>
      %add3A_1457 = vector.broadcast %and3A_1448 : i32 to vector<16xi32>
      %add3A_1458 = arith.addi %broadcast_in_dim3A_1456, %add3A_1457 : vector<16xi32>
      %gather3A_1459 = tpu.vector_load_idx %arg9[%add3A_1454, %iota3A, %add3A_1458] : memref<16x32x128xf32, #tpu.memory_space<vmem>>[vector<16xi32>, vector<16xi32>, vector<16xi32>], vector<16xf32>,
      %add3A_1460 = arith.constant 16 : i32
      %add3A_1461 = vector.broadcast %add3A_1460 : i32 to vector<16xi32>
      %add3A_1462 = arith.addi %iota3A, %add3A_1461 : vector<16xi32>
      %gather3A_1463 = tpu.vector_load_idx %arg9[%add3A_1454, %add3A_1462, %add3A_1458] : memref<16x32x128xf32, #tpu.memory_space<vmem>>[vector<16xi32>, vector<16xi32>, vector<16xi32>], vector<16xf32>,
      %mul3A_1464 = arith.constant 8 : i32
      %mul3A_1465 = arith.muli %scan3A_958, %mul3A_1464 : i32
      %add3A_1466 = arith.constant 6 : i32
      %add3A_1467 = arith.addi %mul3A_1465, %add3A_1466 : i32
      %mul3A_1468 = arith.constant 35 : i32
      %mul3A_1469 = arith.muli %add3A_1467, %mul3A_1468 : i32
      %add3A_1470 = vector.broadcast %mul3A_1469 : i32 to vector<16xi32>
      %add3A_1471 = arith.addi %add3A_1470, %iota3A : vector<16xi32>
      tpu.vector_store_idx %arg13[%add3A_1471], %gather3A_1459 : memref<17920xf32, #tpu.memory_space<vmem>>[vector<16xi32>], vector<16xf32>,
      %add3A_1472 = arith.constant 16 : i32
      %add3A_1473 = vector.broadcast %add3A_1472 : i32 to vector<16xi32>
      %add3A_1474 = arith.addi %add3A_1471, %add3A_1473 : vector<16xi32>
      tpu.vector_store_idx %arg13[%add3A_1474], %gather3A_1463 : memref<17920xf32, #tpu.memory_space<vmem>>[vector<16xi32>], vector<16xf32>,
      %slice3A_1475 = vector.extract_strided_slice %get3A_1263 {offsets = [7], sizes = [1], strides = [1]} : vector<16xi32> to vector<1xi32>
      %squeeze3A_1476 = vector.extract %slice3A_1475[0] : i32 from vector<1xi32>
      %and3A_1477 = arith.constant 127 : i32
      %and3A_1478 = arith.andi %squeeze3A_1476, %and3A_1477 : i32
      %broadcast_in_dim3A_1479 = arith.constant 0 : i32
      %broadcast_in_dim3A_1480 = vector.broadcast %broadcast_in_dim3A_1479 : i32 to vector<16xi32>
      %add3A_1481 = arith.constant 7 : i32
      %add3A_1482 = arith.addi %mul3A_1267, %add3A_1481 : i32
      %add3A_1483 = vector.broadcast %add3A_1482 : i32 to vector<16xi32>
      %add3A_1484 = arith.addi %broadcast_in_dim3A_1480, %add3A_1483 : vector<16xi32>
      %broadcast_in_dim3A_1485 = arith.constant 0 : i32
      %broadcast_in_dim3A_1486 = vector.broadcast %broadcast_in_dim3A_1485 : i32 to vector<16xi32>
      %add3A_1487 = vector.broadcast %and3A_1478 : i32 to vector<16xi32>
      %add3A_1488 = arith.addi %broadcast_in_dim3A_1486, %add3A_1487 : vector<16xi32>
      %gather3A_1489 = tpu.vector_load_idx %arg9[%add3A_1484, %iota3A, %add3A_1488] : memref<16x32x128xf32, #tpu.memory_space<vmem>>[vector<16xi32>, vector<16xi32>, vector<16xi32>], vector<16xf32>,
      %add3A_1490 = arith.constant 16 : i32
      %add3A_1491 = vector.broadcast %add3A_1490 : i32 to vector<16xi32>
      %add3A_1492 = arith.addi %iota3A, %add3A_1491 : vector<16xi32>
      %gather3A_1493 = tpu.vector_load_idx %arg9[%add3A_1484, %add3A_1492, %add3A_1488] : memref<16x32x128xf32, #tpu.memory_space<vmem>>[vector<16xi32>, vector<16xi32>, vector<16xi32>], vector<16xf32>,
      %mul3A_1494 = arith.constant 8 : i32
      %mul3A_1495 = arith.muli %scan3A_958, %mul3A_1494 : i32
      %add3A_1496 = arith.constant 7 : i32
      %add3A_1497 = arith.addi %mul3A_1495, %add3A_1496 : i32
      %mul3A_1498 = arith.constant 35 : i32
      %mul3A_1499 = arith.muli %add3A_1497, %mul3A_1498 : i32
      %add3A_1500 = vector.broadcast %mul3A_1499 : i32 to vector<16xi32>
      %add3A_1501 = arith.addi %add3A_1500, %iota3A : vector<16xi32>
      tpu.vector_store_idx %arg13[%add3A_1501], %gather3A_1489 : memref<17920xf32, #tpu.memory_space<vmem>>[vector<16xi32>], vector<16xf32>,
      %add3A_1502 = arith.constant 16 : i32
      %add3A_1503 = vector.broadcast %add3A_1502 : i32 to vector<16xi32>
      %add3A_1504 = arith.addi %add3A_1501, %add3A_1503 : vector<16xi32>
      tpu.vector_store_idx %arg13[%add3A_1504], %gather3A_1493 : memref<17920xf32, #tpu.memory_space<vmem>>[vector<16xi32>], vector<16xf32>,
      %scan3A_1505 = arith.constant 0 : i32
      scf.yield %scan3A_1505 : i32
    }
    %scan3A_164 = arith.constant 64 : i32
    %dma_wait3A = arith.constant 0 : i32
    %dma_wait3A_165 = arith.constant 0 : i32
    %dma_wait3A_166 = arith.constant 0 : i32
    %dma_wait3A_167 = tpu.memref_slice %arg9[%dma_wait3A, %dma_wait3A_165, %dma_wait3A_166] : memref<16x32x128xf32, #tpu.memory_space<vmem>> -> memref<1x32x128xf32, #tpu.memory_space<vmem>>
    %dma_wait3A_168 = tpu.memref_squeeze %dma_wait3A_167 : memref<1x32x128xf32, #tpu.memory_space<vmem>> -> memref<32x128xf32, #tpu.memory_space<vmem>>
    %dma_wait3A_169 = arith.constant 0 : i32
    %dma_wait3A_170 = arith.constant 0 : i32
    %dma_wait3A_171 = tpu.memref_slice %arg6[%dma_wait3A_169, %dma_wait3A_170] : memref<32x1000000xf32, #tpu.memory_space<hbm>> -> memref<32x128xf32, #tpu.memory_space<hbm>>
    %dma_wait3A_172 = arith.constant 0 : i32
    %dma_wait3A_173 = arith.constant 0 : i32
    %dma_wait3A_174 = tpu.memref_slice %arg9[%dma_wait3A, %dma_wait3A_172, %dma_wait3A_173] : memref<16x32x128xf32, #tpu.memory_space<vmem>> -> memref<1x32x128xf32, #tpu.memory_space<vmem>>
    %dma_wait3A_175 = tpu.memref_squeeze %dma_wait3A_174 : memref<1x32x128xf32, #tpu.memory_space<vmem>> -> memref<32x128xf32, #tpu.memory_space<vmem>>
    %dma_wait3A_176 = arith.constant 0 : i32
    %dma_wait3A_177 = arith.constant 0 : i32
    %dma_wait3A_178 = tpu.memref_slice %arg6[%dma_wait3A_176, %dma_wait3A_177] : memref<32x1000000xf32, #tpu.memory_space<hbm>> -> memref<32x128xf32, #tpu.memory_space<hbm>>
    tpu.wait_dma2 semaphore(%arg14 : memref<!tpu.dma_semaphore, #tpu.memory_space<semaphore_mem>>) src(%dma_wait3A_178 : memref<32x128xf32, #tpu.memory_space<hbm>>) dst(%dma_wait3A_175 : memref<32x128xf32, #tpu.memory_space<vmem>>)
    %dma_wait3A_179 = arith.constant 0 : i32
    %dma_wait3A_180 = arith.constant 0 : i32
    %dma_wait3A_181 = arith.constant 0 : i32
    %dma_wait3A_182 = tpu.memref_slice %arg9[%dma_wait3A_179, %dma_wait3A_180, %dma_wait3A_181] : memref<16x32x128xf32, #tpu.memory_space<vmem>> -> memref<1x32x128xf32, #tpu.memory_space<vmem>>
    %dma_wait3A_183 = tpu.memref_squeeze %dma_wait3A_182 : memref<1x32x128xf32, #tpu.memory_space<vmem>> -> memref<32x128xf32, #tpu.memory_space<vmem>>
    %dma_wait3A_184 = arith.constant 0 : i32
    %dma_wait3A_185 = arith.constant 0 : i32
    %dma_wait3A_186 = tpu.memref_slice %arg6[%dma_wait3A_184, %dma_wait3A_185] : memref<32x1000000xf32, #tpu.memory_space<hbm>> -> memref<32x128xf32, #tpu.memory_space<hbm>>
    %dma_wait3A_187 = arith.constant 0 : i32
    %dma_wait3A_188 = arith.constant 0 : i32
    %dma_wait3A_189 = tpu.memref_slice %arg9[%dma_wait3A_179, %dma_wait3A_187, %dma_wait3A_188] : memref<16x32x128xf32, #tpu.memory_space<vmem>> -> memref<1x32x128xf32, #tpu.memory_space<vmem>>
    %dma_wait3A_190 = tpu.memref_squeeze %dma_wait3A_189 : memref<1x32x128xf32, #tpu.memory_space<vmem>> -> memref<32x128xf32, #tpu.memory_space<vmem>>
    %dma_wait3A_191 = arith.constant 0 : i32
    %dma_wait3A_192 = arith.constant 0 : i32
    %dma_wait3A_193 = tpu.memref_slice %arg6[%dma_wait3A_191, %dma_wait3A_192] : memref<32x1000000xf32, #tpu.memory_space<hbm>> -> memref<32x128xf32, #tpu.memory_space<hbm>>
    tpu.wait_dma2 semaphore(%arg14 : memref<!tpu.dma_semaphore, #tpu.memory_space<semaphore_mem>>) src(%dma_wait3A_193 : memref<32x128xf32, #tpu.memory_space<hbm>>) dst(%dma_wait3A_190 : memref<32x128xf32, #tpu.memory_space<vmem>>)
    %dma_wait3A_194 = arith.constant 0 : i32
    %dma_wait3A_195 = arith.constant 0 : i32
    %dma_wait3A_196 = arith.constant 0 : i32
    %dma_wait3A_197 = tpu.memref_slice %arg9[%dma_wait3A_194, %dma_wait3A_195, %dma_wait3A_196] : memref<16x32x128xf32, #tpu.memory_space<vmem>> -> memref<1x32x128xf32, #tpu.memory_space<vmem>>
    %dma_wait3A_198 = tpu.memref_squeeze %dma_wait3A_197 : memref<1x32x128xf32, #tpu.memory_space<vmem>> -> memref<32x128xf32, #tpu.memory_space<vmem>>
    %dma_wait3A_199 = arith.constant 0 : i32
    %dma_wait3A_200 = arith.constant 0 : i32
    %dma_wait3A_201 = tpu.memref_slice %arg6[%dma_wait3A_199, %dma_wait3A_200] : memref<32x1000000xf32, #tpu.memory_space<hbm>> -> memref<32x128xf32, #tpu.memory_space<hbm>>
    %dma_wait3A_202 = arith.constant 0 : i32
    %dma_wait3A_203 = arith.constant 0 : i32
    %dma_wait3A_204 = tpu.memref_slice %arg9[%dma_wait3A_194, %dma_wait3A_202, %dma_wait3A_203] : memref<16x32x128xf32, #tpu.memory_space<vmem>> -> memref<1x32x128xf32, #tpu.memory_space<vmem>>
    %dma_wait3A_205 = tpu.memref_squeeze %dma_wait3A_204 : memref<1x32x128xf32, #tpu.memory_space<vmem>> -> memref<32x128xf32, #tpu.memory_space<vmem>>
    %dma_wait3A_206 = arith.constant 0 : i32
    %dma_wait3A_207 = arith.constant 0 : i32
    %dma_wait3A_208 = tpu.memref_slice %arg6[%dma_wait3A_206, %dma_wait3A_207] : memref<32x1000000xf32, #tpu.memory_space<hbm>> -> memref<32x128xf32, #tpu.memory_space<hbm>>
    tpu.wait_dma2 semaphore(%arg14 : memref<!tpu.dma_semaphore, #tpu.memory_space<semaphore_mem>>) src(%dma_wait3A_208 : memref<32x128xf32, #tpu.memory_space<hbm>>) dst(%dma_wait3A_205 : memref<32x128xf32, #tpu.memory_space<vmem>>)
    %dma_wait3A_209 = arith.constant 0 : i32
    %dma_wait3A_210 = arith.constant 0 : i32
    %dma_wait3A_211 = arith.constant 0 : i32
    %dma_wait3A_212 = tpu.memref_slice %arg9[%dma_wait3A_209, %dma_wait3A_210, %dma_wait3A_211] : memref<16x32x128xf32, #tpu.memory_space<vmem>> -> memref<1x32x128xf32, #tpu.memory_space<vmem>>
    %dma_wait3A_213 = tpu.memref_squeeze %dma_wait3A_212 : memref<1x32x128xf32, #tpu.memory_space<vmem>> -> memref<32x128xf32, #tpu.memory_space<vmem>>
    %dma_wait3A_214 = arith.constant 0 : i32
    %dma_wait3A_215 = arith.constant 0 : i32
    %dma_wait3A_216 = tpu.memref_slice %arg6[%dma_wait3A_214, %dma_wait3A_215] : memref<32x1000000xf32, #tpu.memory_space<hbm>> -> memref<32x128xf32, #tpu.memory_space<hbm>>
    %dma_wait3A_217 = arith.constant 0 : i32
    %dma_wait3A_218 = arith.constant 0 : i32
    %dma_wait3A_219 = tpu.memref_slice %arg9[%dma_wait3A_209, %dma_wait3A_217, %dma_wait3A_218] : memref<16x32x128xf32, #tpu.memory_space<vmem>> -> memref<1x32x128xf32, #tpu.memory_space<vmem>>
    %dma_wait3A_220 = tpu.memref_squeeze %dma_wait3A_219 : memref<1x32x128xf32, #tpu.memory_space<vmem>> -> memref<32x128xf32, #tpu.memory_space<vmem>>
    %dma_wait3A_221 = arith.constant 0 : i32
    %dma_wait3A_222 = arith.constant 0 : i32
    %dma_wait3A_223 = tpu.memref_slice %arg6[%dma_wait3A_221, %dma_wait3A_222] : memref<32x1000000xf32, #tpu.memory_space<hbm>> -> memref<32x128xf32, #tpu.memory_space<hbm>>
    tpu.wait_dma2 semaphore(%arg14 : memref<!tpu.dma_semaphore, #tpu.memory_space<semaphore_mem>>) src(%dma_wait3A_223 : memref<32x128xf32, #tpu.memory_space<hbm>>) dst(%dma_wait3A_220 : memref<32x128xf32, #tpu.memory_space<vmem>>)
    %dma_wait3A_224 = arith.constant 0 : i32
    %dma_wait3A_225 = arith.constant 0 : i32
    %dma_wait3A_226 = arith.constant 0 : i32
    %dma_wait3A_227 = tpu.memref_slice %arg9[%dma_wait3A_224, %dma_wait3A_225, %dma_wait3A_226] : memref<16x32x128xf32, #tpu.memory_space<vmem>> -> memref<1x32x128xf32, #tpu.memory_space<vmem>>
    %dma_wait3A_228 = tpu.memref_squeeze %dma_wait3A_227 : memref<1x32x128xf32, #tpu.memory_space<vmem>> -> memref<32x128xf32, #tpu.memory_space<vmem>>
    %dma_wait3A_229 = arith.constant 0 : i32
    %dma_wait3A_230 = arith.constant 0 : i32
    %dma_wait3A_231 = tpu.memref_slice %arg6[%dma_wait3A_229, %dma_wait3A_230] : memref<32x1000000xf32, #tpu.memory_space<hbm>> -> memref<32x128xf32, #tpu.memory_space<hbm>>
    %dma_wait3A_232 = arith.constant 0 : i32
    %dma_wait3A_233 = arith.constant 0 : i32
    %dma_wait3A_234 = tpu.memref_slice %arg9[%dma_wait3A_224, %dma_wait3A_232, %dma_wait3A_233] : memref<16x32x128xf32, #tpu.memory_space<vmem>> -> memref<1x32x128xf32, #tpu.memory_space<vmem>>
    %dma_wait3A_235 = tpu.memref_squeeze %dma_wait3A_234 : memref<1x32x128xf32, #tpu.memory_space<vmem>> -> memref<32x128xf32, #tpu.memory_space<vmem>>
    %dma_wait3A_236 = arith.constant 0 : i32
    %dma_wait3A_237 = arith.constant 0 : i32
    %dma_wait3A_238 = tpu.memref_slice %arg6[%dma_wait3A_236, %dma_wait3A_237] : memref<32x1000000xf32, #tpu.memory_space<hbm>> -> memref<32x128xf32, #tpu.memory_space<hbm>>
    tpu.wait_dma2 semaphore(%arg14 : memref<!tpu.dma_semaphore, #tpu.memory_space<semaphore_mem>>) src(%dma_wait3A_238 : memref<32x128xf32, #tpu.memory_space<hbm>>) dst(%dma_wait3A_235 : memref<32x128xf32, #tpu.memory_space<vmem>>)
    %dma_wait3A_239 = arith.constant 0 : i32
    %dma_wait3A_240 = arith.constant 0 : i32
    %dma_wait3A_241 = arith.constant 0 : i32
    %dma_wait3A_242 = tpu.memref_slice %arg9[%dma_wait3A_239, %dma_wait3A_240, %dma_wait3A_241] : memref<16x32x128xf32, #tpu.memory_space<vmem>> -> memref<1x32x128xf32, #tpu.memory_space<vmem>>
    %dma_wait3A_243 = tpu.memref_squeeze %dma_wait3A_242 : memref<1x32x128xf32, #tpu.memory_space<vmem>> -> memref<32x128xf32, #tpu.memory_space<vmem>>
    %dma_wait3A_244 = arith.constant 0 : i32
    %dma_wait3A_245 = arith.constant 0 : i32
    %dma_wait3A_246 = tpu.memref_slice %arg6[%dma_wait3A_244, %dma_wait3A_245] : memref<32x1000000xf32, #tpu.memory_space<hbm>> -> memref<32x128xf32, #tpu.memory_space<hbm>>
    %dma_wait3A_247 = arith.constant 0 : i32
    %dma_wait3A_248 = arith.constant 0 : i32
    %dma_wait3A_249 = tpu.memref_slice %arg9[%dma_wait3A_239, %dma_wait3A_247, %dma_wait3A_248] : memref<16x32x128xf32, #tpu.memory_space<vmem>> -> memref<1x32x128xf32, #tpu.memory_space<vmem>>
    %dma_wait3A_250 = tpu.memref_squeeze %dma_wait3A_249 : memref<1x32x128xf32, #tpu.memory_space<vmem>> -> memref<32x128xf32, #tpu.memory_space<vmem>>
    %dma_wait3A_251 = arith.constant 0 : i32
    %dma_wait3A_252 = arith.constant 0 : i32
    %dma_wait3A_253 = tpu.memref_slice %arg6[%dma_wait3A_251, %dma_wait3A_252] : memref<32x1000000xf32, #tpu.memory_space<hbm>> -> memref<32x128xf32, #tpu.memory_space<hbm>>
    tpu.wait_dma2 semaphore(%arg14 : memref<!tpu.dma_semaphore, #tpu.memory_space<semaphore_mem>>) src(%dma_wait3A_253 : memref<32x128xf32, #tpu.memory_space<hbm>>) dst(%dma_wait3A_250 : memref<32x128xf32, #tpu.memory_space<vmem>>)
    %dma_wait3A_254 = arith.constant 0 : i32
    %dma_wait3A_255 = arith.constant 0 : i32
    %dma_wait3A_256 = arith.constant 0 : i32
    %dma_wait3A_257 = tpu.memref_slice %arg9[%dma_wait3A_254, %dma_wait3A_255, %dma_wait3A_256] : memref<16x32x128xf32, #tpu.memory_space<vmem>> -> memref<1x32x128xf32, #tpu.memory_space<vmem>>
    %dma_wait3A_258 = tpu.memref_squeeze %dma_wait3A_257 : memref<1x32x128xf32, #tpu.memory_space<vmem>> -> memref<32x128xf32, #tpu.memory_space<vmem>>
    %dma_wait3A_259 = arith.constant 0 : i32
    %dma_wait3A_260 = arith.constant 0 : i32
    %dma_wait3A_261 = tpu.memref_slice %arg6[%dma_wait3A_259, %dma_wait3A_260] : memref<32x1000000xf32, #tpu.memory_space<hbm>> -> memref<32x128xf32, #tpu.memory_space<hbm>>
    %dma_wait3A_262 = arith.constant 0 : i32
    %dma_wait3A_263 = arith.constant 0 : i32
    %dma_wait3A_264 = tpu.memref_slice %arg9[%dma_wait3A_254, %dma_wait3A_262, %dma_wait3A_263] : memref<16x32x128xf32, #tpu.memory_space<vmem>> -> memref<1x32x128xf32, #tpu.memory_space<vmem>>
    %dma_wait3A_265 = tpu.memref_squeeze %dma_wait3A_264 : memref<1x32x128xf32, #tpu.memory_space<vmem>> -> memref<32x128xf32, #tpu.memory_space<vmem>>
    %dma_wait3A_266 = arith.constant 0 : i32
    %dma_wait3A_267 = arith.constant 0 : i32
    %dma_wait3A_268 = tpu.memref_slice %arg6[%dma_wait3A_266, %dma_wait3A_267] : memref<32x1000000xf32, #tpu.memory_space<hbm>> -> memref<32x128xf32, #tpu.memory_space<hbm>>
    tpu.wait_dma2 semaphore(%arg14 : memref<!tpu.dma_semaphore, #tpu.memory_space<semaphore_mem>>) src(%dma_wait3A_268 : memref<32x128xf32, #tpu.memory_space<hbm>>) dst(%dma_wait3A_265 : memref<32x128xf32, #tpu.memory_space<vmem>>)
    %dma_wait3A_269 = arith.constant 0 : i32
    %dma_wait3A_270 = arith.constant 0 : i32
    %dma_wait3A_271 = arith.constant 0 : i32
    %dma_wait3A_272 = tpu.memref_slice %arg9[%dma_wait3A_269, %dma_wait3A_270, %dma_wait3A_271] : memref<16x32x128xf32, #tpu.memory_space<vmem>> -> memref<1x32x128xf32, #tpu.memory_space<vmem>>
    %dma_wait3A_273 = tpu.memref_squeeze %dma_wait3A_272 : memref<1x32x128xf32, #tpu.memory_space<vmem>> -> memref<32x128xf32, #tpu.memory_space<vmem>>
    %dma_wait3A_274 = arith.constant 0 : i32
    %dma_wait3A_275 = arith.constant 0 : i32
    %dma_wait3A_276 = tpu.memref_slice %arg6[%dma_wait3A_274, %dma_wait3A_275] : memref<32x1000000xf32, #tpu.memory_space<hbm>> -> memref<32x128xf32, #tpu.memory_space<hbm>>
    %dma_wait3A_277 = arith.constant 0 : i32
    %dma_wait3A_278 = arith.constant 0 : i32
    %dma_wait3A_279 = tpu.memref_slice %arg9[%dma_wait3A_269, %dma_wait3A_277, %dma_wait3A_278] : memref<16x32x128xf32, #tpu.memory_space<vmem>> -> memref<1x32x128xf32, #tpu.memory_space<vmem>>
    %dma_wait3A_280 = tpu.memref_squeeze %dma_wait3A_279 : memref<1x32x128xf32, #tpu.memory_space<vmem>> -> memref<32x128xf32, #tpu.memory_space<vmem>>
    %dma_wait3A_281 = arith.constant 0 : i32
    %dma_wait3A_282 = arith.constant 0 : i32
    %dma_wait3A_283 = tpu.memref_slice %arg6[%dma_wait3A_281, %dma_wait3A_282] : memref<32x1000000xf32, #tpu.memory_space<hbm>> -> memref<32x128xf32, #tpu.memory_space<hbm>>
    tpu.wait_dma2 semaphore(%arg14 : memref<!tpu.dma_semaphore, #tpu.memory_space<semaphore_mem>>) src(%dma_wait3A_283 : memref<32x128xf32, #tpu.memory_space<hbm>>) dst(%dma_wait3A_280 : memref<32x128xf32, #tpu.memory_space<vmem>>)
    %add3A_284 = arith.constant 0 : i32
    %add3A_285 = vector.broadcast %add3A_284 : i32 to vector<16xi32>
    %add3A_286 = arith.addi %add3A_285, %iota3A : vector<16xi32>
    %mul3A_287 = arith.constant 35 : i32
    %mul3A_288 = vector.broadcast %mul3A_287 : i32 to vector<16xi32>
    %mul3A_289 = arith.muli %add3A_286, %mul3A_288 : vector<16xi32>
    %add3A_290 = arith.constant 32 : i32
    %add3A_291 = vector.broadcast %add3A_290 : i32 to vector<16xi32>
    %add3A_292 = arith.addi %mul3A_289, %add3A_291 : vector<16xi32>
    %get3A_293 = arith.constant 0 : index
    %get3A_294 = tpu.vector_load %arg10[%get3A_293] {strides = array<i32>} : memref<512xf32, #tpu.memory_space<vmem>>, vector<16xf32>,
    tpu.vector_store_idx %arg13[%add3A_292], %get3A_294 : memref<17920xf32, #tpu.memory_space<vmem>>[vector<16xi32>], vector<16xf32>,
    %add3A_295 = arith.constant 1 : i32
    %add3A_296 = vector.broadcast %add3A_295 : i32 to vector<16xi32>
    %add3A_297 = arith.addi %add3A_292, %add3A_296 : vector<16xi32>
    %get3A_298 = arith.constant 0 : index
    %get3A_299 = tpu.vector_load %arg11[%get3A_298] {strides = array<i32>} : memref<512xf32, #tpu.memory_space<vmem>>, vector<16xf32>,
    tpu.vector_store_idx %arg13[%add3A_297], %get3A_299 : memref<17920xf32, #tpu.memory_space<vmem>>[vector<16xi32>], vector<16xf32>,
    %add3A_300 = arith.constant 2 : i32
    %add3A_301 = vector.broadcast %add3A_300 : i32 to vector<16xi32>
    %add3A_302 = arith.addi %add3A_292, %add3A_301 : vector<16xi32>
    %get3A_303 = arith.constant 0 : index
    %get3A_304 = tpu.vector_load %arg12[%get3A_303] {strides = array<i32>} : memref<512xf32, #tpu.memory_space<vmem>>, vector<16xf32>,
    tpu.vector_store_idx %arg13[%add3A_302], %get3A_304 : memref<17920xf32, #tpu.memory_space<vmem>>[vector<16xi32>], vector<16xf32>,
    %add3A_305 = arith.constant 16 : i32
    %add3A_306 = vector.broadcast %add3A_305 : i32 to vector<16xi32>
    %add3A_307 = arith.addi %add3A_306, %iota3A : vector<16xi32>
    %mul3A_308 = arith.constant 35 : i32
    %mul3A_309 = vector.broadcast %mul3A_308 : i32 to vector<16xi32>
    %mul3A_310 = arith.muli %add3A_307, %mul3A_309 : vector<16xi32>
    %add3A_311 = arith.constant 32 : i32
    %add3A_312 = vector.broadcast %add3A_311 : i32 to vector<16xi32>
    %add3A_313 = arith.addi %mul3A_310, %add3A_312 : vector<16xi32>
    %get3A_314 = arith.constant 16 : index
    %get3A_315 = tpu.vector_load %arg10[%get3A_314] {strides = array<i32>} : memref<512xf32, #tpu.memory_space<vmem>>, vector<16xf32>,
    tpu.vector_store_idx %arg13[%add3A_313], %get3A_315 : memref<17920xf32, #tpu.memory_space<vmem>>[vector<16xi32>], vector<16xf32>,
    %add3A_316 = arith.constant 1 : i32
    %add3A_317 = vector.broadcast %add3A_316 : i32 to vector<16xi32>
    %add3A_318 = arith.addi %add3A_313, %add3A_317 : vector<16xi32>
    %get3A_319 = arith.constant 16 : index
    %get3A_320 = tpu.vector_load %arg11[%get3A_319] {strides = array<i32>} : memref<512xf32, #tpu.memory_space<vmem>>, vector<16xf32>,
    tpu.vector_store_idx %arg13[%add3A_318], %get3A_320 : memref<17920xf32, #tpu.memory_space<vmem>>[vector<16xi32>], vector<16xf32>,
    %add3A_321 = arith.constant 2 : i32
    %add3A_322 = vector.broadcast %add3A_321 : i32 to vector<16xi32>
    %add3A_323 = arith.addi %add3A_313, %add3A_322 : vector<16xi32>
    %get3A_324 = arith.constant 16 : index
    %get3A_325 = tpu.vector_load %arg12[%get3A_324] {strides = array<i32>} : memref<512xf32, #tpu.memory_space<vmem>>, vector<16xf32>,
    tpu.vector_store_idx %arg13[%add3A_323], %get3A_325 : memref<17920xf32, #tpu.memory_space<vmem>>[vector<16xi32>], vector<16xf32>,
    %add3A_326 = arith.constant 32 : i32
    %add3A_327 = vector.broadcast %add3A_326 : i32 to vector<16xi32>
    %add3A_328 = arith.addi %add3A_327, %iota3A : vector<16xi32>
    %mul3A_329 = arith.constant 35 : i32
    %mul3A_330 = vector.broadcast %mul3A_329 : i32 to vector<16xi32>
    %mul3A_331 = arith.muli %add3A_328, %mul3A_330 : vector<16xi32>
    %add3A_332 = arith.constant 32 : i32
    %add3A_333 = vector.broadcast %add3A_332 : i32 to vector<16xi32>
    %add3A_334 = arith.addi %mul3A_331, %add3A_333 : vector<16xi32>
    %get3A_335 = arith.constant 32 : index
    %get3A_336 = tpu.vector_load %arg10[%get3A_335] {strides = array<i32>} : memref<512xf32, #tpu.memory_space<vmem>>, vector<16xf32>,
    tpu.vector_store_idx %arg13[%add3A_334], %get3A_336 : memref<17920xf32, #tpu.memory_space<vmem>>[vector<16xi32>], vector<16xf32>,
    %add3A_337 = arith.constant 1 : i32
    %add3A_338 = vector.broadcast %add3A_337 : i32 to vector<16xi32>
    %add3A_339 = arith.addi %add3A_334, %add3A_338 : vector<16xi32>
    %get3A_340 = arith.constant 32 : index
    %get3A_341 = tpu.vector_load %arg11[%get3A_340] {strides = array<i32>} : memref<512xf32, #tpu.memory_space<vmem>>, vector<16xf32>,
    tpu.vector_store_idx %arg13[%add3A_339], %get3A_341 : memref<17920xf32, #tpu.memory_space<vmem>>[vector<16xi32>], vector<16xf32>,
    %add3A_342 = arith.constant 2 : i32
    %add3A_343 = vector.broadcast %add3A_342 : i32 to vector<16xi32>
    %add3A_344 = arith.addi %add3A_334, %add3A_343 : vector<16xi32>
    %get3A_345 = arith.constant 32 : index
    %get3A_346 = tpu.vector_load %arg12[%get3A_345] {strides = array<i32>} : memref<512xf32, #tpu.memory_space<vmem>>, vector<16xf32>,
    tpu.vector_store_idx %arg13[%add3A_344], %get3A_346 : memref<17920xf32, #tpu.memory_space<vmem>>[vector<16xi32>], vector<16xf32>,
    %add3A_347 = arith.constant 48 : i32
    %add3A_348 = vector.broadcast %add3A_347 : i32 to vector<16xi32>
    %add3A_349 = arith.addi %add3A_348, %iota3A : vector<16xi32>
    %mul3A_350 = arith.constant 35 : i32
    %mul3A_351 = vector.broadcast %mul3A_350 : i32 to vector<16xi32>
    %mul3A_352 = arith.muli %add3A_349, %mul3A_351 : vector<16xi32>
    %add3A_353 = arith.constant 32 : i32
    %add3A_354 = vector.broadcast %add3A_353 : i32 to vector<16xi32>
    %add3A_355 = arith.addi %mul3A_352, %add3A_354 : vector<16xi32>
    %get3A_356 = arith.constant 48 : index
    %get3A_357 = tpu.vector_load %arg10[%get3A_356] {strides = array<i32>} : memref<512xf32, #tpu.memory_space<vmem>>, vector<16xf32>,
    tpu.vector_store_idx %arg13[%add3A_355], %get3A_357 : memref<17920xf32, #tpu.memory_space<vmem>>[vector<16xi32>], vector<16xf32>,
    %add3A_358 = arith.constant 1 : i32
    %add3A_359 = vector.broadcast %add3A_358 : i32 to vector<16xi32>
    %add3A_360 = arith.addi %add3A_355, %add3A_359 : vector<16xi32>
    %get3A_361 = arith.constant 48 : index
    %get3A_362 = tpu.vector_load %arg11[%get3A_361] {strides = array<i32>} : memref<512xf32, #tpu.memory_space<vmem>>, vector<16xf32>,
    tpu.vector_store_idx %arg13[%add3A_360], %get3A_362 : memref<17920xf32, #tpu.memory_space<vmem>>[vector<16xi32>], vector<16xf32>,
    %add3A_363 = arith.constant 2 : i32
    %add3A_364 = vector.broadcast %add3A_363 : i32 to vector<16xi32>
    %add3A_365 = arith.addi %add3A_355, %add3A_364 : vector<16xi32>
    %get3A_366 = arith.constant 48 : index
    %get3A_367 = tpu.vector_load %arg12[%get3A_366] {strides = array<i32>} : memref<512xf32, #tpu.memory_space<vmem>>, vector<16xf32>,
    tpu.vector_store_idx %arg13[%add3A_365], %get3A_367 : memref<17920xf32, #tpu.memory_space<vmem>>[vector<16xi32>], vector<16xf32>,
    %add3A_368 = arith.constant 64 : i32
    %add3A_369 = vector.broadcast %add3A_368 : i32 to vector<16xi32>
    %add3A_370 = arith.addi %add3A_369, %iota3A : vector<16xi32>
    %mul3A_371 = arith.constant 35 : i32
    %mul3A_372 = vector.broadcast %mul3A_371 : i32 to vector<16xi32>
    %mul3A_373 = arith.muli %add3A_370, %mul3A_372 : vector<16xi32>
    %add3A_374 = arith.constant 32 : i32
    %add3A_375 = vector.broadcast %add3A_374 : i32 to vector<16xi32>
    %add3A_376 = arith.addi %mul3A_373, %add3A_375 : vector<16xi32>
    %get3A_377 = arith.constant 64 : index
    %get3A_378 = tpu.vector_load %arg10[%get3A_377] {strides = array<i32>} : memref<512xf32, #tpu.memory_space<vmem>>, vector<16xf32>,
    tpu.vector_store_idx %arg13[%add3A_376], %get3A_378 : memref<17920xf32, #tpu.memory_space<vmem>>[vector<16xi32>], vector<16xf32>,
    %add3A_379 = arith.constant 1 : i32
    %add3A_380 = vector.broadcast %add3A_379 : i32 to vector<16xi32>
    %add3A_381 = arith.addi %add3A_376, %add3A_380 : vector<16xi32>
    %get3A_382 = arith.constant 64 : index
    %get3A_383 = tpu.vector_load %arg11[%get3A_382] {strides = array<i32>} : memref<512xf32, #tpu.memory_space<vmem>>, vector<16xf32>,
    tpu.vector_store_idx %arg13[%add3A_381], %get3A_383 : memref<17920xf32, #tpu.memory_space<vmem>>[vector<16xi32>], vector<16xf32>,
    %add3A_384 = arith.constant 2 : i32
    %add3A_385 = vector.broadcast %add3A_384 : i32 to vector<16xi32>
    %add3A_386 = arith.addi %add3A_376, %add3A_385 : vector<16xi32>
    %get3A_387 = arith.constant 64 : index
    %get3A_388 = tpu.vector_load %arg12[%get3A_387] {strides = array<i32>} : memref<512xf32, #tpu.memory_space<vmem>>, vector<16xf32>,
    tpu.vector_store_idx %arg13[%add3A_386], %get3A_388 : memref<17920xf32, #tpu.memory_space<vmem>>[vector<16xi32>], vector<16xf32>,
    %add3A_389 = arith.constant 80 : i32
    %add3A_390 = vector.broadcast %add3A_389 : i32 to vector<16xi32>
    %add3A_391 = arith.addi %add3A_390, %iota3A : vector<16xi32>
    %mul3A_392 = arith.constant 35 : i32
    %mul3A_393 = vector.broadcast %mul3A_392 : i32 to vector<16xi32>
    %mul3A_394 = arith.muli %add3A_391, %mul3A_393 : vector<16xi32>
    %add3A_395 = arith.constant 32 : i32
    %add3A_396 = vector.broadcast %add3A_395 : i32 to vector<16xi32>
    %add3A_397 = arith.addi %mul3A_394, %add3A_396 : vector<16xi32>
    %get3A_398 = arith.constant 80 : index
    %get3A_399 = tpu.vector_load %arg10[%get3A_398] {strides = array<i32>} : memref<512xf32, #tpu.memory_space<vmem>>, vector<16xf32>,
    tpu.vector_store_idx %arg13[%add3A_397], %get3A_399 : memref<17920xf32, #tpu.memory_space<vmem>>[vector<16xi32>], vector<16xf32>,
    %add3A_400 = arith.constant 1 : i32
    %add3A_401 = vector.broadcast %add3A_400 : i32 to vector<16xi32>
    %add3A_402 = arith.addi %add3A_397, %add3A_401 : vector<16xi32>
    %get3A_403 = arith.constant 80 : index
    %get3A_404 = tpu.vector_load %arg11[%get3A_403] {strides = array<i32>} : memref<512xf32, #tpu.memory_space<vmem>>, vector<16xf32>,
    tpu.vector_store_idx %arg13[%add3A_402], %get3A_404 : memref<17920xf32, #tpu.memory_space<vmem>>[vector<16xi32>], vector<16xf32>,
    %add3A_405 = arith.constant 2 : i32
    %add3A_406 = vector.broadcast %add3A_405 : i32 to vector<16xi32>
    %add3A_407 = arith.addi %add3A_397, %add3A_406 : vector<16xi32>
    %get3A_408 = arith.constant 80 : index
    %get3A_409 = tpu.vector_load %arg12[%get3A_408] {strides = array<i32>} : memref<512xf32, #tpu.memory_space<vmem>>, vector<16xf32>,
    tpu.vector_store_idx %arg13[%add3A_407], %get3A_409 : memref<17920xf32, #tpu.memory_space<vmem>>[vector<16xi32>], vector<16xf32>,
    %add3A_410 = arith.constant 96 : i32
    %add3A_411 = vector.broadcast %add3A_410 : i32 to vector<16xi32>
    %add3A_412 = arith.addi %add3A_411, %iota3A : vector<16xi32>
    %mul3A_413 = arith.constant 35 : i32
    %mul3A_414 = vector.broadcast %mul3A_413 : i32 to vector<16xi32>
    %mul3A_415 = arith.muli %add3A_412, %mul3A_414 : vector<16xi32>
    %add3A_416 = arith.constant 32 : i32
    %add3A_417 = vector.broadcast %add3A_416 : i32 to vector<16xi32>
    %add3A_418 = arith.addi %mul3A_415, %add3A_417 : vector<16xi32>
    %get3A_419 = arith.constant 96 : index
    %get3A_420 = tpu.vector_load %arg10[%get3A_419] {strides = array<i32>} : memref<512xf32, #tpu.memory_space<vmem>>, vector<16xf32>,
    tpu.vector_store_idx %arg13[%add3A_418], %get3A_420 : memref<17920xf32, #tpu.memory_space<vmem>>[vector<16xi32>], vector<16xf32>,
    %add3A_421 = arith.constant 1 : i32
    %add3A_422 = vector.broadcast %add3A_421 : i32 to vector<16xi32>
    %add3A_423 = arith.addi %add3A_418, %add3A_422 : vector<16xi32>
    %get3A_424 = arith.constant 96 : index
    %get3A_425 = tpu.vector_load %arg11[%get3A_424] {strides = array<i32>} : memref<512xf32, #tpu.memory_space<vmem>>, vector<16xf32>,
    tpu.vector_store_idx %arg13[%add3A_423], %get3A_425 : memref<17920xf32, #tpu.memory_space<vmem>>[vector<16xi32>], vector<16xf32>,
    %add3A_426 = arith.constant 2 : i32
    %add3A_427 = vector.broadcast %add3A_426 : i32 to vector<16xi32>
    %add3A_428 = arith.addi %add3A_418, %add3A_427 : vector<16xi32>
    %get3A_429 = arith.constant 96 : index
    %get3A_430 = tpu.vector_load %arg12[%get3A_429] {strides = array<i32>} : memref<512xf32, #tpu.memory_space<vmem>>, vector<16xf32>,
    tpu.vector_store_idx %arg13[%add3A_428], %get3A_430 : memref<17920xf32, #tpu.memory_space<vmem>>[vector<16xi32>], vector<16xf32>,
    %add3A_431 = arith.constant 112 : i32
    %add3A_432 = vector.broadcast %add3A_431 : i32 to vector<16xi32>
    %add3A_433 = arith.addi %add3A_432, %iota3A : vector<16xi32>
    %mul3A_434 = arith.constant 35 : i32
    %mul3A_435 = vector.broadcast %mul3A_434 : i32 to vector<16xi32>
    %mul3A_436 = arith.muli %add3A_433, %mul3A_435 : vector<16xi32>
    %add3A_437 = arith.constant 32 : i32
    %add3A_438 = vector.broadcast %add3A_437 : i32 to vector<16xi32>
    %add3A_439 = arith.addi %mul3A_436, %add3A_438 : vector<16xi32>
    %get3A_440 = arith.constant 112 : index
    %get3A_441 = tpu.vector_load %arg10[%get3A_440] {strides = array<i32>} : memref<512xf32, #tpu.memory_space<vmem>>, vector<16xf32>,
    tpu.vector_store_idx %arg13[%add3A_439], %get3A_441 : memref<17920xf32, #tpu.memory_space<vmem>>[vector<16xi32>], vector<16xf32>,
    %add3A_442 = arith.constant 1 : i32
    %add3A_443 = vector.broadcast %add3A_442 : i32 to vector<16xi32>
    %add3A_444 = arith.addi %add3A_439, %add3A_443 : vector<16xi32>
    %get3A_445 = arith.constant 112 : index
    %get3A_446 = tpu.vector_load %arg11[%get3A_445] {strides = array<i32>} : memref<512xf32, #tpu.memory_space<vmem>>, vector<16xf32>,
    tpu.vector_store_idx %arg13[%add3A_444], %get3A_446 : memref<17920xf32, #tpu.memory_space<vmem>>[vector<16xi32>], vector<16xf32>,
    %add3A_447 = arith.constant 2 : i32
    %add3A_448 = vector.broadcast %add3A_447 : i32 to vector<16xi32>
    %add3A_449 = arith.addi %add3A_439, %add3A_448 : vector<16xi32>
    %get3A_450 = arith.constant 112 : index
    %get3A_451 = tpu.vector_load %arg12[%get3A_450] {strides = array<i32>} : memref<512xf32, #tpu.memory_space<vmem>>, vector<16xf32>,
    tpu.vector_store_idx %arg13[%add3A_449], %get3A_451 : memref<17920xf32, #tpu.memory_space<vmem>>[vector<16xi32>], vector<16xf32>,
    %add3A_452 = arith.constant 128 : i32
    %add3A_453 = vector.broadcast %add3A_452 : i32 to vector<16xi32>
    %add3A_454 = arith.addi %add3A_453, %iota3A : vector<16xi32>
    %mul3A_455 = arith.constant 35 : i32
    %mul3A_456 = vector.broadcast %mul3A_455 : i32 to vector<16xi32>
    %mul3A_457 = arith.muli %add3A_454, %mul3A_456 : vector<16xi32>
    %add3A_458 = arith.constant 32 : i32
    %add3A_459 = vector.broadcast %add3A_458 : i32 to vector<16xi32>
    %add3A_460 = arith.addi %mul3A_457, %add3A_459 : vector<16xi32>
    %get3A_461 = arith.constant 128 : index
    %get3A_462 = tpu.vector_load %arg10[%get3A_461] {strides = array<i32>} : memref<512xf32, #tpu.memory_space<vmem>>, vector<16xf32>,
    tpu.vector_store_idx %arg13[%add3A_460], %get3A_462 : memref<17920xf32, #tpu.memory_space<vmem>>[vector<16xi32>], vector<16xf32>,
    %add3A_463 = arith.constant 1 : i32
    %add3A_464 = vector.broadcast %add3A_463 : i32 to vector<16xi32>
    %add3A_465 = arith.addi %add3A_460, %add3A_464 : vector<16xi32>
    %get3A_466 = arith.constant 128 : index
    %get3A_467 = tpu.vector_load %arg11[%get3A_466] {strides = array<i32>} : memref<512xf32, #tpu.memory_space<vmem>>, vector<16xf32>,
    tpu.vector_store_idx %arg13[%add3A_465], %get3A_467 : memref<17920xf32, #tpu.memory_space<vmem>>[vector<16xi32>], vector<16xf32>,
    %add3A_468 = arith.constant 2 : i32
    %add3A_469 = vector.broadcast %add3A_468 : i32 to vector<16xi32>
    %add3A_470 = arith.addi %add3A_460, %add3A_469 : vector<16xi32>
    %get3A_471 = arith.constant 128 : index
    %get3A_472 = tpu.vector_load %arg12[%get3A_471] {strides = array<i32>} : memref<512xf32, #tpu.memory_space<vmem>>, vector<16xf32>,
    tpu.vector_store_idx %arg13[%add3A_470], %get3A_472 : memref<17920xf32, #tpu.memory_space<vmem>>[vector<16xi32>], vector<16xf32>,
    %add3A_473 = arith.constant 144 : i32
    %add3A_474 = vector.broadcast %add3A_473 : i32 to vector<16xi32>
    %add3A_475 = arith.addi %add3A_474, %iota3A : vector<16xi32>
    %mul3A_476 = arith.constant 35 : i32
    %mul3A_477 = vector.broadcast %mul3A_476 : i32 to vector<16xi32>
    %mul3A_478 = arith.muli %add3A_475, %mul3A_477 : vector<16xi32>
    %add3A_479 = arith.constant 32 : i32
    %add3A_480 = vector.broadcast %add3A_479 : i32 to vector<16xi32>
    %add3A_481 = arith.addi %mul3A_478, %add3A_480 : vector<16xi32>
    %get3A_482 = arith.constant 144 : index
    %get3A_483 = tpu.vector_load %arg10[%get3A_482] {strides = array<i32>} : memref<512xf32, #tpu.memory_space<vmem>>, vector<16xf32>,
    tpu.vector_store_idx %arg13[%add3A_481], %get3A_483 : memref<17920xf32, #tpu.memory_space<vmem>>[vector<16xi32>], vector<16xf32>,
    %add3A_484 = arith.constant 1 : i32
    %add3A_485 = vector.broadcast %add3A_484 : i32 to vector<16xi32>
    %add3A_486 = arith.addi %add3A_481, %add3A_485 : vector<16xi32>
    %get3A_487 = arith.constant 144 : index
    %get3A_488 = tpu.vector_load %arg11[%get3A_487] {strides = array<i32>} : memref<512xf32, #tpu.memory_space<vmem>>, vector<16xf32>,
    tpu.vector_store_idx %arg13[%add3A_486], %get3A_488 : memref<17920xf32, #tpu.memory_space<vmem>>[vector<16xi32>], vector<16xf32>,
    %add3A_489 = arith.constant 2 : i32
    %add3A_490 = vector.broadcast %add3A_489 : i32 to vector<16xi32>
    %add3A_491 = arith.addi %add3A_481, %add3A_490 : vector<16xi32>
    %get3A_492 = arith.constant 144 : index
    %get3A_493 = tpu.vector_load %arg12[%get3A_492] {strides = array<i32>} : memref<512xf32, #tpu.memory_space<vmem>>, vector<16xf32>,
    tpu.vector_store_idx %arg13[%add3A_491], %get3A_493 : memref<17920xf32, #tpu.memory_space<vmem>>[vector<16xi32>], vector<16xf32>,
    %add3A_494 = arith.constant 160 : i32
    %add3A_495 = vector.broadcast %add3A_494 : i32 to vector<16xi32>
    %add3A_496 = arith.addi %add3A_495, %iota3A : vector<16xi32>
    %mul3A_497 = arith.constant 35 : i32
    %mul3A_498 = vector.broadcast %mul3A_497 : i32 to vector<16xi32>
    %mul3A_499 = arith.muli %add3A_496, %mul3A_498 : vector<16xi32>
    %add3A_500 = arith.constant 32 : i32
    %add3A_501 = vector.broadcast %add3A_500 : i32 to vector<16xi32>
    %add3A_502 = arith.addi %mul3A_499, %add3A_501 : vector<16xi32>
    %get3A_503 = arith.constant 160 : index
    %get3A_504 = tpu.vector_load %arg10[%get3A_503] {strides = array<i32>} : memref<512xf32, #tpu.memory_space<vmem>>, vector<16xf32>,
    tpu.vector_store_idx %arg13[%add3A_502], %get3A_504 : memref<17920xf32, #tpu.memory_space<vmem>>[vector<16xi32>], vector<16xf32>,
    %add3A_505 = arith.constant 1 : i32
    %add3A_506 = vector.broadcast %add3A_505 : i32 to vector<16xi32>
    %add3A_507 = arith.addi %add3A_502, %add3A_506 : vector<16xi32>
    %get3A_508 = arith.constant 160 : index
    %get3A_509 = tpu.vector_load %arg11[%get3A_508] {strides = array<i32>} : memref<512xf32, #tpu.memory_space<vmem>>, vector<16xf32>,
    tpu.vector_store_idx %arg13[%add3A_507], %get3A_509 : memref<17920xf32, #tpu.memory_space<vmem>>[vector<16xi32>], vector<16xf32>,
    %add3A_510 = arith.constant 2 : i32
    %add3A_511 = vector.broadcast %add3A_510 : i32 to vector<16xi32>
    %add3A_512 = arith.addi %add3A_502, %add3A_511 : vector<16xi32>
    %get3A_513 = arith.constant 160 : index
    %get3A_514 = tpu.vector_load %arg12[%get3A_513] {strides = array<i32>} : memref<512xf32, #tpu.memory_space<vmem>>, vector<16xf32>,
    tpu.vector_store_idx %arg13[%add3A_512], %get3A_514 : memref<17920xf32, #tpu.memory_space<vmem>>[vector<16xi32>], vector<16xf32>,
    %add3A_515 = arith.constant 176 : i32
    %add3A_516 = vector.broadcast %add3A_515 : i32 to vector<16xi32>
    %add3A_517 = arith.addi %add3A_516, %iota3A : vector<16xi32>
    %mul3A_518 = arith.constant 35 : i32
    %mul3A_519 = vector.broadcast %mul3A_518 : i32 to vector<16xi32>
    %mul3A_520 = arith.muli %add3A_517, %mul3A_519 : vector<16xi32>
    %add3A_521 = arith.constant 32 : i32
    %add3A_522 = vector.broadcast %add3A_521 : i32 to vector<16xi32>
    %add3A_523 = arith.addi %mul3A_520, %add3A_522 : vector<16xi32>
    %get3A_524 = arith.constant 176 : index
    %get3A_525 = tpu.vector_load %arg10[%get3A_524] {strides = array<i32>} : memref<512xf32, #tpu.memory_space<vmem>>, vector<16xf32>,
    tpu.vector_store_idx %arg13[%add3A_523], %get3A_525 : memref<17920xf32, #tpu.memory_space<vmem>>[vector<16xi32>], vector<16xf32>,
    %add3A_526 = arith.constant 1 : i32
    %add3A_527 = vector.broadcast %add3A_526 : i32 to vector<16xi32>
    %add3A_528 = arith.addi %add3A_523, %add3A_527 : vector<16xi32>
    %get3A_529 = arith.constant 176 : index
    %get3A_530 = tpu.vector_load %arg11[%get3A_529] {strides = array<i32>} : memref<512xf32, #tpu.memory_space<vmem>>, vector<16xf32>,
    tpu.vector_store_idx %arg13[%add3A_528], %get3A_530 : memref<17920xf32, #tpu.memory_space<vmem>>[vector<16xi32>], vector<16xf32>,
    %add3A_531 = arith.constant 2 : i32
    %add3A_532 = vector.broadcast %add3A_531 : i32 to vector<16xi32>
    %add3A_533 = arith.addi %add3A_523, %add3A_532 : vector<16xi32>
    %get3A_534 = arith.constant 176 : index
    %get3A_535 = tpu.vector_load %arg12[%get3A_534] {strides = array<i32>} : memref<512xf32, #tpu.memory_space<vmem>>, vector<16xf32>,
    tpu.vector_store_idx %arg13[%add3A_533], %get3A_535 : memref<17920xf32, #tpu.memory_space<vmem>>[vector<16xi32>], vector<16xf32>,
    %add3A_536 = arith.constant 192 : i32
    %add3A_537 = vector.broadcast %add3A_536 : i32 to vector<16xi32>
    %add3A_538 = arith.addi %add3A_537, %iota3A : vector<16xi32>
    %mul3A_539 = arith.constant 35 : i32
    %mul3A_540 = vector.broadcast %mul3A_539 : i32 to vector<16xi32>
    %mul3A_541 = arith.muli %add3A_538, %mul3A_540 : vector<16xi32>
    %add3A_542 = arith.constant 32 : i32
    %add3A_543 = vector.broadcast %add3A_542 : i32 to vector<16xi32>
    %add3A_544 = arith.addi %mul3A_541, %add3A_543 : vector<16xi32>
    %get3A_545 = arith.constant 192 : index
    %get3A_546 = tpu.vector_load %arg10[%get3A_545] {strides = array<i32>} : memref<512xf32, #tpu.memory_space<vmem>>, vector<16xf32>,
    tpu.vector_store_idx %arg13[%add3A_544], %get3A_546 : memref<17920xf32, #tpu.memory_space<vmem>>[vector<16xi32>], vector<16xf32>,
    %add3A_547 = arith.constant 1 : i32
    %add3A_548 = vector.broadcast %add3A_547 : i32 to vector<16xi32>
    %add3A_549 = arith.addi %add3A_544, %add3A_548 : vector<16xi32>
    %get3A_550 = arith.constant 192 : index
    %get3A_551 = tpu.vector_load %arg11[%get3A_550] {strides = array<i32>} : memref<512xf32, #tpu.memory_space<vmem>>, vector<16xf32>,
    tpu.vector_store_idx %arg13[%add3A_549], %get3A_551 : memref<17920xf32, #tpu.memory_space<vmem>>[vector<16xi32>], vector<16xf32>,
    %add3A_552 = arith.constant 2 : i32
    %add3A_553 = vector.broadcast %add3A_552 : i32 to vector<16xi32>
    %add3A_554 = arith.addi %add3A_544, %add3A_553 : vector<16xi32>
    %get3A_555 = arith.constant 192 : index
    %get3A_556 = tpu.vector_load %arg12[%get3A_555] {strides = array<i32>} : memref<512xf32, #tpu.memory_space<vmem>>, vector<16xf32>,
    tpu.vector_store_idx %arg13[%add3A_554], %get3A_556 : memref<17920xf32, #tpu.memory_space<vmem>>[vector<16xi32>], vector<16xf32>,
    %add3A_557 = arith.constant 208 : i32
    %add3A_558 = vector.broadcast %add3A_557 : i32 to vector<16xi32>
    %add3A_559 = arith.addi %add3A_558, %iota3A : vector<16xi32>
    %mul3A_560 = arith.constant 35 : i32
    %mul3A_561 = vector.broadcast %mul3A_560 : i32 to vector<16xi32>
    %mul3A_562 = arith.muli %add3A_559, %mul3A_561 : vector<16xi32>
    %add3A_563 = arith.constant 32 : i32
    %add3A_564 = vector.broadcast %add3A_563 : i32 to vector<16xi32>
    %add3A_565 = arith.addi %mul3A_562, %add3A_564 : vector<16xi32>
    %get3A_566 = arith.constant 208 : index
    %get3A_567 = tpu.vector_load %arg10[%get3A_566] {strides = array<i32>} : memref<512xf32, #tpu.memory_space<vmem>>, vector<16xf32>,
    tpu.vector_store_idx %arg13[%add3A_565], %get3A_567 : memref<17920xf32, #tpu.memory_space<vmem>>[vector<16xi32>], vector<16xf32>,
    %add3A_568 = arith.constant 1 : i32
    %add3A_569 = vector.broadcast %add3A_568 : i32 to vector<16xi32>
    %add3A_570 = arith.addi %add3A_565, %add3A_569 : vector<16xi32>
    %get3A_571 = arith.constant 208 : index
    %get3A_572 = tpu.vector_load %arg11[%get3A_571] {strides = array<i32>} : memref<512xf32, #tpu.memory_space<vmem>>, vector<16xf32>,
    tpu.vector_store_idx %arg13[%add3A_570], %get3A_572 : memref<17920xf32, #tpu.memory_space<vmem>>[vector<16xi32>], vector<16xf32>,
    %add3A_573 = arith.constant 2 : i32
    %add3A_574 = vector.broadcast %add3A_573 : i32 to vector<16xi32>
    %add3A_575 = arith.addi %add3A_565, %add3A_574 : vector<16xi32>
    %get3A_576 = arith.constant 208 : index
    %get3A_577 = tpu.vector_load %arg12[%get3A_576] {strides = array<i32>} : memref<512xf32, #tpu.memory_space<vmem>>, vector<16xf32>,
    tpu.vector_store_idx %arg13[%add3A_575], %get3A_577 : memref<17920xf32, #tpu.memory_space<vmem>>[vector<16xi32>], vector<16xf32>,
    %add3A_578 = arith.constant 224 : i32
    %add3A_579 = vector.broadcast %add3A_578 : i32 to vector<16xi32>
    %add3A_580 = arith.addi %add3A_579, %iota3A : vector<16xi32>
    %mul3A_581 = arith.constant 35 : i32
    %mul3A_582 = vector.broadcast %mul3A_581 : i32 to vector<16xi32>
    %mul3A_583 = arith.muli %add3A_580, %mul3A_582 : vector<16xi32>
    %add3A_584 = arith.constant 32 : i32
    %add3A_585 = vector.broadcast %add3A_584 : i32 to vector<16xi32>
    %add3A_586 = arith.addi %mul3A_583, %add3A_585 : vector<16xi32>
    %get3A_587 = arith.constant 224 : index
    %get3A_588 = tpu.vector_load %arg10[%get3A_587] {strides = array<i32>} : memref<512xf32, #tpu.memory_space<vmem>>, vector<16xf32>,
    tpu.vector_store_idx %arg13[%add3A_586], %get3A_588 : memref<17920xf32, #tpu.memory_space<vmem>>[vector<16xi32>], vector<16xf32>,
    %add3A_589 = arith.constant 1 : i32
    %add3A_590 = vector.broadcast %add3A_589 : i32 to vector<16xi32>
    %add3A_591 = arith.addi %add3A_586, %add3A_590 : vector<16xi32>
    %get3A_592 = arith.constant 224 : index
    %get3A_593 = tpu.vector_load %arg11[%get3A_592] {strides = array<i32>} : memref<512xf32, #tpu.memory_space<vmem>>, vector<16xf32>,
    tpu.vector_store_idx %arg13[%add3A_591], %get3A_593 : memref<17920xf32, #tpu.memory_space<vmem>>[vector<16xi32>], vector<16xf32>,
    %add3A_594 = arith.constant 2 : i32
    %add3A_595 = vector.broadcast %add3A_594 : i32 to vector<16xi32>
    %add3A_596 = arith.addi %add3A_586, %add3A_595 : vector<16xi32>
    %get3A_597 = arith.constant 224 : index
    %get3A_598 = tpu.vector_load %arg12[%get3A_597] {strides = array<i32>} : memref<512xf32, #tpu.memory_space<vmem>>, vector<16xf32>,
    tpu.vector_store_idx %arg13[%add3A_596], %get3A_598 : memref<17920xf32, #tpu.memory_space<vmem>>[vector<16xi32>], vector<16xf32>,
    %add3A_599 = arith.constant 240 : i32
    %add3A_600 = vector.broadcast %add3A_599 : i32 to vector<16xi32>
    %add3A_601 = arith.addi %add3A_600, %iota3A : vector<16xi32>
    %mul3A_602 = arith.constant 35 : i32
    %mul3A_603 = vector.broadcast %mul3A_602 : i32 to vector<16xi32>
    %mul3A_604 = arith.muli %add3A_601, %mul3A_603 : vector<16xi32>
    %add3A_605 = arith.constant 32 : i32
    %add3A_606 = vector.broadcast %add3A_605 : i32 to vector<16xi32>
    %add3A_607 = arith.addi %mul3A_604, %add3A_606 : vector<16xi32>
    %get3A_608 = arith.constant 240 : index
    %get3A_609 = tpu.vector_load %arg10[%get3A_608] {strides = array<i32>} : memref<512xf32, #tpu.memory_space<vmem>>, vector<16xf32>,
    tpu.vector_store_idx %arg13[%add3A_607], %get3A_609 : memref<17920xf32, #tpu.memory_space<vmem>>[vector<16xi32>], vector<16xf32>,
    %add3A_610 = arith.constant 1 : i32
    %add3A_611 = vector.broadcast %add3A_610 : i32 to vector<16xi32>
    %add3A_612 = arith.addi %add3A_607, %add3A_611 : vector<16xi32>
    %get3A_613 = arith.constant 240 : index
    %get3A_614 = tpu.vector_load %arg11[%get3A_613] {strides = array<i32>} : memref<512xf32, #tpu.memory_space<vmem>>, vector<16xf32>,
    tpu.vector_store_idx %arg13[%add3A_612], %get3A_614 : memref<17920xf32, #tpu.memory_space<vmem>>[vector<16xi32>], vector<16xf32>,
    %add3A_615 = arith.constant 2 : i32
    %add3A_616 = vector.broadcast %add3A_615 : i32 to vector<16xi32>
    %add3A_617 = arith.addi %add3A_607, %add3A_616 : vector<16xi32>
    %get3A_618 = arith.constant 240 : index
    %get3A_619 = tpu.vector_load %arg12[%get3A_618] {strides = array<i32>} : memref<512xf32, #tpu.memory_space<vmem>>, vector<16xf32>,
    tpu.vector_store_idx %arg13[%add3A_617], %get3A_619 : memref<17920xf32, #tpu.memory_space<vmem>>[vector<16xi32>], vector<16xf32>,
    %add3A_620 = arith.constant 256 : i32
    %add3A_621 = vector.broadcast %add3A_620 : i32 to vector<16xi32>
    %add3A_622 = arith.addi %add3A_621, %iota3A : vector<16xi32>
    %mul3A_623 = arith.constant 35 : i32
    %mul3A_624 = vector.broadcast %mul3A_623 : i32 to vector<16xi32>
    %mul3A_625 = arith.muli %add3A_622, %mul3A_624 : vector<16xi32>
    %add3A_626 = arith.constant 32 : i32
    %add3A_627 = vector.broadcast %add3A_626 : i32 to vector<16xi32>
    %add3A_628 = arith.addi %mul3A_625, %add3A_627 : vector<16xi32>
    %get3A_629 = arith.constant 256 : index
    %get3A_630 = tpu.vector_load %arg10[%get3A_629] {strides = array<i32>} : memref<512xf32, #tpu.memory_space<vmem>>, vector<16xf32>,
    tpu.vector_store_idx %arg13[%add3A_628], %get3A_630 : memref<17920xf32, #tpu.memory_space<vmem>>[vector<16xi32>], vector<16xf32>,
    %add3A_631 = arith.constant 1 : i32
    %add3A_632 = vector.broadcast %add3A_631 : i32 to vector<16xi32>
    %add3A_633 = arith.addi %add3A_628, %add3A_632 : vector<16xi32>
    %get3A_634 = arith.constant 256 : index
    %get3A_635 = tpu.vector_load %arg11[%get3A_634] {strides = array<i32>} : memref<512xf32, #tpu.memory_space<vmem>>, vector<16xf32>,
    tpu.vector_store_idx %arg13[%add3A_633], %get3A_635 : memref<17920xf32, #tpu.memory_space<vmem>>[vector<16xi32>], vector<16xf32>,
    %add3A_636 = arith.constant 2 : i32
    %add3A_637 = vector.broadcast %add3A_636 : i32 to vector<16xi32>
    %add3A_638 = arith.addi %add3A_628, %add3A_637 : vector<16xi32>
    %get3A_639 = arith.constant 256 : index
    %get3A_640 = tpu.vector_load %arg12[%get3A_639] {strides = array<i32>} : memref<512xf32, #tpu.memory_space<vmem>>, vector<16xf32>,
    tpu.vector_store_idx %arg13[%add3A_638], %get3A_640 : memref<17920xf32, #tpu.memory_space<vmem>>[vector<16xi32>], vector<16xf32>,
    %add3A_641 = arith.constant 272 : i32
    %add3A_642 = vector.broadcast %add3A_641 : i32 to vector<16xi32>
    %add3A_643 = arith.addi %add3A_642, %iota3A : vector<16xi32>
    %mul3A_644 = arith.constant 35 : i32
    %mul3A_645 = vector.broadcast %mul3A_644 : i32 to vector<16xi32>
    %mul3A_646 = arith.muli %add3A_643, %mul3A_645 : vector<16xi32>
    %add3A_647 = arith.constant 32 : i32
    %add3A_648 = vector.broadcast %add3A_647 : i32 to vector<16xi32>
    %add3A_649 = arith.addi %mul3A_646, %add3A_648 : vector<16xi32>
    %get3A_650 = arith.constant 272 : index
    %get3A_651 = tpu.vector_load %arg10[%get3A_650] {strides = array<i32>} : memref<512xf32, #tpu.memory_space<vmem>>, vector<16xf32>,
    tpu.vector_store_idx %arg13[%add3A_649], %get3A_651 : memref<17920xf32, #tpu.memory_space<vmem>>[vector<16xi32>], vector<16xf32>,
    %add3A_652 = arith.constant 1 : i32
    %add3A_653 = vector.broadcast %add3A_652 : i32 to vector<16xi32>
    %add3A_654 = arith.addi %add3A_649, %add3A_653 : vector<16xi32>
    %get3A_655 = arith.constant 272 : index
    %get3A_656 = tpu.vector_load %arg11[%get3A_655] {strides = array<i32>} : memref<512xf32, #tpu.memory_space<vmem>>, vector<16xf32>,
    tpu.vector_store_idx %arg13[%add3A_654], %get3A_656 : memref<17920xf32, #tpu.memory_space<vmem>>[vector<16xi32>], vector<16xf32>,
    %add3A_657 = arith.constant 2 : i32
    %add3A_658 = vector.broadcast %add3A_657 : i32 to vector<16xi32>
    %add3A_659 = arith.addi %add3A_649, %add3A_658 : vector<16xi32>
    %get3A_660 = arith.constant 272 : index
    %get3A_661 = tpu.vector_load %arg12[%get3A_660] {strides = array<i32>} : memref<512xf32, #tpu.memory_space<vmem>>, vector<16xf32>,
    tpu.vector_store_idx %arg13[%add3A_659], %get3A_661 : memref<17920xf32, #tpu.memory_space<vmem>>[vector<16xi32>], vector<16xf32>,
    %add3A_662 = arith.constant 288 : i32
    %add3A_663 = vector.broadcast %add3A_662 : i32 to vector<16xi32>
    %add3A_664 = arith.addi %add3A_663, %iota3A : vector<16xi32>
    %mul3A_665 = arith.constant 35 : i32
    %mul3A_666 = vector.broadcast %mul3A_665 : i32 to vector<16xi32>
    %mul3A_667 = arith.muli %add3A_664, %mul3A_666 : vector<16xi32>
    %add3A_668 = arith.constant 32 : i32
    %add3A_669 = vector.broadcast %add3A_668 : i32 to vector<16xi32>
    %add3A_670 = arith.addi %mul3A_667, %add3A_669 : vector<16xi32>
    %get3A_671 = arith.constant 288 : index
    %get3A_672 = tpu.vector_load %arg10[%get3A_671] {strides = array<i32>} : memref<512xf32, #tpu.memory_space<vmem>>, vector<16xf32>,
    tpu.vector_store_idx %arg13[%add3A_670], %get3A_672 : memref<17920xf32, #tpu.memory_space<vmem>>[vector<16xi32>], vector<16xf32>,
    %add3A_673 = arith.constant 1 : i32
    %add3A_674 = vector.broadcast %add3A_673 : i32 to vector<16xi32>
    %add3A_675 = arith.addi %add3A_670, %add3A_674 : vector<16xi32>
    %get3A_676 = arith.constant 288 : index
    %get3A_677 = tpu.vector_load %arg11[%get3A_676] {strides = array<i32>} : memref<512xf32, #tpu.memory_space<vmem>>, vector<16xf32>,
    tpu.vector_store_idx %arg13[%add3A_675], %get3A_677 : memref<17920xf32, #tpu.memory_space<vmem>>[vector<16xi32>], vector<16xf32>,
    %add3A_678 = arith.constant 2 : i32
    %add3A_679 = vector.broadcast %add3A_678 : i32 to vector<16xi32>
    %add3A_680 = arith.addi %add3A_670, %add3A_679 : vector<16xi32>
    %get3A_681 = arith.constant 288 : index
    %get3A_682 = tpu.vector_load %arg12[%get3A_681] {strides = array<i32>} : memref<512xf32, #tpu.memory_space<vmem>>, vector<16xf32>,
    tpu.vector_store_idx %arg13[%add3A_680], %get3A_682 : memref<17920xf32, #tpu.memory_space<vmem>>[vector<16xi32>], vector<16xf32>,
    %add3A_683 = arith.constant 304 : i32
    %add3A_684 = vector.broadcast %add3A_683 : i32 to vector<16xi32>
    %add3A_685 = arith.addi %add3A_684, %iota3A : vector<16xi32>
    %mul3A_686 = arith.constant 35 : i32
    %mul3A_687 = vector.broadcast %mul3A_686 : i32 to vector<16xi32>
    %mul3A_688 = arith.muli %add3A_685, %mul3A_687 : vector<16xi32>
    %add3A_689 = arith.constant 32 : i32
    %add3A_690 = vector.broadcast %add3A_689 : i32 to vector<16xi32>
    %add3A_691 = arith.addi %mul3A_688, %add3A_690 : vector<16xi32>
    %get3A_692 = arith.constant 304 : index
    %get3A_693 = tpu.vector_load %arg10[%get3A_692] {strides = array<i32>} : memref<512xf32, #tpu.memory_space<vmem>>, vector<16xf32>,
    tpu.vector_store_idx %arg13[%add3A_691], %get3A_693 : memref<17920xf32, #tpu.memory_space<vmem>>[vector<16xi32>], vector<16xf32>,
    %add3A_694 = arith.constant 1 : i32
    %add3A_695 = vector.broadcast %add3A_694 : i32 to vector<16xi32>
    %add3A_696 = arith.addi %add3A_691, %add3A_695 : vector<16xi32>
    %get3A_697 = arith.constant 304 : index
    %get3A_698 = tpu.vector_load %arg11[%get3A_697] {strides = array<i32>} : memref<512xf32, #tpu.memory_space<vmem>>, vector<16xf32>,
    tpu.vector_store_idx %arg13[%add3A_696], %get3A_698 : memref<17920xf32, #tpu.memory_space<vmem>>[vector<16xi32>], vector<16xf32>,
    %add3A_699 = arith.constant 2 : i32
    %add3A_700 = vector.broadcast %add3A_699 : i32 to vector<16xi32>
    %add3A_701 = arith.addi %add3A_691, %add3A_700 : vector<16xi32>
    %get3A_702 = arith.constant 304 : index
    %get3A_703 = tpu.vector_load %arg12[%get3A_702] {strides = array<i32>} : memref<512xf32, #tpu.memory_space<vmem>>, vector<16xf32>,
    tpu.vector_store_idx %arg13[%add3A_701], %get3A_703 : memref<17920xf32, #tpu.memory_space<vmem>>[vector<16xi32>], vector<16xf32>,
    %add3A_704 = arith.constant 320 : i32
    %add3A_705 = vector.broadcast %add3A_704 : i32 to vector<16xi32>
    %add3A_706 = arith.addi %add3A_705, %iota3A : vector<16xi32>
    %mul3A_707 = arith.constant 35 : i32
    %mul3A_708 = vector.broadcast %mul3A_707 : i32 to vector<16xi32>
    %mul3A_709 = arith.muli %add3A_706, %mul3A_708 : vector<16xi32>
    %add3A_710 = arith.constant 32 : i32
    %add3A_711 = vector.broadcast %add3A_710 : i32 to vector<16xi32>
    %add3A_712 = arith.addi %mul3A_709, %add3A_711 : vector<16xi32>
    %get3A_713 = arith.constant 320 : index
    %get3A_714 = tpu.vector_load %arg10[%get3A_713] {strides = array<i32>} : memref<512xf32, #tpu.memory_space<vmem>>, vector<16xf32>,
    tpu.vector_store_idx %arg13[%add3A_712], %get3A_714 : memref<17920xf32, #tpu.memory_space<vmem>>[vector<16xi32>], vector<16xf32>,
    %add3A_715 = arith.constant 1 : i32
    %add3A_716 = vector.broadcast %add3A_715 : i32 to vector<16xi32>
    %add3A_717 = arith.addi %add3A_712, %add3A_716 : vector<16xi32>
    %get3A_718 = arith.constant 320 : index
    %get3A_719 = tpu.vector_load %arg11[%get3A_718] {strides = array<i32>} : memref<512xf32, #tpu.memory_space<vmem>>, vector<16xf32>,
    tpu.vector_store_idx %arg13[%add3A_717], %get3A_719 : memref<17920xf32, #tpu.memory_space<vmem>>[vector<16xi32>], vector<16xf32>,
    %add3A_720 = arith.constant 2 : i32
    %add3A_721 = vector.broadcast %add3A_720 : i32 to vector<16xi32>
    %add3A_722 = arith.addi %add3A_712, %add3A_721 : vector<16xi32>
    %get3A_723 = arith.constant 320 : index
    %get3A_724 = tpu.vector_load %arg12[%get3A_723] {strides = array<i32>} : memref<512xf32, #tpu.memory_space<vmem>>, vector<16xf32>,
    tpu.vector_store_idx %arg13[%add3A_722], %get3A_724 : memref<17920xf32, #tpu.memory_space<vmem>>[vector<16xi32>], vector<16xf32>,
    %add3A_725 = arith.constant 336 : i32
    %add3A_726 = vector.broadcast %add3A_725 : i32 to vector<16xi32>
    %add3A_727 = arith.addi %add3A_726, %iota3A : vector<16xi32>
    %mul3A_728 = arith.constant 35 : i32
    %mul3A_729 = vector.broadcast %mul3A_728 : i32 to vector<16xi32>
    %mul3A_730 = arith.muli %add3A_727, %mul3A_729 : vector<16xi32>
    %add3A_731 = arith.constant 32 : i32
    %add3A_732 = vector.broadcast %add3A_731 : i32 to vector<16xi32>
    %add3A_733 = arith.addi %mul3A_730, %add3A_732 : vector<16xi32>
    %get3A_734 = arith.constant 336 : index
    %get3A_735 = tpu.vector_load %arg10[%get3A_734] {strides = array<i32>} : memref<512xf32, #tpu.memory_space<vmem>>, vector<16xf32>,
    tpu.vector_store_idx %arg13[%add3A_733], %get3A_735 : memref<17920xf32, #tpu.memory_space<vmem>>[vector<16xi32>], vector<16xf32>,
    %add3A_736 = arith.constant 1 : i32
    %add3A_737 = vector.broadcast %add3A_736 : i32 to vector<16xi32>
    %add3A_738 = arith.addi %add3A_733, %add3A_737 : vector<16xi32>
    %get3A_739 = arith.constant 336 : index
    %get3A_740 = tpu.vector_load %arg11[%get3A_739] {strides = array<i32>} : memref<512xf32, #tpu.memory_space<vmem>>, vector<16xf32>,
    tpu.vector_store_idx %arg13[%add3A_738], %get3A_740 : memref<17920xf32, #tpu.memory_space<vmem>>[vector<16xi32>], vector<16xf32>,
    %add3A_741 = arith.constant 2 : i32
    %add3A_742 = vector.broadcast %add3A_741 : i32 to vector<16xi32>
    %add3A_743 = arith.addi %add3A_733, %add3A_742 : vector<16xi32>
    %get3A_744 = arith.constant 336 : index
    %get3A_745 = tpu.vector_load %arg12[%get3A_744] {strides = array<i32>} : memref<512xf32, #tpu.memory_space<vmem>>, vector<16xf32>,
    tpu.vector_store_idx %arg13[%add3A_743], %get3A_745 : memref<17920xf32, #tpu.memory_space<vmem>>[vector<16xi32>], vector<16xf32>,
    %add3A_746 = arith.constant 352 : i32
    %add3A_747 = vector.broadcast %add3A_746 : i32 to vector<16xi32>
    %add3A_748 = arith.addi %add3A_747, %iota3A : vector<16xi32>
    %mul3A_749 = arith.constant 35 : i32
    %mul3A_750 = vector.broadcast %mul3A_749 : i32 to vector<16xi32>
    %mul3A_751 = arith.muli %add3A_748, %mul3A_750 : vector<16xi32>
    %add3A_752 = arith.constant 32 : i32
    %add3A_753 = vector.broadcast %add3A_752 : i32 to vector<16xi32>
    %add3A_754 = arith.addi %mul3A_751, %add3A_753 : vector<16xi32>
    %get3A_755 = arith.constant 352 : index
    %get3A_756 = tpu.vector_load %arg10[%get3A_755] {strides = array<i32>} : memref<512xf32, #tpu.memory_space<vmem>>, vector<16xf32>,
    tpu.vector_store_idx %arg13[%add3A_754], %get3A_756 : memref<17920xf32, #tpu.memory_space<vmem>>[vector<16xi32>], vector<16xf32>,
    %add3A_757 = arith.constant 1 : i32
    %add3A_758 = vector.broadcast %add3A_757 : i32 to vector<16xi32>
    %add3A_759 = arith.addi %add3A_754, %add3A_758 : vector<16xi32>
    %get3A_760 = arith.constant 352 : index
    %get3A_761 = tpu.vector_load %arg11[%get3A_760] {strides = array<i32>} : memref<512xf32, #tpu.memory_space<vmem>>, vector<16xf32>,
    tpu.vector_store_idx %arg13[%add3A_759], %get3A_761 : memref<17920xf32, #tpu.memory_space<vmem>>[vector<16xi32>], vector<16xf32>,
    %add3A_762 = arith.constant 2 : i32
    %add3A_763 = vector.broadcast %add3A_762 : i32 to vector<16xi32>
    %add3A_764 = arith.addi %add3A_754, %add3A_763 : vector<16xi32>
    %get3A_765 = arith.constant 352 : index
    %get3A_766 = tpu.vector_load %arg12[%get3A_765] {strides = array<i32>} : memref<512xf32, #tpu.memory_space<vmem>>, vector<16xf32>,
    tpu.vector_store_idx %arg13[%add3A_764], %get3A_766 : memref<17920xf32, #tpu.memory_space<vmem>>[vector<16xi32>], vector<16xf32>,
    %add3A_767 = arith.constant 368 : i32
    %add3A_768 = vector.broadcast %add3A_767 : i32 to vector<16xi32>
    %add3A_769 = arith.addi %add3A_768, %iota3A : vector<16xi32>
    %mul3A_770 = arith.constant 35 : i32
    %mul3A_771 = vector.broadcast %mul3A_770 : i32 to vector<16xi32>
    %mul3A_772 = arith.muli %add3A_769, %mul3A_771 : vector<16xi32>
    %add3A_773 = arith.constant 32 : i32
    %add3A_774 = vector.broadcast %add3A_773 : i32 to vector<16xi32>
    %add3A_775 = arith.addi %mul3A_772, %add3A_774 : vector<16xi32>
    %get3A_776 = arith.constant 368 : index
    %get3A_777 = tpu.vector_load %arg10[%get3A_776] {strides = array<i32>} : memref<512xf32, #tpu.memory_space<vmem>>, vector<16xf32>,
    tpu.vector_store_idx %arg13[%add3A_775], %get3A_777 : memref<17920xf32, #tpu.memory_space<vmem>>[vector<16xi32>], vector<16xf32>,
    %add3A_778 = arith.constant 1 : i32
    %add3A_779 = vector.broadcast %add3A_778 : i32 to vector<16xi32>
    %add3A_780 = arith.addi %add3A_775, %add3A_779 : vector<16xi32>
    %get3A_781 = arith.constant 368 : index
    %get3A_782 = tpu.vector_load %arg11[%get3A_781] {strides = array<i32>} : memref<512xf32, #tpu.memory_space<vmem>>, vector<16xf32>,
    tpu.vector_store_idx %arg13[%add3A_780], %get3A_782 : memref<17920xf32, #tpu.memory_space<vmem>>[vector<16xi32>], vector<16xf32>,
    %add3A_783 = arith.constant 2 : i32
    %add3A_784 = vector.broadcast %add3A_783 : i32 to vector<16xi32>
    %add3A_785 = arith.addi %add3A_775, %add3A_784 : vector<16xi32>
    %get3A_786 = arith.constant 368 : index
    %get3A_787 = tpu.vector_load %arg12[%get3A_786] {strides = array<i32>} : memref<512xf32, #tpu.memory_space<vmem>>, vector<16xf32>,
    tpu.vector_store_idx %arg13[%add3A_785], %get3A_787 : memref<17920xf32, #tpu.memory_space<vmem>>[vector<16xi32>], vector<16xf32>,
    %add3A_788 = arith.constant 384 : i32
    %add3A_789 = vector.broadcast %add3A_788 : i32 to vector<16xi32>
    %add3A_790 = arith.addi %add3A_789, %iota3A : vector<16xi32>
    %mul3A_791 = arith.constant 35 : i32
    %mul3A_792 = vector.broadcast %mul3A_791 : i32 to vector<16xi32>
    %mul3A_793 = arith.muli %add3A_790, %mul3A_792 : vector<16xi32>
    %add3A_794 = arith.constant 32 : i32
    %add3A_795 = vector.broadcast %add3A_794 : i32 to vector<16xi32>
    %add3A_796 = arith.addi %mul3A_793, %add3A_795 : vector<16xi32>
    %get3A_797 = arith.constant 384 : index
    %get3A_798 = tpu.vector_load %arg10[%get3A_797] {strides = array<i32>} : memref<512xf32, #tpu.memory_space<vmem>>, vector<16xf32>,
    tpu.vector_store_idx %arg13[%add3A_796], %get3A_798 : memref<17920xf32, #tpu.memory_space<vmem>>[vector<16xi32>], vector<16xf32>,
    %add3A_799 = arith.constant 1 : i32
    %add3A_800 = vector.broadcast %add3A_799 : i32 to vector<16xi32>
    %add3A_801 = arith.addi %add3A_796, %add3A_800 : vector<16xi32>
    %get3A_802 = arith.constant 384 : index
    %get3A_803 = tpu.vector_load %arg11[%get3A_802] {strides = array<i32>} : memref<512xf32, #tpu.memory_space<vmem>>, vector<16xf32>,
    tpu.vector_store_idx %arg13[%add3A_801], %get3A_803 : memref<17920xf32, #tpu.memory_space<vmem>>[vector<16xi32>], vector<16xf32>,
    %add3A_804 = arith.constant 2 : i32
    %add3A_805 = vector.broadcast %add3A_804 : i32 to vector<16xi32>
    %add3A_806 = arith.addi %add3A_796, %add3A_805 : vector<16xi32>
    %get3A_807 = arith.constant 384 : index
    %get3A_808 = tpu.vector_load %arg12[%get3A_807] {strides = array<i32>} : memref<512xf32, #tpu.memory_space<vmem>>, vector<16xf32>,
    tpu.vector_store_idx %arg13[%add3A_806], %get3A_808 : memref<17920xf32, #tpu.memory_space<vmem>>[vector<16xi32>], vector<16xf32>,
    %add3A_809 = arith.constant 400 : i32
    %add3A_810 = vector.broadcast %add3A_809 : i32 to vector<16xi32>
    %add3A_811 = arith.addi %add3A_810, %iota3A : vector<16xi32>
    %mul3A_812 = arith.constant 35 : i32
    %mul3A_813 = vector.broadcast %mul3A_812 : i32 to vector<16xi32>
    %mul3A_814 = arith.muli %add3A_811, %mul3A_813 : vector<16xi32>
    %add3A_815 = arith.constant 32 : i32
    %add3A_816 = vector.broadcast %add3A_815 : i32 to vector<16xi32>
    %add3A_817 = arith.addi %mul3A_814, %add3A_816 : vector<16xi32>
    %get3A_818 = arith.constant 400 : index
    %get3A_819 = tpu.vector_load %arg10[%get3A_818] {strides = array<i32>} : memref<512xf32, #tpu.memory_space<vmem>>, vector<16xf32>,
    tpu.vector_store_idx %arg13[%add3A_817], %get3A_819 : memref<17920xf32, #tpu.memory_space<vmem>>[vector<16xi32>], vector<16xf32>,
    %add3A_820 = arith.constant 1 : i32
    %add3A_821 = vector.broadcast %add3A_820 : i32 to vector<16xi32>
    %add3A_822 = arith.addi %add3A_817, %add3A_821 : vector<16xi32>
    %get3A_823 = arith.constant 400 : index
    %get3A_824 = tpu.vector_load %arg11[%get3A_823] {strides = array<i32>} : memref<512xf32, #tpu.memory_space<vmem>>, vector<16xf32>,
    tpu.vector_store_idx %arg13[%add3A_822], %get3A_824 : memref<17920xf32, #tpu.memory_space<vmem>>[vector<16xi32>], vector<16xf32>,
    %add3A_825 = arith.constant 2 : i32
    %add3A_826 = vector.broadcast %add3A_825 : i32 to vector<16xi32>
    %add3A_827 = arith.addi %add3A_817, %add3A_826 : vector<16xi32>
    %get3A_828 = arith.constant 400 : index
    %get3A_829 = tpu.vector_load %arg12[%get3A_828] {strides = array<i32>} : memref<512xf32, #tpu.memory_space<vmem>>, vector<16xf32>,
    tpu.vector_store_idx %arg13[%add3A_827], %get3A_829 : memref<17920xf32, #tpu.memory_space<vmem>>[vector<16xi32>], vector<16xf32>,
    %add3A_830 = arith.constant 416 : i32
    %add3A_831 = vector.broadcast %add3A_830 : i32 to vector<16xi32>
    %add3A_832 = arith.addi %add3A_831, %iota3A : vector<16xi32>
    %mul3A_833 = arith.constant 35 : i32
    %mul3A_834 = vector.broadcast %mul3A_833 : i32 to vector<16xi32>
    %mul3A_835 = arith.muli %add3A_832, %mul3A_834 : vector<16xi32>
    %add3A_836 = arith.constant 32 : i32
    %add3A_837 = vector.broadcast %add3A_836 : i32 to vector<16xi32>
    %add3A_838 = arith.addi %mul3A_835, %add3A_837 : vector<16xi32>
    %get3A_839 = arith.constant 416 : index
    %get3A_840 = tpu.vector_load %arg10[%get3A_839] {strides = array<i32>} : memref<512xf32, #tpu.memory_space<vmem>>, vector<16xf32>,
    tpu.vector_store_idx %arg13[%add3A_838], %get3A_840 : memref<17920xf32, #tpu.memory_space<vmem>>[vector<16xi32>], vector<16xf32>,
    %add3A_841 = arith.constant 1 : i32
    %add3A_842 = vector.broadcast %add3A_841 : i32 to vector<16xi32>
    %add3A_843 = arith.addi %add3A_838, %add3A_842 : vector<16xi32>
    %get3A_844 = arith.constant 416 : index
    %get3A_845 = tpu.vector_load %arg11[%get3A_844] {strides = array<i32>} : memref<512xf32, #tpu.memory_space<vmem>>, vector<16xf32>,
    tpu.vector_store_idx %arg13[%add3A_843], %get3A_845 : memref<17920xf32, #tpu.memory_space<vmem>>[vector<16xi32>], vector<16xf32>,
    %add3A_846 = arith.constant 2 : i32
    %add3A_847 = vector.broadcast %add3A_846 : i32 to vector<16xi32>
    %add3A_848 = arith.addi %add3A_838, %add3A_847 : vector<16xi32>
    %get3A_849 = arith.constant 416 : index
    %get3A_850 = tpu.vector_load %arg12[%get3A_849] {strides = array<i32>} : memref<512xf32, #tpu.memory_space<vmem>>, vector<16xf32>,
    tpu.vector_store_idx %arg13[%add3A_848], %get3A_850 : memref<17920xf32, #tpu.memory_space<vmem>>[vector<16xi32>], vector<16xf32>,
    %add3A_851 = arith.constant 432 : i32
    %add3A_852 = vector.broadcast %add3A_851 : i32 to vector<16xi32>
    %add3A_853 = arith.addi %add3A_852, %iota3A : vector<16xi32>
    %mul3A_854 = arith.constant 35 : i32
    %mul3A_855 = vector.broadcast %mul3A_854 : i32 to vector<16xi32>
    %mul3A_856 = arith.muli %add3A_853, %mul3A_855 : vector<16xi32>
    %add3A_857 = arith.constant 32 : i32
    %add3A_858 = vector.broadcast %add3A_857 : i32 to vector<16xi32>
    %add3A_859 = arith.addi %mul3A_856, %add3A_858 : vector<16xi32>
    %get3A_860 = arith.constant 432 : index
    %get3A_861 = tpu.vector_load %arg10[%get3A_860] {strides = array<i32>} : memref<512xf32, #tpu.memory_space<vmem>>, vector<16xf32>,
    tpu.vector_store_idx %arg13[%add3A_859], %get3A_861 : memref<17920xf32, #tpu.memory_space<vmem>>[vector<16xi32>], vector<16xf32>,
    %add3A_862 = arith.constant 1 : i32
    %add3A_863 = vector.broadcast %add3A_862 : i32 to vector<16xi32>
    %add3A_864 = arith.addi %add3A_859, %add3A_863 : vector<16xi32>
    %get3A_865 = arith.constant 432 : index
    %get3A_866 = tpu.vector_load %arg11[%get3A_865] {strides = array<i32>} : memref<512xf32, #tpu.memory_space<vmem>>, vector<16xf32>,
    tpu.vector_store_idx %arg13[%add3A_864], %get3A_866 : memref<17920xf32, #tpu.memory_space<vmem>>[vector<16xi32>], vector<16xf32>,
    %add3A_867 = arith.constant 2 : i32
    %add3A_868 = vector.broadcast %add3A_867 : i32 to vector<16xi32>
    %add3A_869 = arith.addi %add3A_859, %add3A_868 : vector<16xi32>
    %get3A_870 = arith.constant 432 : index
    %get3A_871 = tpu.vector_load %arg12[%get3A_870] {strides = array<i32>} : memref<512xf32, #tpu.memory_space<vmem>>, vector<16xf32>,
    tpu.vector_store_idx %arg13[%add3A_869], %get3A_871 : memref<17920xf32, #tpu.memory_space<vmem>>[vector<16xi32>], vector<16xf32>,
    %add3A_872 = arith.constant 448 : i32
    %add3A_873 = vector.broadcast %add3A_872 : i32 to vector<16xi32>
    %add3A_874 = arith.addi %add3A_873, %iota3A : vector<16xi32>
    %mul3A_875 = arith.constant 35 : i32
    %mul3A_876 = vector.broadcast %mul3A_875 : i32 to vector<16xi32>
    %mul3A_877 = arith.muli %add3A_874, %mul3A_876 : vector<16xi32>
    %add3A_878 = arith.constant 32 : i32
    %add3A_879 = vector.broadcast %add3A_878 : i32 to vector<16xi32>
    %add3A_880 = arith.addi %mul3A_877, %add3A_879 : vector<16xi32>
    %get3A_881 = arith.constant 448 : index
    %get3A_882 = tpu.vector_load %arg10[%get3A_881] {strides = array<i32>} : memref<512xf32, #tpu.memory_space<vmem>>, vector<16xf32>,
    tpu.vector_store_idx %arg13[%add3A_880], %get3A_882 : memref<17920xf32, #tpu.memory_space<vmem>>[vector<16xi32>], vector<16xf32>,
    %add3A_883 = arith.constant 1 : i32
    %add3A_884 = vector.broadcast %add3A_883 : i32 to vector<16xi32>
    %add3A_885 = arith.addi %add3A_880, %add3A_884 : vector<16xi32>
    %get3A_886 = arith.constant 448 : index
    %get3A_887 = tpu.vector_load %arg11[%get3A_886] {strides = array<i32>} : memref<512xf32, #tpu.memory_space<vmem>>, vector<16xf32>,
    tpu.vector_store_idx %arg13[%add3A_885], %get3A_887 : memref<17920xf32, #tpu.memory_space<vmem>>[vector<16xi32>], vector<16xf32>,
    %add3A_888 = arith.constant 2 : i32
    %add3A_889 = vector.broadcast %add3A_888 : i32 to vector<16xi32>
    %add3A_890 = arith.addi %add3A_880, %add3A_889 : vector<16xi32>
    %get3A_891 = arith.constant 448 : index
    %get3A_892 = tpu.vector_load %arg12[%get3A_891] {strides = array<i32>} : memref<512xf32, #tpu.memory_space<vmem>>, vector<16xf32>,
    tpu.vector_store_idx %arg13[%add3A_890], %get3A_892 : memref<17920xf32, #tpu.memory_space<vmem>>[vector<16xi32>], vector<16xf32>,
    %add3A_893 = arith.constant 464 : i32
    %add3A_894 = vector.broadcast %add3A_893 : i32 to vector<16xi32>
    %add3A_895 = arith.addi %add3A_894, %iota3A : vector<16xi32>
    %mul3A_896 = arith.constant 35 : i32
    %mul3A_897 = vector.broadcast %mul3A_896 : i32 to vector<16xi32>
    %mul3A_898 = arith.muli %add3A_895, %mul3A_897 : vector<16xi32>
    %add3A_899 = arith.constant 32 : i32
    %add3A_900 = vector.broadcast %add3A_899 : i32 to vector<16xi32>
    %add3A_901 = arith.addi %mul3A_898, %add3A_900 : vector<16xi32>
    %get3A_902 = arith.constant 464 : index
    %get3A_903 = tpu.vector_load %arg10[%get3A_902] {strides = array<i32>} : memref<512xf32, #tpu.memory_space<vmem>>, vector<16xf32>,
    tpu.vector_store_idx %arg13[%add3A_901], %get3A_903 : memref<17920xf32, #tpu.memory_space<vmem>>[vector<16xi32>], vector<16xf32>,
    %add3A_904 = arith.constant 1 : i32
    %add3A_905 = vector.broadcast %add3A_904 : i32 to vector<16xi32>
    %add3A_906 = arith.addi %add3A_901, %add3A_905 : vector<16xi32>
    %get3A_907 = arith.constant 464 : index
    %get3A_908 = tpu.vector_load %arg11[%get3A_907] {strides = array<i32>} : memref<512xf32, #tpu.memory_space<vmem>>, vector<16xf32>,
    tpu.vector_store_idx %arg13[%add3A_906], %get3A_908 : memref<17920xf32, #tpu.memory_space<vmem>>[vector<16xi32>], vector<16xf32>,
    %add3A_909 = arith.constant 2 : i32
    %add3A_910 = vector.broadcast %add3A_909 : i32 to vector<16xi32>
    %add3A_911 = arith.addi %add3A_901, %add3A_910 : vector<16xi32>
    %get3A_912 = arith.constant 464 : index
    %get3A_913 = tpu.vector_load %arg12[%get3A_912] {strides = array<i32>} : memref<512xf32, #tpu.memory_space<vmem>>, vector<16xf32>,
    tpu.vector_store_idx %arg13[%add3A_911], %get3A_913 : memref<17920xf32, #tpu.memory_space<vmem>>[vector<16xi32>], vector<16xf32>,
    %add3A_914 = arith.constant 480 : i32
    %add3A_915 = vector.broadcast %add3A_914 : i32 to vector<16xi32>
    %add3A_916 = arith.addi %add3A_915, %iota3A : vector<16xi32>
    %mul3A_917 = arith.constant 35 : i32
    %mul3A_918 = vector.broadcast %mul3A_917 : i32 to vector<16xi32>
    %mul3A_919 = arith.muli %add3A_916, %mul3A_918 : vector<16xi32>
    %add3A_920 = arith.constant 32 : i32
    %add3A_921 = vector.broadcast %add3A_920 : i32 to vector<16xi32>
    %add3A_922 = arith.addi %mul3A_919, %add3A_921 : vector<16xi32>
    %get3A_923 = arith.constant 480 : index
    %get3A_924 = tpu.vector_load %arg10[%get3A_923] {strides = array<i32>} : memref<512xf32, #tpu.memory_space<vmem>>, vector<16xf32>,
    tpu.vector_store_idx %arg13[%add3A_922], %get3A_924 : memref<17920xf32, #tpu.memory_space<vmem>>[vector<16xi32>], vector<16xf32>,
    %add3A_925 = arith.constant 1 : i32
    %add3A_926 = vector.broadcast %add3A_925 : i32 to vector<16xi32>
    %add3A_927 = arith.addi %add3A_922, %add3A_926 : vector<16xi32>
    %get3A_928 = arith.constant 480 : index
    %get3A_929 = tpu.vector_load %arg11[%get3A_928] {strides = array<i32>} : memref<512xf32, #tpu.memory_space<vmem>>, vector<16xf32>,
    tpu.vector_store_idx %arg13[%add3A_927], %get3A_929 : memref<17920xf32, #tpu.memory_space<vmem>>[vector<16xi32>], vector<16xf32>,
    %add3A_930 = arith.constant 2 : i32
    %add3A_931 = vector.broadcast %add3A_930 : i32 to vector<16xi32>
    %add3A_932 = arith.addi %add3A_922, %add3A_931 : vector<16xi32>
    %get3A_933 = arith.constant 480 : index
    %get3A_934 = tpu.vector_load %arg12[%get3A_933] {strides = array<i32>} : memref<512xf32, #tpu.memory_space<vmem>>, vector<16xf32>,
    tpu.vector_store_idx %arg13[%add3A_932], %get3A_934 : memref<17920xf32, #tpu.memory_space<vmem>>[vector<16xi32>], vector<16xf32>,
    %add3A_935 = arith.constant 496 : i32
    %add3A_936 = vector.broadcast %add3A_935 : i32 to vector<16xi32>
    %add3A_937 = arith.addi %add3A_936, %iota3A : vector<16xi32>
    %mul3A_938 = arith.constant 35 : i32
    %mul3A_939 = vector.broadcast %mul3A_938 : i32 to vector<16xi32>
    %mul3A_940 = arith.muli %add3A_937, %mul3A_939 : vector<16xi32>
    %add3A_941 = arith.constant 32 : i32
    %add3A_942 = vector.broadcast %add3A_941 : i32 to vector<16xi32>
    %add3A_943 = arith.addi %mul3A_940, %add3A_942 : vector<16xi32>
    %get3A_944 = arith.constant 496 : index
    %get3A_945 = tpu.vector_load %arg10[%get3A_944] {strides = array<i32>} : memref<512xf32, #tpu.memory_space<vmem>>, vector<16xf32>,
    tpu.vector_store_idx %arg13[%add3A_943], %get3A_945 : memref<17920xf32, #tpu.memory_space<vmem>>[vector<16xi32>], vector<16xf32>,
    %add3A_946 = arith.constant 1 : i32
    %add3A_947 = vector.broadcast %add3A_946 : i32 to vector<16xi32>
    %add3A_948 = arith.addi %add3A_943, %add3A_947 : vector<16xi32>
    %get3A_949 = arith.constant 496 : index
    %get3A_950 = tpu.vector_load %arg11[%get3A_949] {strides = array<i32>} : memref<512xf32, #tpu.memory_space<vmem>>, vector<16xf32>,
    tpu.vector_store_idx %arg13[%add3A_948], %get3A_950 : memref<17920xf32, #tpu.memory_space<vmem>>[vector<16xi32>], vector<16xf32>,
    %add3A_951 = arith.constant 2 : i32
    %add3A_952 = vector.broadcast %add3A_951 : i32 to vector<16xi32>
    %add3A_953 = arith.addi %add3A_943, %add3A_952 : vector<16xi32>
    %get3A_954 = arith.constant 496 : index
    %get3A_955 = tpu.vector_load %arg12[%get3A_954] {strides = array<i32>} : memref<512xf32, #tpu.memory_space<vmem>>, vector<16xf32>,
    tpu.vector_store_idx %arg13[%add3A_953], %get3A_955 : memref<17920xf32, #tpu.memory_space<vmem>>[vector<16xi32>], vector<16xf32>,
    %mul3A_956 = arith.constant 35 : i32
    %mul3A_957 = arith.muli %mul3A_2, %mul3A_956 : i32
    "tpu.region"() ({
      %run_scoped3A = tpu.sem_alloc : memref<!tpu.dma_semaphore, #tpu.memory_space<semaphore_mem>>
      %dma_start3A_958 = tpu.memref_slice %arg7[%mul3A_957] : memref<573440xf32, #tpu.memory_space<hbm>> -> memref<17920xf32, #tpu.memory_space<hbm>>
      %dma_start3A_959 = tpu.memref_slice %arg7[%mul3A_957] : memref<573440xf32, #tpu.memory_space<hbm>> -> memref<17920xf32, #tpu.memory_space<hbm>>
      tpu.enqueue_dma source(%arg13 : memref<17920xf32, #tpu.memory_space<vmem>>) target(%dma_start3A_959 : memref<17920xf32, #tpu.memory_space<hbm>>) target_semaphore(%run_scoped3A : memref<!tpu.dma_semaphore, #tpu.memory_space<semaphore_mem>>)
      %dma_wait3A_960 = tpu.memref_slice %arg7[%mul3A_957] : memref<573440xf32, #tpu.memory_space<hbm>> -> memref<17920xf32, #tpu.memory_space<hbm>>
      %dma_wait3A_961 = tpu.memref_slice %arg7[%mul3A_957] : memref<573440xf32, #tpu.memory_space<hbm>> -> memref<17920xf32, #tpu.memory_space<hbm>>
      tpu.wait_dma2 semaphore(%run_scoped3A : memref<!tpu.dma_semaphore, #tpu.memory_space<semaphore_mem>>) src(%arg13 : memref<17920xf32, #tpu.memory_space<vmem>>) dst(%dma_wait3A_961 : memref<17920xf32, #tpu.memory_space<hbm>>)
      tpu.yield
    }) : () -> ()
    return
  }
}

</mosaic_0001>

<sc_bundles>
// kernel: kernel.3.cloned.1.call-start
scs
__scs_entry_jumppad:
0x0: {  	(pc) =	sbr.rel $0x88, $3  }
0x1: {  	(tag) =	ssettag $0x0;
	lr =	simm.s32 $0x1  }
0x2: {  	[smem:$0x3F9C] =	sst lr;
	_ =	strace $0xD0000000  }
0x3: {  	_ = 	snop  }
0x4: {  	_ = 	snop  }
0x5: {  	_ = 	snop  }
0x6: {  	_ = 	snop  }
0x7: {  	_ = 	snop  }
__scs_overlays_trampoline_lowered:
0x8: {  	[smem:$0x3FAB] =	sst s0  }
0x9: {  	[smem:$0x3FAC] =	sst s1  }
0xa: {  	[smem:$0x3FAD] =	sst s2  }
0xb: {  	[smem:$0x3FAE] =	sst s3  }
0xc: {  	[smem:$0x3FAF] =	sst s4  }
0xd: {  	[smem:$0x3FB0] =	sst s5  }
0xe: {  	[smem:$0x3FB1] =	sst s6  }
0xf: {  	[smem:$0x3FB2] =	sst s7  }
0x10: {  	[smem:$0x3FB3] =	sst s8  }
0x11: {  	[smem:$0x3FB4] =	sst s9;
	s0 =	simm.s32 @!p0 $0x0  }
0x12: {  	s1 =	sld [smem:$0x3F9A];
	s0 =	simm.s32 @p0 $0x1  }
0x13: {  	[smem:$0x3FB5] =	sst s0;
	s0 =	simm.s32 @!p1 $0x0  }
0x14: {  	s2 =	sld [smem:$0x3F99];
	s0 =	simm.s32 @p1 $0x1  }
0x15: {  	[smem:$0x3FB6] =	sst s0;
	s0 =	simm.s32 @!p2 $0x0  }
0x16: {  	s3 =	sld [smem:$0x3FDB];
	s0 =	simm.s32 @p2 $0x1  }
0x17: {  	s4 =	simm.s32 $0x1BF5;
	[smem:$0x3FB8] =	sst s0  }
0x18: {  	s0 =	sld [smem:$0x3F9B];
	_ =	swait.ge [sflag:s4], $0x0  }
0x19: {  	s7 =	sld [smem:$0x3F9C]  }
0x1a: {  	s8 =	sadd.s32 $0xFFFFE003, lr  }
0x1b: {  	s9 =	sadd.s32 $0xFFFFFEF7, lr;
	s5 =	simm.s32 $0xFFFFFFFF;
	p2 =	slt.u32 s8, $0xFFFFF086  }
0x1c: {  	p1 =	slt.u32 s9, $0xF7A;
	s5 =	simm.s32 @!p2 $0x0  }
0x1d: {  	s5 =	simm.s32 @p1 $0x1;
	p0 =	seq.s32 s7, s2  }
0x1e: {  	s7 =	smul.u32 @!p0 $0xF7A, s2;
	p2 =	seq.s32 @!p0 s5, $0x0  }
0x1f: {  	s9 =	smul.u32 $0xF7A, s1;
	s8 =	simm.s32 @!p0 $0x1BF5;
	p2 =	por !p2, p0  }
0x20: {  	[sflag:s8] =	ssyncset.s32 @!p0 $0xFFFFF086;
	s6 =	sadd.s32 @!p0 s3, s7;
	s7 =	simm.s32 @!p0 $0x108  }
0x21: {  	s3 =	sadd.s32 s3, s9;
	s6 =	sadd.s32 @!p0 $0x88, s6;
	s7 =	simm.s32 @p2 $0x1082  }
0x22: {  	[simem:s7], [sflag:s8] =	dma.local @!p0 [hbm:s6], $0xF7A  }
0x23: {  	s9 =	sor.u32 $0xD0000000, s2;
	s6 =	simm.s32 $0x108;
	_ =	swait.ge @!p0 [sflag:s8], $0x0  }
0x24: {  	s3 =	sadd.s32 $0x88, s3;
	s6 =	simm.s32 @!p1 $0x1082;
	[sflag:s4] =	ssyncset.s32 $0xFFFFF086  }
0x25: {  	[simem:s6], [sflag:s4] =	dma.local [hbm:s3], $0xF7A  }
0x26: {  	[smem:$0x3F9C] =	sst s1;
	(tag) =	ssettag s2;
	_ =	strace s9  }
0x27: {  	s1 =	sld [smem:$0x3FAC]  }
0x28: {  	s2 =	sld [smem:$0x3FAD]  }
0x29: {  	s4 =	sld [smem:$0x3FAF]  }
0x2a: {  	p0 =	seq.s32 s5, $0x0;
	s5 =	sld [smem:$0x3FB0]  }
0x2b: {  	s6 =	sld [smem:$0x3FB1]  }
0x2c: {  	s7 =	sld [smem:$0x3FB2]  }
0x2d: {  	s3 =	simm.s32 $0x108;
	s8 =	sld [smem:$0x3FB3]  }
0x2e: {  	s3 =	simm.s32 @!p0 $0x1082;
	s9 =	sld [smem:$0x3FB4]  }
0x2f: {  	lr =	sadd.s32 s0, s3;
	s0 =	sld [smem:$0x3FAB]  }
0x30: {  	s3 =	sld [smem:$0x3FAE]  }
0x31: {  	[smem:$0x3FB7] =	sst s10  }
0x32: {  	s10 =	sld [smem:$0x3FB5];
	_ =	sdelay $0x3  }
0x33: {  	p0 =	seq.s32 s10, $0x1;
	s10 =	sld [smem:$0x3FB7];
	_ =	sdelay $0x3  }
0x34: {  	[smem:$0x3FB7] =	sst s10  }
0x35: {  	s10 =	sld [smem:$0x3FB6];
	_ =	sdelay $0x3  }
0x36: {  	p1 =	seq.s32 s10, $0x1;
	s10 =	sld [smem:$0x3FB7];
	_ =	sdelay $0x3  }
0x37: {  	[smem:$0x3FB7] =	sst s10  }
0x38: {  	s10 =	sld [smem:$0x3FB8]  }
0x39: {  	_ = 	snop;
	(pc) =	sbr.ind lr, $3  }
0x3a: {  	_ = 	snop  }
0x3b: {  	_ = 	snop  }
0x3c: {  	p2 =	seq.s32 s10, $0x1;
	s10 =	sld [smem:$0x3FB7]  }
0x3d: {  	_ =	shalt  }
0x3e: {  	_ =	shalt  }
0x3f: {  	_ =	shalt  }
0x40: {  	_ =	shalt  }
0x41: {  	_ =	shalt  }
0x42: {  	_ =	shalt  }
0x43: {  	_ =	shalt  }
0x44: {  	_ =	shalt  }
0x45: {  	_ =	shalt  }
0x46: {  	_ =	shalt  }
0x47: {  	_ =	shalt  }
0x48: {  	_ =	shalt  }
0x49: {  	_ =	shalt  }
0x4a: {  	_ =	shalt  }
0x4b: {  	_ =	shalt  }
0x4c: {  	_ =	shalt  }
0x4d: {  	_ =	shalt  }
0x4e: {  	_ =	shalt  }
0x4f: {  	_ =	shalt  }
0x50: {  	_ =	shalt  }
0x51: {  	_ =	shalt  }
0x52: {  	_ =	shalt  }
0x53: {  	_ =	shalt  }
0x54: {  	_ =	shalt  }
0x55: {  	_ =	shalt  }
0x56: {  	_ =	shalt  }
0x57: {  	_ =	shalt  }
0x58: {  	_ =	shalt  }
0x59: {  	_ =	shalt  }
0x5a: {  	_ =	shalt  }
0x5b: {  	_ =	shalt  }
0x5c: {  	_ =	shalt  }
0x5d: {  	_ =	shalt  }
0x5e: {  	_ =	shalt  }
0x5f: {  	_ =	shalt  }
0x60: {  	_ =	shalt  }
0x61: {  	_ =	shalt  }
0x62: {  	_ =	shalt  }
0x63: {  	_ =	shalt  }
0x64: {  	_ =	shalt  }
0x65: {  	_ =	shalt  }
0x66: {  	_ =	shalt  }
0x67: {  	_ =	shalt  }
0x68: {  	_ =	shalt  }
0x69: {  	_ =	shalt  }
0x6a: {  	_ =	shalt  }
0x6b: {  	_ =	shalt  }
0x6c: {  	_ =	shalt  }
0x6d: {  	_ =	shalt  }
0x6e: {  	_ =	shalt  }
0x6f: {  	_ =	shalt  }
0x70: {  	_ =	shalt  }
0x71: {  	_ =	shalt  }
0x72: {  	_ =	shalt  }
0x73: {  	_ =	shalt  }
0x74: {  	_ =	shalt  }
0x75: {  	_ =	shalt  }
0x76: {  	_ =	shalt  }
0x77: {  	_ =	shalt  }
0x78: {  	_ =	shalt  }
0x79: {  	_ =	shalt  }
0x7a: {  	_ =	shalt  }
0x7b: {  	_ =	shalt  }
0x7c: {  	_ =	shalt  }
0x7d: {  	_ =	shalt  }
0x7e: {  	_ =	shalt  }
0x7f: {  	_ =	shalt  }
0x80: {  	_ =	shalt  }
0x81: {  	_ =	shalt  }
0x82: {  	_ =	shalt  }
0x83: {  	_ =	shalt  }
0x84: {  	_ =	shalt  }
0x85: {  	_ =	shalt  }
0x86: {  	_ =	shalt  }
0x87: {  	_ =	shalt  }
.Lfunc_end0:
.L_simem_size_0:
called_computation_lowered:
.L_overlay_start_0:
0x88: {  	s2 =	sld [smem:$0x3FD9]  }
0x89: {  	s3 =	sld [smem:$0x3FFE];
	_ =	sdelay $0x1  }
0x8a: {  	s1 =	srdreg.scid  }
0x8b: {  	s0 =	sand.u32 $0x1, s1  }
0x8c: {  	s18 =	sshll.u32 s0, $0xA;
	s2 =	sadd.s32 s3, s2  }
0x8d: {  	s2 =	sadd.s32 s2, s18  }
0x8e: {  	[smem:$0x3FC3] =	sst s2  }
0x8f: {  	_ = 	snop  }
0x90: {  	s2 =	sld [smem:$0x3FC9]  }
0x91: {  	s19 =	sld [smem:$0x3FC8]  }
0x92: {  	s4 =	sld [smem:$0x3FC7]  }
0x93: {  	s5 =	sld [smem:$0x3FC6]  }
0x94: {  	s6 =	sld [smem:$0x3FC5]  }
0x95: {  	s7 =	sld [smem:$0x3FD0];
	(tm) =	ssettm $0x1  }
0x96: {  	s8 =	sld [smem:$0x3FFB];
	_ =	sdelay $0x3  }
0x97: {  	_ =	strace s8  }
0x98: {  	s8 =	sld [smem:$0x3FFC];
	_ =	sdelay $0x3  }
0x99: {  	_ =	strace s8  }
0x9a: {  	s8 =	sld [smem:$0x3FFD];
	_ =	sdelay $0x3  }
0x9b: {  	_ =	strace s8  }
0x9c: {  	_ =	strace $0x8FFFFFFF  }
0x9d: {  	s20 =	sld [smem:$0x3FDB];
	_ =	sdelay $0x1  }
0x9e: {  	s9 =	simm.s32 $_scs_section_size  }
0x9f: {  	s10 =	simm.s32 $_size__tile_overlayer_lowered;
	s11 =	simm.s32 $_tile_overlayer_lowered  }
0xa0: {  	s23 =	simm.s32 $0x1BFF;
	s22 =	sshll.u32 s11, $0x1;
	s8 =	sadd.s32 s9, s20  }
0xa1: {  	s12 =	simm.s32 $0x0;
	s21 =	sshll.u32 s10, $0x1;
	s10 =	sadd.s32 s22, s8  }
0xa2: {  	[timem:s12], [sflag:s23] =	dma.local [hbm:s10], s21  }
0xa3: {  	_ =	swait.ge [sflag:s23], s21  }
0xa4: {  	s9 =	ssub.s32 $0x0, s21;
	[sflag:s23] =	ssyncset.done $0x0  }
0xa5: {  	[sflag:s23] =	ssyncadd.s32 s9;
	_ =	sdelay $0x1  }
0xa6: {  	s24 =	simm.s32 $0x1B8B  }
0xa7: {  	_ =	swait.ge [sflag:s24], $0x1  }
0xa8: {  	[sflag:s24] =	ssyncset.done $0x0  }
0xa9: {  	s25 =	simm.s32 $0x1B8E;
	[sflag:s24] =	ssyncadd.s32 $0xFFFFFFFF  }
0xaa: {  	s26 =	simm.s32 $execute0_lowered;
	[smem:$0x3FD2] =	sst s25  }
0xab: {  	s9 =	sshll.u32 s26, $0x1;
	_ =	strace $0x80000046;
	[dreg:$0x1] =	wrdreg $0xFFFFFFFF  }
0xac: {  	s28 =	simm.s32 $_size_execute0_lowered;
	s8 =	sadd.s32 s8, s9;
	[dreg:$0x0] =	wrdreg $0x0  }
0xad: {  	s9 =	sshll.u32 s28, $0x1;
	[dreg:$0x2] =	wrdreg s8  }
0xae: {  	[dreg:$0x3] =	wrdreg s9  }
0xaf: {  	[dreg:$0x4] =	wrdreg $0xC0  }
0xb0: {  	_ =	task [dreg:s12], $0x5FFFF  }
0xb1: {  	[dreg:$0x1] =	wrdreg $0xFFFFFFFF  }
0xb2: {  	[dreg:$0x0] =	wrdreg $0x60  }
0xb3: {  	[dreg:$0x2] =	wrdreg s2  }
0xb4: {  	[dreg:$0x3] =	wrdreg s19  }
0xb5: {  	[dreg:$0x4] =	wrdreg s4  }
0xb6: {  	[dreg:$0x5] =	wrdreg s5  }
0xb7: {  	[dreg:$0x6] =	wrdreg s6  }
0xb8: {  	[dreg:$0x7] =	wrdreg s7  }
0xb9: {  	[dreg:$0x8] =	wrdreg $0x9  }
0xba: {  	_ =	task.clear_ibuf [dreg:s12], $0x9FFFF;
	_ =	strace $0x90000046  }
0xbb: {  	s29 =	simm.s32 $0x9;
	_ =	strace $0x80000048  }
0xbc: {  	_ =	swait.ge [sflag:s29], $0x1  }
0xbd: {  	[sflag:s29] =	ssyncadd.s32 $0xFFFFFFFF  }
0xbe: {  	_ =	strace $0x90000048  }
0xbf: {  	_ =	sfence  }
0xc0: {  	s30 =	sld [smem:$0x0];
	_ =	sdelay $0x2  }
0xc1: {  	s31 =	sshll.u32 s1, $0xD;
	s1 =	sshrl.u32 s1, $0x2  }
0xc2: {  	s3 =	sand.u32 $0x4000, s31;
	s1 =	sadd.s32 s1, s30  }
0xc3: {  	s0 =	sor.u32 s3, s0;
	s1 =	sshll.u32 s1, $0x11  }
0xc4: {  	s0 =	sor.u32 s1, s0  }
0xc5: {  	s0 =	sadd.s32 $0x8F2B, s0  }
0xc6: {  	[sflag:s0] =	ssyncadd.remote.s32 $0x1  }
0xc7: {  	_ =	sfence.sel $0xFFFF  }
0xc8: {  	[dreg:$0x0] =	wrdreg $0xFFFFFFFF;
	(pc) =	sbr.abs _section_cstart, $3  }
0xc9: {  	[dreg:$0x1] =	wrdreg $0xFFFFFFFF  }
0xca: {  	_ =	task.clear_ibuf [dreg:s12], $0x2FFFF;
	_ =	strace $0x9FFFFFFF  }
0xcb: {  	(tm) =	ssettm $0x7FFFFFFF  }
tec
execute0_lowered:
.L_overlay_start_1:
0x0: {  	(tag) =	ssettag $0x1  }
0x1: {  	v0 =	vlaneseq.u32  }
0x2: {  	v1 =	vmul.u32 $0x80, v0;
	v2 =	vmul.u32 $0x23, v0  }
0x3: {  	v4 =	vor.u32 $0x10, v0  }
0x4: {  	v3 =	vor.u32 $0x800, v1;
	v5 =	vadd.s32 $0x20, v2;
	v11 =	vadd.s32 $0x480, v2  }
0x5: {  	v12 =	vadd.s32 $0x481, v2;
	v13 =	vadd.s32 $0x482, v2;
	v14 =	vadd.s32 $0x6B0, v2  }
0x6: {  	v15 =	vadd.s32 $0x6B1, v2;
	v16 =	vadd.s32 $0x6B2, v2;
	v17 =	vadd.s32 $0x8E0, v2  }
0x7: {  	v18 =	vadd.s32 $0x8E1, v2;
	v19 =	vadd.s32 $0x8E2, v2;
	v20 =	vadd.s32 $0xB10, v2  }
0x8: {  	s1 =	rddreg [dreg:$0x0];
	v21 =	vadd.s32 $0xB11, v2;
	v22 =	vadd.s32 $0xB12, v2;
	v23 =	vadd.s32 $0xD40, v2  }
0x9: {  	s2 =	rddreg [dreg:$0x1];
	v24 =	vadd.s32 $0xD41, v2;
	v25 =	vadd.s32 $0xD42, v2;
	v26 =	vadd.s32 $0xF70, v2  }
0xa: {  	s6 =	rddreg [dreg:$0x2];
	v27 =	vadd.s32 $0xF71, v2;
	v28 =	vadd.s32 $0xF72, v2;
	v29 =	vadd.s32 $0x11A0, v2  }
0xb: {  	s7 =	rddreg [dreg:$0x3];
	v30 =	vadd.s32 $0x11A1, v2;
	v31 =	vadd.s32 $0x11A2, v2;
	v32 =	vadd.s32 $0x13D0, v2  }
0xc: {  	s0 =	rddreg [dreg:$0x4];
	v33 =	vadd.s32 $0x13D1, v2;
	v34 =	vadd.s32 $0x13D2, v2;
	v35 =	vadd.s32 $0x1600, v2  }
0xd: {  	s8 =	rddreg [dreg:$0x5];
	v36 =	vadd.s32 $0x1601, v2;
	v37 =	vadd.s32 $0x1602, v2;
	v38 =	vadd.s32 $0x1830, v2  }
0xe: {  	s3 =	simm.s32 $0x0;
	s4 =	srdreg.scid;
	s5 =	stileid.u32;
	v39 =	vadd.s32 $0x1831, v2;
	v40 =	vadd.s32 $0x1832, v2;
	v41 =	vadd.s32 $0x1A60, v2  }
0xf: {  	s12 =	simm.s32 $0x2;
	s14 =	simm.s32 $0x7A1400;
	s15 =	simm.s32 $0x400;
	v42 =	vadd.s32 $0x1A61, v2;
	v43 =	vadd.s32 $0x1A62, v2;
	v44 =	vadd.s32 $0x1C90, v2  }
0x10: {  	s16 =	simm.s32 $0x280;
	s24 =	simm.s32 $0x1;
	s25 =	simm.s32 $0x10880;
	v45 =	vadd.s32 $0x1C91, v2;
	v46 =	vadd.s32 $0x1C92, v2;
	[tilespmem:$0x1FFA0] =	vst v5;
	v5 =	vadd.s32 $0x21, v2  }
0x11: {  	s26 =	simm.s32 $0x0;
	s4 =	sand.u32 $0x1, s4;
	s5 =	sshll.u32 s5, $0x1;
	v47 =	vadd.s32 $0x1EC0, v2;
	v48 =	vadd.s32 $0x1EC1, v2;
	[tilespmem:$0x1FFB0] =	vst v5;
	v5 =	vadd.s32 $0x22, v2  }
0x12: {  	[smem:$0x7FF] =	sst s3;
	s9 =	ssub.s32 $0x2, s4;
	s4 =	sor.u32 s4, s5;
	v49 =	vadd.s32 $0x1EC2, v2;
	v50 =	vadd.s32 $0x20F0, v2;
	[tilespmem:$0x1FFC0] =	vst v5;
	v5 =	vadd.s32 $0x250, v2  }
0x13: {  	s31 =	sshrl.u32 s9, $0x1;
	s10 =	sshll.u32 s4, $0x6;
	s11 =	smul.u32 $0x8C0, s4;
	v51 =	vadd.s32 $0x20F1, v2;
	v52 =	vadd.s32 $0x20F2, v2;
	[tilespmem:$0x1FFD0] =	vst v5;
	v5 =	vadd.s32 $0x251, v2  }
0x14: {  	v53 =	vadd.s32 $0x2320, v2;
	v54 =	vadd.s32 $0x2321, v2;
	s9 =	ssub.s32 s9, s31;
	s1 =	sadd.s32 s1, s10;
	s5 =	sadd.s32 s2, s10;
	[tilespmem:$0x1FFE0] =	vst v5;
	v5 =	vadd.s32 $0x252, v2  }
0x15: {  	v55 =	vadd.s32 $0x2322, v2;
	v56 =	vadd.s32 $0x2550, v2;
	v57 =	vadd.s32 $0x2551, v2;
	s6 =	sadd.s32 s6, s10;
	s7 =	sadd.s32 s7, s10;
	s8 =	sadd.s32 s8, s11;
	[tilespmem:$0x1FFF0] =	vst v5  }
0x16: {  	v58 =	vadd.s32 $0x2552, v2;
	v59 =	vadd.s32 $0x2780, v2;
	v60 =	vadd.s32 $0x2781, v2;
	s9 =	smax.u32 s9, $0x1;
	_ =	strace $0x80000047;
	[dreg:$0x7] =	wrdreg s1  }
.LBB2_1:
0x17: {  	s1 =	rddreg [dreg:$0x7]  }
0x18: {  	[tilespmem:s3], [sflag:$0x2] =	stream.linear.gather [hbm4b:s1+s3], $0x200, $0x38;
	[tilespmem:$0x14E80] =	vst v63  }
0x19: {  	_ =	swait.ge [sflag:s12], $0x200  }
0x1a: {  	[sflag:s12] =	ssyncset.done $0x0  }
0x1b: {  	s21 =	simm.s32 $0x10280;
	[sflag:s12] =	ssyncadd.s32 $0xFFFFFE00  }
0x1c: {  	[tilespmem:s21], [sflag:$0x2] =	stream.linear.gather [hbm4b:s5+s3], $0x200, $0x38;
	[tilespmem:$0x14E80] =	vst v63  }
0x1d: {  	_ =	swait.ge [sflag:s12], $0x200  }
0x1e: {  	[sflag:s12] =	ssyncset.done $0x0  }
0x1f: {  	s22 =	simm.s32 $0x10480;
	[sflag:s12] =	ssyncadd.s32 $0xFFFFFE00  }
0x20: {  	[tilespmem:s22], [sflag:$0x2] =	stream.linear.gather [hbm4b:s6+s3], $0x200, $0x38;
	[tilespmem:$0x14E80] =	vst v63  }
0x21: {  	_ =	swait.ge [sflag:s12], $0x200  }
0x22: {  	[sflag:s12] =	ssyncset.done $0x0  }
0x23: {  	s23 =	simm.s32 $0x10680;
	[sflag:s12] =	ssyncadd.s32 $0xFFFFFE00  }
0x24: {  	[tilespmem:s23], [sflag:$0x2] =	stream.linear.gather [hbm4b:s7+s3], $0x200, $0x38;
	[tilespmem:$0x14E80] =	vst v63  }
0x25: {  	_ =	swait.ge [sflag:s12], $0x200  }
0x26: {  	[sflag:s12] =	ssyncset.done $0x0  }
0x27: {  	[sflag:s12] =	ssyncadd.s32 $0xFFFFFE00  }
0x28: {  	v5 =	vld [tilespmem:$0x0];
	_ =	sdelay $0x4  }
0x29: {  	(v2sf) =	vpush v5, $0x0;
	_ =	sdelay $0x1  }
0x2a: {  	(v2sf) =	vpush v5, $0x1;
	_ =	sdelay $0x2  }
0x2b: {  	(v2sf) =	vpush v5, $0x2;
	_ =	sdelay $0x2  }
0x2c: {  	(v2sf) =	vpush v5, $0x3;
	_ =	sdelay $0x2  }
0x2d: {  	(v2sf) =	vpush v5, $0x4;
	_ =	sdelay $0x2  }
0x2e: {  	(v2sf) =	vpush v5, $0x5  }
0x2f: {  	s2 =	spop (v2sf)  }
0x30: {  	s1 =	sand.u32 $0xFFFFF80, s2  }
0x31: {  	(v2sf) =	vpush v5, $0x6;
	s4 =	spop (v2sf);
	s1 =	sadd.s32 s0, s1  }
0x32: {  	[tilespmem:s16], [sflag:$0x1] =	stream.strided.gather [hbm4b:s1+s15], $0x1000, s14, s15, $0x38;
	[tilespmem:$0x14E80] =	vst v63  }
0x33: {  	s1 =	sand.u32 $0xFFFFF80, s4  }
0x34: {  	(v2sf) =	vpush v5, $0x7;
	s2 =	simm.s32 $0x1280;
	s10 =	spop (v2sf);
	s1 =	sadd.s32 s0, s1  }
0x35: {  	[tilespmem:s2], [sflag:$0x1] =	stream.strided.gather [hbm4b:s1+s15], $0x1000, s14, s15, $0x38;
	[tilespmem:$0x14E80] =	vst v63  }
0x36: {  	s1 =	sand.u32 $0xFFFFF80, s10  }
0x37: {  	s11 =	simm.s32 $0x2280;
	s13 =	spop (v2sf);
	s1 =	sadd.s32 s0, s1  }
0x38: {  	[tilespmem:s11], [sflag:$0x1] =	stream.strided.gather [hbm4b:s1+s15], $0x1000, s14, s15, $0x38;
	[tilespmem:$0x14E80] =	vst v63  }
0x39: {  	s1 =	sand.u32 $0xFFFFF80, s13  }
0x3a: {  	s17 =	simm.s32 $0x3280;
	s18 =	spop (v2sf);
	s1 =	sadd.s32 s0, s1  }
0x3b: {  	[tilespmem:s17], [sflag:$0x1] =	stream.strided.gather [hbm4b:s1+s15], $0x1000, s14, s15, $0x38;
	[tilespmem:$0x14E80] =	vst v63  }
0x3c: {  	s1 =	sand.u32 $0xFFFFF80, s18  }
0x3d: {  	s19 =	simm.s32 $0x4280;
	s20 =	spop (v2sf);
	s1 =	sadd.s32 s0, s1  }
0x3e: {  	[tilespmem:s19], [sflag:$0x1] =	stream.strided.gather [hbm4b:s1+s15], $0x1000, s14, s15, $0x38;
	[tilespmem:$0x14E80] =	vst v63  }
0x3f: {  	s1 =	sand.u32 $0xFFFFF80, s20  }
0x40: {  	s21 =	simm.s32 $0x5280;
	s22 =	spop (v2sf);
	s1 =	sadd.s32 s0, s1  }
0x41: {  	[tilespmem:s21], [sflag:$0x1] =	stream.strided.gather [hbm4b:s1+s15], $0x1000, s14, s15, $0x38;
	[tilespmem:$0x14E80] =	vst v63  }
0x42: {  	s1 =	sand.u32 $0xFFFFF80, s22  }
0x43: {  	s23 =	simm.s32 $0x6280;
	s2 =	spop (v2sf);
	s1 =	sadd.s32 s0, s1  }
0x44: {  	[tilespmem:s23], [sflag:$0x1] =	stream.strided.gather [hbm4b:s1+s15], $0x1000, s14, s15, $0x38;
	[tilespmem:$0x14E80] =	vst v63  }
0x45: {  	s1 =	sand.u32 $0xFFFFF80, s2  }
0x46: {  	s4 =	simm.s32 $0x7280;
	s10 =	smin.u32 s24, $0x3F;
	s1 =	sadd.s32 s0, s1  }
0x47: {  	[tilespmem:s4], [sflag:$0x1] =	stream.strided.gather [hbm4b:s1+s15], $0x1000, s14, s15, $0x38;
	[tilespmem:$0x14E80] =	vst v63  }
0x48: {  	s1 =	sshll.u32 s10, $0x3  }
0x49: {  	v5 =	vld [tilespmem:s1+$0x0];
	_ =	sdelay $0x4  }
0x4a: {  	(v2sf) =	vpush v5, $0x0  }
0x4b: {  	(v2sf) =	vpush v5, $0x1;
	_ =	sdelay $0x2  }
0x4c: {  	(v2sf) =	vpush v5, $0x2  }
0x4d: {  	(v2sf) =	vpush v5, $0x3;
	_ =	sdelay $0x1  }
0x4e: {  	(v2sf) =	vpush v5, $0x4;
	_ =	sdelay $0x1  }
0x4f: {  	(v2sf) =	vpush v5, $0x5;
	_ =	sdelay $0x1  }
0x50: {  	(v2sf) =	vpush v5, $0x6;
	_ =	sdelay $0x1  }
0x51: {  	s11 =	simm.s32 $0x8000;
	(v2sf) =	vpush v5, $0x7  }
0x52: {  	s1 =	sand.u32 $0x8000, s11  }
0x53: {  	s2 =	sor.u32 $0x3280, s1;
	s10 =	sor.u32 $0x4280, s1;
	s11 =	spop (v2sf)  }
0x54: {  	s13 =	sor.u32 $0x280, s1;
	s11 =	sand.u32 $0xFFFFF80, s11;
	s17 =	spop (v2sf)  }
0x55: {  	s21 =	sor.u32 $0x2280, s1;
	s11 =	sadd.s32 s0, s11;
	s17 =	sand.u32 $0xFFFFF80, s17  }
0x56: {  	[tilespmem:s13], [sflag:$0x1] =	stream.strided.gather [hbm4b:s11+s15], $0x1000, s14, s15, $0x38;
	[tilespmem:$0x14E80] =	vst v63  }
0x57: {  	s18 =	spop (v2sf);
	s13 =	sor.u32 $0x1280, s1;
	s19 =	sadd.s32 s0, s17  }
0x58: {  	s20 =	sand.u32 $0xFFFFF80, s18;
	s22 =	spop (v2sf);
	s11 =	sor.u32 $0x5280, s1  }
0x59: {  	[tilespmem:s13], [sflag:$0x1] =	stream.strided.gather [hbm4b:s19+s15], $0x1000, s14, s15, $0x38;
	[tilespmem:$0x14E80] =	vst v63  }
0x5a: {  	s17 =	sadd.s32 s0, s20;
	s23 =	spop (v2sf);
	s13 =	sand.u32 $0xFFFFF80, s22  }
0x5b: {  	[tilespmem:s21], [sflag:$0x1] =	stream.strided.gather [hbm4b:s17+s15], $0x1000, s14, s15, $0x38;
	[tilespmem:$0x14E80] =	vst v63  }
0x5c: {  	s4 =	spop (v2sf);
	s13 =	sadd.s32 s0, s13;
	s17 =	sand.u32 $0xFFFFF80, s23  }
0x5d: {  	[tilespmem:s2], [sflag:$0x1] =	stream.strided.gather [hbm4b:s13+s15], $0x1000, s14, s15, $0x38;
	[tilespmem:$0x14E80] =	vst v63  }
0x5e: {  	s18 =	sand.u32 $0xFFFFF80, s4;
	s19 =	spop (v2sf);
	s17 =	sadd.s32 s0, s17  }
0x5f: {  	[tilespmem:s10], [sflag:$0x1] =	stream.strided.gather [hbm4b:s17+s15], $0x1000, s14, s15, $0x38;
	[tilespmem:$0x14E80] =	vst v63  }
0x60: {  	s20 =	sadd.s32 s0, s18;
	s21 =	sand.u32 $0xFFFFF80, s19;
	s22 =	spop (v2sf)  }
0x61: {  	[tilespmem:s11], [sflag:$0x1] =	stream.strided.gather [hbm4b:s20+s15], $0x1000, s14, s15, $0x38;
	[tilespmem:$0x14E80] =	vst v63  }
0x62: {  	s23 =	sor.u32 $0x6280, s1;
	s4 =	sand.u32 $0xFFFFF80, s22;
	s10 =	sadd.s32 s0, s21  }
0x63: {  	[tilespmem:s23], [sflag:$0x1] =	stream.strided.gather [hbm4b:s10+s15], $0x1000, s14, s15, $0x38;
	[tilespmem:$0x14E80] =	vst v63  }
0x64: {  	s1 =	sor.u32 $0x7280, s1;
	s13 =	sadd.s32 s0, s4  }
0x65: {  	[tilespmem:s1], [sflag:$0x1] =	stream.strided.gather [hbm4b:s13+s15], $0x1000, s14, s15, $0x38;
	[tilespmem:$0x14E80] =	vst v63  }
0x66: {  	_ =	swait.ge [sflag:s24], $0x1000  }
0x67: {  	[sflag:s24] =	ssyncset.done $0x0  }
0x68: {  	[sflag:s24] =	ssyncadd.s32 $0xFFFFF000  }
0x69: {  	_ =	swait.ge [sflag:s24], $0x1000  }
0x6a: {  	[sflag:s24] =	ssyncset.done $0x0  }
0x6b: {  	[sflag:s24] =	ssyncadd.s32 $0xFFFFF000  }
0x6c: {  	_ =	swait.ge [sflag:s24], $0x1000  }
0x6d: {  	[sflag:s24] =	ssyncset.done $0x0  }
0x6e: {  	[sflag:s24] =	ssyncadd.s32 $0xFFFFF000  }
0x6f: {  	_ =	swait.ge [sflag:s24], $0x1000  }
0x70: {  	[sflag:s24] =	ssyncset.done $0x0  }
0x71: {  	[sflag:s24] =	ssyncadd.s32 $0xFFFFF000  }
0x72: {  	_ =	swait.ge [sflag:s24], $0x1000  }
0x73: {  	[sflag:s24] =	ssyncset.done $0x0  }
0x74: {  	[sflag:s24] =	ssyncadd.s32 $0xFFFFF000  }
0x75: {  	_ =	swait.ge [sflag:s24], $0x1000  }
0x76: {  	[sflag:s24] =	ssyncset.done $0x0  }
0x77: {  	[sflag:s24] =	ssyncadd.s32 $0xFFFFF000  }
0x78: {  	_ =	swait.ge [sflag:s24], $0x1000  }
0x79: {  	[sflag:s24] =	ssyncset.done $0x0  }
0x7a: {  	[sflag:s24] =	ssyncadd.s32 $0xFFFFF000  }
0x7b: {  	_ =	swait.ge [sflag:s24], $0x1000  }
0x7c: {  	[sflag:s24] =	ssyncset.done $0x0  }
0x7d: {  	[sflag:s24] =	ssyncadd.s32 $0xFFFFF000  }
0x7e: {  	v5 =	vld [tilespmem:s3+$0x0];
	_ =	sdelay $0x4  }
0x7f: {  	(v2sf) =	vpush v5, $0x0;
	_ =	sdelay $0x5  }
0x80: {  	(v2sf) =	vpush v5, $0x1;
	_ =	sdelay $0x6  }
0x81: {  	(v2sf) =	vpush v5, $0x2;
	_ =	sdelay $0x1  }
0x82: {  	s17 =	simm.s32 $0x0;
	s18 =	spop (v2sf)  }
0x83: {  	s1 =	sand.u32 $0x8000, s17;
	s2 =	sand.u32 $0x7F, s18  }
0x84: {  	s2 =	sor.u32 s1, s2  }
0x85: {  	v61 =	vor.u32 s2, v1  }
0x86: {  	v62 =	vor.u32 s2, v3  }
0x87: {  	(v2sf) =	vpush v5, $0x3  }
0x88: {  	s19 =	spop (v2sf)  }
0x89: {  	s20 =	simm.s32 $0x0;
	s2 =	sand.u32 $0x7F, s19  }
0x8a: {  	v63 =	vadd.s32 s20, v0;
	s2 =	sor.u32 s2, s1;
	v61 =	vld.idx.msk [tilespmem:v61+s16+$0x0], $0xffff  }
0x8b: {  	v6 =	vadd.s32 s20, v4;
	s2 =	sor.u32 $0x1000, s2;
	v62 =	vld.idx.msk [tilespmem:v62+s16+$0x0], $0xffff  }
0x8c: {  	v7 =	vor.u32 s2, v1  }
0x8d: {  	v8 =	vor.u32 s2, v3  }
0x8e: {  	(v2sf) =	vpush v5, $0x4  }
0x8f: {  	s21 =	spop (v2sf);
	[tilespmem:v63+s25+$0x0] =	vst.idx.msk $0xffff, v61  }
0x90: {  	s22 =	simm.s32 $0x23;
	s2 =	sand.u32 $0x7F, s21;
	[tilespmem:v6+s25+$0x0] =	vst.idx.msk $0xffff, v62  }
0x91: {  	s2 =	sor.u32 s2, s1;
	v6 =	vadd.s32 s22, v0;
	v7 =	vld.idx.msk [tilespmem:v7+s16+$0x0], $0xffff  }
0x92: {  	s2 =	sor.u32 $0x2000, s2;
	v61 =	vadd.s32 s22, v4;
	v8 =	vld.idx.msk [tilespmem:v8+s16+$0x0], $0xffff  }
0x93: {  	v62 =	vor.u32 s2, v1  }
0x94: {  	v63 =	vor.u32 s2, v3  }
0x95: {  	(v2sf) =	vpush v5, $0x5  }
0x96: {  	s23 =	spop (v2sf);
	[tilespmem:v6+s25+$0x0] =	vst.idx.msk $0xffff, v7  }
0x97: {  	s4 =	simm.s32 $0x46;
	s2 =	sand.u32 $0x7F, s23;
	[tilespmem:v61+s25+$0x0] =	vst.idx.msk $0xffff, v8  }
0x98: {  	s2 =	sor.u32 s2, s1;
	v6 =	vadd.s32 s4, v0;
	v7 =	vld.idx.msk [tilespmem:v62+s16+$0x0], $0xffff  }
0x99: {  	s2 =	sor.u32 $0x3000, s2;
	v8 =	vadd.s32 s4, v4;
	v61 =	vld.idx.msk [tilespmem:v63+s16+$0x0], $0xffff  }
0x9a: {  	v62 =	vor.u32 s2, v1  }
0x9b: {  	v63 =	vor.u32 s2, v3  }
0x9c: {  	(v2sf) =	vpush v5, $0x6  }
0x9d: {  	s11 =	spop (v2sf);
	[tilespmem:v6+s25+$0x0] =	vst.idx.msk $0xffff, v7  }
0x9e: {  	s13 =	simm.s32 $0x69;
	s2 =	sand.u32 $0x7F, s11;
	[tilespmem:v8+s25+$0x0] =	vst.idx.msk $0xffff, v61  }
0x9f: {  	s2 =	sor.u32 s2, s1;
	v6 =	vadd.s32 s13, v0;
	v7 =	vld.idx.msk [tilespmem:v62+s16+$0x0], $0xffff  }
0xa0: {  	s2 =	sor.u32 $0x4000, s2;
	v8 =	vadd.s32 s13, v4;
	v61 =	vld.idx.msk [tilespmem:v63+s16+$0x0], $0xffff  }
0xa1: {  	v62 =	vor.u32 s2, v1  }
0xa2: {  	v63 =	vor.u32 s2, v3  }
0xa3: {  	(v2sf) =	vpush v5, $0x7  }
0xa4: {  	s17 =	spop (v2sf);
	[tilespmem:v6+s25+$0x0] =	vst.idx.msk $0xffff, v7  }
0xa5: {  	s18 =	simm.s32 $0x8C;
	s2 =	sand.u32 $0x7F, s17;
	[tilespmem:v8+s25+$0x0] =	vst.idx.msk $0xffff, v61  }
0xa6: {  	v5 =	vadd.s32 s18, v0;
	s2 =	sor.u32 s2, s1;
	v6 =	vld.idx.msk [tilespmem:v62+s16+$0x0], $0xffff  }
0xa7: {  	s2 =	sor.u32 $0x5000, s2;
	v7 =	vadd.s32 s18, v4;
	v8 =	vld.idx.msk [tilespmem:v63+s16+$0x0], $0xffff  }
0xa8: {  	v61 =	vor.u32 s2, v1  }
0xa9: {  	v62 =	vor.u32 s2, v3;
	_ =	sdelay $0x1  }
0xaa: {  	s19 =	spop (v2sf);
	[tilespmem:v5+s25+$0x0] =	vst.idx.msk $0xffff, v6  }
0xab: {  	s20 =	simm.s32 $0xAF;
	s2 =	sand.u32 $0x7F, s19;
	[tilespmem:v7+s25+$0x0] =	vst.idx.msk $0xffff, v8  }
0xac: {  	s2 =	sor.u32 s2, s1;
	v5 =	vadd.s32 s20, v0;
	v6 =	vld.idx.msk [tilespmem:v61+s16+$0x0], $0xffff  }
0xad: {  	s2 =	sor.u32 $0x6000, s2;
	v7 =	vadd.s32 s20, v4;
	v8 =	vld.idx.msk [tilespmem:v62+s16+$0x0], $0xffff  }
0xae: {  	v61 =	vor.u32 s2, v1  }
0xaf: {  	v62 =	vor.u32 s2, v3;
	_ =	sdelay $0x1  }
0xb0: {  	s21 =	spop (v2sf);
	[tilespmem:v5+s25+$0x0] =	vst.idx.msk $0xffff, v6  }
0xb1: {  	s22 =	simm.s32 $0xD2;
	s2 =	sand.u32 $0x7F, s21;
	[tilespmem:v7+s25+$0x0] =	vst.idx.msk $0xffff, v8  }
0xb2: {  	s1 =	sor.u32 s2, s1;
	v5 =	vadd.s32 s22, v0;
	v6 =	vld.idx.msk [tilespmem:v61+s16+$0x0], $0xffff  }
0xb3: {  	s1 =	sor.u32 $0x7000, s1;
	v7 =	vadd.s32 s22, v4;
	v8 =	vld.idx.msk [tilespmem:v62+s16+$0x0], $0xffff  }
0xb4: {  	v61 =	vor.u32 s1, v1  }
0xb5: {  	v9 =	vor.u32 s1, v3;
	_ =	sdelay $0x1  }
0xb6: {  	[tilespmem:v5+s25+$0x0] =	vst.idx.msk $0xffff, v6  }
0xb7: {  	s23 =	simm.s32 $0xF5;
	[tilespmem:v7+s25+$0x0] =	vst.idx.msk $0xffff, v8  }
0xb8: {  	s31 =	simm.s32 $0x20000;
	v63 =	vld.idx.msk [tilespmem:v61+s16+$0x0], $0xffff;
	v61 =	vadd.s32 s23, v0  }
0xb9: {  	s28 =	simm.s32 $0x20D;
	s29 =	simm.s32 $0x8;
	s2 =	simm.s32 $0x2;
	v62 =	vadd.s32 s23, v4;
	v5 =	vld.idx.msk [tilespmem:v9+s16+$0x0], $0xffff  }
0xba: {  	s30 =	simm.s32 $0x0;
	s10 =	smin.u32 s2, $0x3F;
	s1 =	simm.s32 $0x325  }
.LBB2_2:
0xbb: {  	s11 =	sshll.u32 s10, $0x3;
	s30 =	sadd.s32 $0x8, s30;
	s31 =	sadd.s32 $0x20000, s31  }
0xbc: {  	p0 =	sne.s32 s1, $0x45DD;
	s10 =	smov.u32 s1;
	s1 =	sadd.s32 $0x118, s1  }
0xbd: {  	[tilespmem:v61+s25+$0x0] =	vst.idx.msk $0xffff, v63  }
0xbe: {  	[tilespmem:v62+s25+$0x0] =	vst.idx.msk $0xffff, v5  }
0xbf: {  	v5 =	vld [tilespmem:s11+$0x0];
	_ =	sdelay $0x4  }
0xc0: {  	(v2sf) =	vpush v5, $0x0  }
0xc1: {  	(v2sf) =	vpush v5, $0x1  }
0xc2: {  	(v2sf) =	vpush v5, $0x2;
	_ =	sdelay $0x1  }
0xc3: {  	(v2sf) =	vpush v5, $0x3;
	_ =	sdelay $0x1  }
0xc4: {  	(v2sf) =	vpush v5, $0x4;
	_ =	sdelay $0x1  }
0xc5: {  	(v2sf) =	vpush v5, $0x5;
	_ =	sdelay $0x1  }
0xc6: {  	(v2sf) =	vpush v5, $0x6;
	_ =	sdelay $0x1  }
0xc7: {  	s11 =	sshrl.u32 s31, $0x2;
	(v2sf) =	vpush v5, $0x7  }
0xc8: {  	s11 =	sand.u32 $0x8000, s11  }
0xc9: {  	s13 =	sor.u32 $0x3280, s11;
	s17 =	sor.u32 $0x4280, s11;
	s18 =	sor.u32 $0x5280, s11  }
0xca: {  	s19 =	sor.u32 $0x280, s11;
	s20 =	sor.u32 $0x2280, s11;
	s21 =	spop (v2sf)  }
0xcb: {  	s22 =	sor.u32 $0x1280, s11;
	s21 =	sand.u32 $0xFFFFF80, s21;
	s23 =	spop (v2sf)  }
0xcc: {  	s21 =	sadd.s32 s0, s21;
	s23 =	sand.u32 $0xFFFFF80, s23;
	s4 =	spop (v2sf)  }
0xcd: {  	[tilespmem:s19], [sflag:$0x1] =	stream.strided.gather [hbm4b:s21+s15], $0x1000, s14, s15, $0x38;
	[tilespmem:$0x14E80] =	vst v63  }
0xce: {  	s19 =	sadd.s32 s0, s23;
	s4 =	sand.u32 $0xFFFFF80, s4;
	s21 =	spop (v2sf)  }
0xcf: {  	[tilespmem:s22], [sflag:$0x1] =	stream.strided.gather [hbm4b:s19+s15], $0x1000, s14, s15, $0x38;
	[tilespmem:$0x14E80] =	vst v63  }
0xd0: {  	s4 =	sadd.s32 s0, s4;
	s19 =	sand.u32 $0xFFFFF80, s21;
	s21 =	spop (v2sf)  }
0xd1: {  	[tilespmem:s20], [sflag:$0x1] =	stream.strided.gather [hbm4b:s4+s15], $0x1000, s14, s15, $0x38;
	[tilespmem:$0x14E80] =	vst v63  }
0xd2: {  	s4 =	sadd.s32 s0, s19;
	s19 =	sand.u32 $0xFFFFF80, s21;
	s20 =	spop (v2sf)  }
0xd3: {  	[tilespmem:s13], [sflag:$0x1] =	stream.strided.gather [hbm4b:s4+s15], $0x1000, s14, s15, $0x38;
	[tilespmem:$0x14E80] =	vst v63  }
0xd4: {  	s4 =	sadd.s32 s0, s19;
	s13 =	sand.u32 $0xFFFFF80, s20;
	s19 =	spop (v2sf)  }
0xd5: {  	[tilespmem:s17], [sflag:$0x1] =	stream.strided.gather [hbm4b:s4+s15], $0x1000, s14, s15, $0x38;
	[tilespmem:$0x14E80] =	vst v63  }
0xd6: {  	s4 =	sadd.s32 s0, s13;
	s13 =	sand.u32 $0xFFFFF80, s19;
	s17 =	spop (v2sf)  }
0xd7: {  	[tilespmem:s18], [sflag:$0x1] =	stream.strided.gather [hbm4b:s4+s15], $0x1000, s14, s15, $0x38;
	[tilespmem:$0x14E80] =	vst v63  }
0xd8: {  	s13 =	sadd.s32 s0, s13;
	s4 =	sor.u32 $0x6280, s11;
	s17 =	sand.u32 $0xFFFFF80, s17  }
0xd9: {  	[tilespmem:s4], [sflag:$0x1] =	stream.strided.gather [hbm4b:s13+s15], $0x1000, s14, s15, $0x38;
	[tilespmem:$0x14E80] =	vst v63  }
0xda: {  	s4 =	sor.u32 $0x7280, s11;
	s11 =	sadd.s32 s0, s17  }
0xdb: {  	[tilespmem:s4], [sflag:$0x1] =	stream.strided.gather [hbm4b:s11+s15], $0x1000, s14, s15, $0x38;
	[tilespmem:$0x14E80] =	vst v63  }
0xdc: {  	_ =	swait.ge [sflag:s24], $0x1000  }
0xdd: {  	[sflag:s24] =	ssyncset.done $0x0  }
0xde: {  	[sflag:s24] =	ssyncadd.s32 $0xFFFFF000  }
0xdf: {  	_ =	swait.ge [sflag:s24], $0x1000  }
0xe0: {  	[sflag:s24] =	ssyncset.done $0x0  }
0xe1: {  	[sflag:s24] =	ssyncadd.s32 $0xFFFFF000  }
0xe2: {  	_ =	swait.ge [sflag:s24], $0x1000  }
0xe3: {  	[sflag:s24] =	ssyncset.done $0x0  }
0xe4: {  	[sflag:s24] =	ssyncadd.s32 $0xFFFFF000  }
0xe5: {  	_ =	swait.ge [sflag:s24], $0x1000  }
0xe6: {  	[sflag:s24] =	ssyncset.done $0x0  }
0xe7: {  	[sflag:s24] =	ssyncadd.s32 $0xFFFFF000  }
0xe8: {  	_ =	swait.ge [sflag:s24], $0x1000  }
0xe9: {  	[sflag:s24] =	ssyncset.done $0x0  }
0xea: {  	[sflag:s24] =	ssyncadd.s32 $0xFFFFF000  }
0xeb: {  	_ =	swait.ge [sflag:s24], $0x1000  }
0xec: {  	[sflag:s24] =	ssyncset.done $0x0  }
0xed: {  	[sflag:s24] =	ssyncadd.s32 $0xFFFFF000  }
0xee: {  	_ =	swait.ge [sflag:s24], $0x1000  }
0xef: {  	[sflag:s24] =	ssyncset.done $0x0  }
0xf0: {  	[sflag:s24] =	ssyncadd.s32 $0xFFFFF000  }
0xf1: {  	_ =	swait.ge [sflag:s24], $0x1000  }
0xf2: {  	[sflag:s24] =	ssyncset.done $0x0  }
0xf3: {  	[sflag:s24] =	ssyncadd.s32 $0xFFFFF000  }
0xf4: {  	v5 =	vld [tilespmem:s30+$0x0];
	_ =	sdelay $0x4  }
0xf5: {  	(v2sf) =	vpush v5, $0x0  }
0xf6: {  	(v2sf) =	vpush v5, $0x1  }
0xf7: {  	(v2sf) =	vpush v5, $0x2  }
0xf8: {  	(v2sf) =	vpush v5, $0x3;
	_ =	sdelay $0x1  }
0xf9: {  	(v2sf) =	vpush v5, $0x4  }
0xfa: {  	(v2sf) =	vpush v5, $0x5  }
0xfb: {  	(v2sf) =	vpush v5, $0x6;
	_ =	sdelay $0x1  }
0xfc: {  	(v2sf) =	vpush v5, $0x7;
	_ =	sdelay $0x5  }
0xfd: {  	s4 =	sshll.u32 s29, $0xC;
	s11 =	sadd.s32 $0xFFFFFF0B, s28;
	s13 =	spop (v2sf)  }
0xfe: {  	s4 =	sand.u32 $0x8000, s4;
	s13 =	sand.u32 $0x7F, s13;
	s17 =	spop (v2sf)  }
0xff: {  	s13 =	sor.u32 s4, s13;
	s17 =	sand.u32 $0x7F, s17;
	s18 =	spop (v2sf)  }
0x100: {  	v5 =	vor.u32 s13, v1;
	v6 =	vor.u32 s13, v3;
	s13 =	sor.u32 s17, s4;
	s17 =	sand.u32 $0x7F, s18;
	s18 =	spop (v2sf)  }
0x101: {  	s19 =	sor.u32 $0x1000, s13;
	s13 =	sor.u32 s17, s4;
	s17 =	sand.u32 $0x7F, s18  }
0x102: {  	s20 =	sor.u32 $0x2000, s13;
	s13 =	sor.u32 s17, s4;
	s17 =	spop (v2sf)  }
0x103: {  	v7 =	vadd.s32 s11, v0;
	s21 =	sor.u32 $0x3000, s13;
	s13 =	sand.u32 $0x7F, s17;
	s17 =	spop (v2sf)  }
0x104: {  	v8 =	vadd.s32 s11, v4;
	s11 =	sor.u32 s13, s4;
	s13 =	sand.u32 $0x7F, s17;
	s17 =	spop (v2sf)  }
0x105: {  	v5 =	vld.idx.msk [tilespmem:v5+s16+$0x0], $0xffff;
	s18 =	sor.u32 $0x4000, s11;
	s11 =	sor.u32 s13, s4;
	s13 =	sand.u32 $0x7F, s17  }
0x106: {  	v6 =	vld.idx.msk [tilespmem:v6+s16+$0x0], $0xffff;
	s17 =	sor.u32 $0x5000, s11;
	s11 =	sor.u32 s13, s4;
	s22 =	spop (v2sf)  }
0x107: {  	s13 =	sor.u32 $0x6000, s11;
	s11 =	sand.u32 $0x7F, s22  }
0x108: {  	v9 =	vor.u32 s19, v1;
	s4 =	sor.u32 s11, s4  }
0x109: {  	v61 =	vor.u32 s19, v3;
	s11 =	sor.u32 $0x7000, s4  }
0x10a: {  	s4 =	sadd.s32 $0xFFFFFF2E, s28  }
0x10b: {  	[tilespmem:v7+s25+$0x0] =	vst.idx.msk $0xffff, v5;
	v5 =	vadd.s32 s4, v0  }
0x10c: {  	[tilespmem:v8+s25+$0x0] =	vst.idx.msk $0xffff, v6;
	v6 =	vadd.s32 s4, v4  }
0x10d: {  	v7 =	vld.idx.msk [tilespmem:v9+s16+$0x0], $0xffff  }
0x10e: {  	v8 =	vld.idx.msk [tilespmem:v61+s16+$0x0], $0xffff;
	_ =	sdelay $0x1  }
0x10f: {  	v9 =	vor.u32 s20, v1  }
0x110: {  	v61 =	vor.u32 s20, v3  }
0x111: {  	s4 =	sadd.s32 $0xFFFFFF51, s28  }
0x112: {  	[tilespmem:v5+s25+$0x0] =	vst.idx.msk $0xffff, v7;
	v5 =	vadd.s32 s4, v0  }
0x113: {  	[tilespmem:v6+s25+$0x0] =	vst.idx.msk $0xffff, v8;
	v6 =	vadd.s32 s4, v4  }
0x114: {  	v7 =	vld.idx.msk [tilespmem:v9+s16+$0x0], $0xffff  }
0x115: {  	v8 =	vld.idx.msk [tilespmem:v61+s16+$0x0], $0xffff;
	_ =	sdelay $0x1  }
0x116: {  	v9 =	vor.u32 s21, v1  }
0x117: {  	v61 =	vor.u32 s21, v3  }
0x118: {  	s4 =	sadd.s32 $0xFFFFFF74, s28  }
0x119: {  	[tilespmem:v5+s25+$0x0] =	vst.idx.msk $0xffff, v7;
	v5 =	vadd.s32 s4, v0  }
0x11a: {  	[tilespmem:v6+s25+$0x0] =	vst.idx.msk $0xffff, v8;
	v6 =	vadd.s32 s4, v4  }
0x11b: {  	v7 =	vld.idx.msk [tilespmem:v9+s16+$0x0], $0xffff  }
0x11c: {  	v8 =	vld.idx.msk [tilespmem:v61+s16+$0x0], $0xffff;
	_ =	sdelay $0x1  }
0x11d: {  	v9 =	vor.u32 s18, v1  }
0x11e: {  	v61 =	vor.u32 s18, v3  }
0x11f: {  	s4 =	sadd.s32 $0xFFFFFF97, s28  }
0x120: {  	[tilespmem:v5+s25+$0x0] =	vst.idx.msk $0xffff, v7;
	v5 =	vadd.s32 s4, v0  }
0x121: {  	[tilespmem:v6+s25+$0x0] =	vst.idx.msk $0xffff, v8;
	v6 =	vadd.s32 s4, v4  }
0x122: {  	v7 =	vld.idx.msk [tilespmem:v9+s16+$0x0], $0xffff  }
0x123: {  	v8 =	vld.idx.msk [tilespmem:v61+s16+$0x0], $0xffff;
	_ =	sdelay $0x1  }
0x124: {  	v9 =	vor.u32 s17, v1  }
0x125: {  	v61 =	vor.u32 s17, v3  }
0x126: {  	s4 =	sadd.s32 $0xFFFFFFBA, s28  }
0x127: {  	[tilespmem:v5+s25+$0x0] =	vst.idx.msk $0xffff, v7;
	v5 =	vadd.s32 s4, v0  }
0x128: {  	[tilespmem:v6+s25+$0x0] =	vst.idx.msk $0xffff, v8;
	v6 =	vadd.s32 s4, v4  }
0x129: {  	v7 =	vld.idx.msk [tilespmem:v9+s16+$0x0], $0xffff  }
0x12a: {  	v8 =	vld.idx.msk [tilespmem:v61+s16+$0x0], $0xffff;
	_ =	sdelay $0x1  }
0x12b: {  	v9 =	vor.u32 s13, v1  }
0x12c: {  	v61 =	vor.u32 s13, v3  }
0x12d: {  	s4 =	sadd.s32 $0xFFFFFFDD, s28  }
0x12e: {  	[tilespmem:v5+s25+$0x0] =	vst.idx.msk $0xffff, v7;
	v5 =	vadd.s32 s4, v0  }
0x12f: {  	[tilespmem:v6+s25+$0x0] =	vst.idx.msk $0xffff, v8;
	v6 =	vadd.s32 s4, v4  }
0x130: {  	v7 =	vld.idx.msk [tilespmem:v9+s16+$0x0], $0xffff  }
0x131: {  	v8 =	vld.idx.msk [tilespmem:v61+s16+$0x0], $0xffff;
	_ =	sdelay $0x1  }
0x132: {  	v9 =	vor.u32 s11, v1  }
0x133: {  	v10 =	vor.u32 s11, v3;
	_ =	sdelay $0x1  }
0x134: {  	v61 =	vadd.s32 s28, v0;
	[tilespmem:v5+s25+$0x0] =	vst.idx.msk $0xffff, v7  }
.Ltmp0:
0x135: {  	v62 =	vadd.s32 s28, v4;
	s28 =	smov.u32 s10;
	[tilespmem:v6+s25+$0x0] =	vst.idx.msk $0xffff, v8;
	(pc) =	sbr.rel @p0 .LBB2_2-.Ltmp0, $4  }
0x136: {  	v63 =	vld.idx.msk [tilespmem:v9+s16+$0x0], $0xffff  }
0x137: {  	v5 =	vld.idx.msk [tilespmem:v10+s16+$0x0], $0xffff  }
0x138: {  	s2 =	sadd.s32 $0x1, s2  }
0x139: {  	s29 =	sadd.s32 $0x8, s29;
	s10 =	smin.u32 s2, $0x3F  }
0x13a: {  	_ =	sdelay $0x3  }
0x13b: {  	[tilespmem:v61+s25+$0x0] =	vst.idx.msk $0xffff, v63  }
0x13c: {  	s1 =	sshll.u32 s10, $0x3;
	[tilespmem:v62+s25+$0x0] =	vst.idx.msk $0xffff, v5  }
0x13d: {  	v5 =	vld [tilespmem:s1+$0x0];
	_ =	sdelay $0x4  }
0x13e: {  	(v2sf) =	vpush v5, $0x0  }
0x13f: {  	(v2sf) =	vpush v5, $0x1  }
0x140: {  	(v2sf) =	vpush v5, $0x2;
	_ =	sdelay $0x1  }
0x141: {  	(v2sf) =	vpush v5, $0x3;
	_ =	sdelay $0x1  }
0x142: {  	(v2sf) =	vpush v5, $0x4;
	_ =	sdelay $0x1  }
0x143: {  	(v2sf) =	vpush v5, $0x5;
	_ =	sdelay $0x1  }
0x144: {  	(v2sf) =	vpush v5, $0x6  }
0x145: {  	s18 =	sadd.s32 $0x20000, s31  }
0x146: {  	s1 =	sshrl.u32 s18, $0x2;
	(v2sf) =	vpush v5, $0x7  }
0x147: {  	s1 =	sand.u32 $0x8000, s1  }
0x148: {  	s2 =	sor.u32 $0x3280, s1;
	s4 =	sor.u32 $0x4280, s1;
	s10 =	sor.u32 $0x5280, s1  }
0x149: {  	s11 =	sor.u32 $0x280, s1;
	s13 =	sor.u32 $0x2280, s1;
	s17 =	spop (v2sf)  }
0x14a: {  	s18 =	sor.u32 $0x1280, s1;
	s17 =	sand.u32 $0xFFFFF80, s17;
	s19 =	spop (v2sf)  }
0x14b: {  	s17 =	sadd.s32 s0, s17;
	s19 =	sand.u32 $0xFFFFF80, s19;
	s20 =	spop (v2sf)  }
0x14c: {  	[tilespmem:s11], [sflag:$0x1] =	stream.strided.gather [hbm4b:s17+s15], $0x1000, s14, s15, $0x38;
	[tilespmem:$0x14E80] =	vst v63  }
0x14d: {  	s19 =	sadd.s32 s0, s19;
	s20 =	sand.u32 $0xFFFFF80, s20;
	s21 =	spop (v2sf)  }
0x14e: {  	[tilespmem:s18], [sflag:$0x1] =	stream.strided.gather [hbm4b:s19+s15], $0x1000, s14, s15, $0x38;
	[tilespmem:$0x14E80] =	vst v63  }
0x14f: {  	s22 =	sadd.s32 s0, s20;
	s23 =	sand.u32 $0xFFFFF80, s21;
	s31 =	spop (v2sf)  }
0x150: {  	[tilespmem:s13], [sflag:$0x1] =	stream.strided.gather [hbm4b:s22+s15], $0x1000, s14, s15, $0x38;
	[tilespmem:$0x14E80] =	vst v63  }
0x151: {  	s19 =	sadd.s32 s0, s23;
	s20 =	sand.u32 $0xFFFFF80, s31;
	s21 =	spop (v2sf)  }
0x152: {  	[tilespmem:s2], [sflag:$0x1] =	stream.strided.gather [hbm4b:s19+s15], $0x1000, s14, s15, $0x38;
	[tilespmem:$0x14E80] =	vst v63  }
0x153: {  	s23 =	sand.u32 $0xFFFFF80, s21;
	s31 =	spop (v2sf);
	s22 =	sadd.s32 s0, s20  }
0x154: {  	[tilespmem:s4], [sflag:$0x1] =	stream.strided.gather [hbm4b:s22+s15], $0x1000, s14, s15, $0x38;
	[tilespmem:$0x14E80] =	vst v63  }
0x155: {  	s17 =	sadd.s32 s0, s23;
	s18 =	sand.u32 $0xFFFFF80, s31;
	s19 =	spop (v2sf)  }
0x156: {  	[tilespmem:s10], [sflag:$0x1] =	stream.strided.gather [hbm4b:s17+s15], $0x1000, s14, s15, $0x38;
	[tilespmem:$0x14E80] =	vst v63  }
0x157: {  	s20 =	sor.u32 $0x6280, s1;
	s21 =	sand.u32 $0xFFFFF80, s19;
	s4 =	sadd.s32 s0, s18  }
0x158: {  	[tilespmem:s20], [sflag:$0x1] =	stream.strided.gather [hbm4b:s4+s15], $0x1000, s14, s15, $0x38;
	[tilespmem:$0x14E80] =	vst v63  }
0x159: {  	s1 =	sor.u32 $0x7280, s1;
	s22 =	sadd.s32 s0, s21  }
0x15a: {  	[tilespmem:s1], [sflag:$0x1] =	stream.strided.gather [hbm4b:s22+s15], $0x1000, s14, s15, $0x38;
	[tilespmem:$0x14E80] =	vst v63  }
0x15b: {  	_ =	swait.ge [sflag:s24], $0x1000  }
0x15c: {  	[sflag:s24] =	ssyncset.done $0x0  }
0x15d: {  	[sflag:s24] =	ssyncadd.s32 $0xFFFFF000  }
0x15e: {  	_ =	swait.ge [sflag:s24], $0x1000  }
0x15f: {  	[sflag:s24] =	ssyncset.done $0x0  }
0x160: {  	[sflag:s24] =	ssyncadd.s32 $0xFFFFF000  }
0x161: {  	_ =	swait.ge [sflag:s24], $0x1000  }
0x162: {  	[sflag:s24] =	ssyncset.done $0x0  }
0x163: {  	[sflag:s24] =	ssyncadd.s32 $0xFFFFF000  }
0x164: {  	_ =	swait.ge [sflag:s24], $0x1000  }
0x165: {  	[sflag:s24] =	ssyncset.done $0x0  }
0x166: {  	[sflag:s24] =	ssyncadd.s32 $0xFFFFF000  }
0x167: {  	_ =	swait.ge [sflag:s24], $0x1000  }
0x168: {  	[sflag:s24] =	ssyncset.done $0x0  }
0x169: {  	[sflag:s24] =	ssyncadd.s32 $0xFFFFF000  }
0x16a: {  	_ =	swait.ge [sflag:s24], $0x1000  }
0x16b: {  	[sflag:s24] =	ssyncset.done $0x0  }
0x16c: {  	[sflag:s24] =	ssyncadd.s32 $0xFFFFF000  }
0x16d: {  	_ =	swait.ge [sflag:s24], $0x1000  }
0x16e: {  	[sflag:s24] =	ssyncset.done $0x0  }
0x16f: {  	[sflag:s24] =	ssyncadd.s32 $0xFFFFF000  }
0x170: {  	_ =	swait.ge [sflag:s24], $0x1000  }
0x171: {  	[sflag:s24] =	ssyncset.done $0x0  }
0x172: {  	s23 =	sadd.s32 $0x8, s30;
	[sflag:s24] =	ssyncadd.s32 $0xFFFFF000  }
0x173: {  	v5 =	vld [tilespmem:s23+$0x0];
	_ =	sdelay $0x4  }
0x174: {  	(v2sf) =	vpush v5, $0x0;
	_ =	sdelay $0x5  }
0x175: {  	(v2sf) =	vpush v5, $0x1;
	_ =	sdelay $0x6  }
0x176: {  	(v2sf) =	vpush v5, $0x2;
	_ =	sdelay $0x1  }
0x177: {  	s30 =	sshll.u32 s29, $0xC;
	s31 =	spop (v2sf)  }
0x178: {  	s1 =	sand.u32 $0x8000, s30;
	s2 =	sand.u32 $0x7F, s31  }
0x179: {  	s2 =	sor.u32 s1, s2  }
0x17a: {  	v6 =	vor.u32 s2, v1  }
0x17b: {  	v7 =	vor.u32 s2, v3  }
0x17c: {  	(v2sf) =	vpush v5, $0x3  }
0x17d: {  	s4 =	spop (v2sf)  }
0x17e: {  	s10 =	sadd.s32 $0xFFFFFF0B, s28;
	s2 =	sand.u32 $0x7F, s4  }
0x17f: {  	v8 =	vadd.s32 s10, v0;
	s2 =	sor.u32 s2, s1;
	v6 =	vld.idx.msk [tilespmem:v6+s16+$0x0], $0xffff  }
0x180: {  	v9 =	vadd.s32 s10, v4;
	s2 =	sor.u32 $0x1000, s2;
	v7 =	vld.idx.msk [tilespmem:v7+s16+$0x0], $0xffff  }
0x181: {  	v10 =	vor.u32 s2, v1  }
0x182: {  	v61 =	vor.u32 s2, v3  }
0x183: {  	(v2sf) =	vpush v5, $0x4  }
0x184: {  	s11 =	spop (v2sf);
	[tilespmem:v8+s25+$0x0] =	vst.idx.msk $0xffff, v6  }
0x185: {  	s13 =	sadd.s32 $0xFFFFFF2E, s28;
	s2 =	sand.u32 $0x7F, s11;
	[tilespmem:v9+s25+$0x0] =	vst.idx.msk $0xffff, v7  }
0x186: {  	s2 =	sor.u32 s2, s1;
	v6 =	vadd.s32 s13, v0;
	v7 =	vld.idx.msk [tilespmem:v10+s16+$0x0], $0xffff  }
0x187: {  	s2 =	sor.u32 $0x2000, s2;
	v8 =	vadd.s32 s13, v4;
	v9 =	vld.idx.msk [tilespmem:v61+s16+$0x0], $0xffff  }
0x188: {  	v10 =	vor.u32 s2, v1  }
0x189: {  	v61 =	vor.u32 s2, v3  }
0x18a: {  	(v2sf) =	vpush v5, $0x5  }
0x18b: {  	s17 =	spop (v2sf);
	[tilespmem:v6+s25+$0x0] =	vst.idx.msk $0xffff, v7  }
0x18c: {  	s18 =	sadd.s32 $0xFFFFFF51, s28;
	s2 =	sand.u32 $0x7F, s17;
	[tilespmem:v8+s25+$0x0] =	vst.idx.msk $0xffff, v9  }
0x18d: {  	s2 =	sor.u32 s2, s1;
	v6 =	vadd.s32 s18, v0;
	v7 =	vld.idx.msk [tilespmem:v10+s16+$0x0], $0xffff  }
0x18e: {  	s2 =	sor.u32 $0x3000, s2;
	v8 =	vadd.s32 s18, v4;
	v9 =	vld.idx.msk [tilespmem:v61+s16+$0x0], $0xffff  }
0x18f: {  	v10 =	vor.u32 s2, v1  }
0x190: {  	v61 =	vor.u32 s2, v3  }
0x191: {  	(v2sf) =	vpush v5, $0x6  }
0x192: {  	s19 =	spop (v2sf);
	[tilespmem:v6+s25+$0x0] =	vst.idx.msk $0xffff, v7  }
0x193: {  	s20 =	sadd.s32 $0xFFFFFF74, s28;
	s2 =	sand.u32 $0x7F, s19;
	[tilespmem:v8+s25+$0x0] =	vst.idx.msk $0xffff, v9  }
0x194: {  	s2 =	sor.u32 s2, s1;
	v6 =	vadd.s32 s20, v0;
	v7 =	vld.idx.msk [tilespmem:v10+s16+$0x0], $0xffff  }
0x195: {  	s2 =	sor.u32 $0x4000, s2;
	v8 =	vadd.s32 s20, v4;
	v9 =	vld.idx.msk [tilespmem:v61+s16+$0x0], $0xffff  }
0x196: {  	v10 =	vor.u32 s2, v1  }
0x197: {  	v61 =	vor.u32 s2, v3  }
0x198: {  	(v2sf) =	vpush v5, $0x7  }
0x199: {  	s21 =	spop (v2sf);
	[tilespmem:v6+s25+$0x0] =	vst.idx.msk $0xffff, v7  }
0x19a: {  	s22 =	sadd.s32 $0xFFFFFF97, s28;
	s2 =	sand.u32 $0x7F, s21;
	[tilespmem:v8+s25+$0x0] =	vst.idx.msk $0xffff, v9  }
0x19b: {  	v5 =	vadd.s32 s22, v0;
	s2 =	sor.u32 s2, s1;
	v6 =	vld.idx.msk [tilespmem:v10+s16+$0x0], $0xffff  }
0x19c: {  	s2 =	sor.u32 $0x5000, s2;
	v7 =	vadd.s32 s22, v4;
	v8 =	vld.idx.msk [tilespmem:v61+s16+$0x0], $0xffff  }
0x19d: {  	v9 =	vor.u32 s2, v1  }
0x19e: {  	v10 =	vor.u32 s2, v3;
	_ =	sdelay $0x1  }
0x19f: {  	s23 =	spop (v2sf);
	[tilespmem:v5+s25+$0x0] =	vst.idx.msk $0xffff, v6  }
0x1a0: {  	s29 =	sadd.s32 $0xFFFFFFBA, s28;
	s2 =	sand.u32 $0x7F, s23;
	[tilespmem:v7+s25+$0x0] =	vst.idx.msk $0xffff, v8  }
0x1a1: {  	s2 =	sor.u32 s2, s1;
	v5 =	vadd.s32 s29, v0;
	v6 =	vld.idx.msk [tilespmem:v9+s16+$0x0], $0xffff  }
0x1a2: {  	s2 =	sor.u32 $0x6000, s2;
	v7 =	vadd.s32 s29, v4;
	v8 =	vld.idx.msk [tilespmem:v10+s16+$0x0], $0xffff  }
0x1a3: {  	v9 =	vor.u32 s2, v1  }
0x1a4: {  	v10 =	vor.u32 s2, v3;
	_ =	sdelay $0x1  }
0x1a5: {  	s30 =	spop (v2sf);
	[tilespmem:v5+s25+$0x0] =	vst.idx.msk $0xffff, v6  }
0x1a6: {  	s31 =	sadd.s32 $0xFFFFFFDD, s28;
	s2 =	sand.u32 $0x7F, s30;
	[tilespmem:v7+s25+$0x0] =	vst.idx.msk $0xffff, v8  }
0x1a7: {  	s1 =	sor.u32 s2, s1;
	v5 =	vadd.s32 s31, v0;
	v6 =	vld.idx.msk [tilespmem:v9+s16+$0x0], $0xffff  }
0x1a8: {  	s1 =	sor.u32 $0x7000, s1;
	v7 =	vadd.s32 s31, v4;
	v8 =	vld.idx.msk [tilespmem:v10+s16+$0x0], $0xffff  }
0x1a9: {  	v9 =	vor.u32 s1, v1  }
0x1aa: {  	v10 =	vor.u32 s1, v3;
	_ =	sdelay $0x1  }
0x1ab: {  	[tilespmem:v5+s25+$0x0] =	vst.idx.msk $0xffff, v6  }
0x1ac: {  	[tilespmem:v7+s25+$0x0] =	vst.idx.msk $0xffff, v8  }
0x1ad: {  	v5 =	vadd.s32 s28, v0;
	v6 =	vld.idx.msk [tilespmem:v9+s16+$0x0], $0xffff  }
0x1ae: {  	v7 =	vadd.s32 s28, v4;
	v8 =	vld.idx.msk [tilespmem:v10+s16+$0x0], $0xffff;
	_ =	sdelay $0x3  }
0x1af: {  	[tilespmem:v5+s25+$0x0] =	vst.idx.msk $0xffff, v6  }
0x1b0: {  	[tilespmem:v7+s25+$0x0] =	vst.idx.msk $0xffff, v8  }
0x1b1: {  	_ =	swait.ge [sflag:s24], $0x1000  }
0x1b2: {  	[sflag:s24] =	ssyncset.done $0x0  }
0x1b3: {  	[sflag:s24] =	ssyncadd.s32 $0xFFFFF000  }
0x1b4: {  	_ =	swait.ge [sflag:s24], $0x1000  }
0x1b5: {  	[sflag:s24] =	ssyncset.done $0x0  }
0x1b6: {  	[sflag:s24] =	ssyncadd.s32 $0xFFFFF000  }
0x1b7: {  	_ =	swait.ge [sflag:s24], $0x1000  }
0x1b8: {  	[sflag:s24] =	ssyncset.done $0x0  }
0x1b9: {  	[sflag:s24] =	ssyncadd.s32 $0xFFFFF000  }
0x1ba: {  	_ =	swait.ge [sflag:s24], $0x1000  }
0x1bb: {  	[sflag:s24] =	ssyncset.done $0x0  }
0x1bc: {  	[sflag:s24] =	ssyncadd.s32 $0xFFFFF000  }
0x1bd: {  	_ =	swait.ge [sflag:s24], $0x1000  }
0x1be: {  	[sflag:s24] =	ssyncset.done $0x0  }
0x1bf: {  	[sflag:s24] =	ssyncadd.s32 $0xFFFFF000  }
0x1c0: {  	_ =	swait.ge [sflag:s24], $0x1000  }
0x1c1: {  	[sflag:s24] =	ssyncset.done $0x0  }
0x1c2: {  	[sflag:s24] =	ssyncadd.s32 $0xFFFFF000  }
0x1c3: {  	_ =	swait.ge [sflag:s24], $0x1000  }
0x1c4: {  	[sflag:s24] =	ssyncset.done $0x0  }
0x1c5: {  	[sflag:s24] =	ssyncadd.s32 $0xFFFFF000  }
0x1c6: {  	_ =	swait.ge [sflag:s24], $0x1000  }
0x1c7: {  	v6 =	vld [tilespmem:$0x1FFA0]  }
0x1c8: {  	[sflag:s24] =	ssyncset.done $0x0  }
0x1c9: {  	[sflag:s24] =	ssyncadd.s32 $0xFFFFF000  }
0x1ca: {  	v5 =	vld [tilespmem:$0x10280];
	_ =	sdelay $0x4  }
0x1cb: {  	[tilespmem:v6+s25+$0x0] =	vst.idx.msk $0xffff, v5;
	v6 =	vld [tilespmem:$0x1FFB0];
	_ =	sdelay $0x2  }
0x1cc: {  	v5 =	vld [tilespmem:$0x10480];
	_ =	sdelay $0x4  }
0x1cd: {  	[tilespmem:v6+s25+$0x0] =	vst.idx.msk $0xffff, v5;
	v6 =	vld [tilespmem:$0x1FFC0];
	_ =	sdelay $0x2  }
0x1ce: {  	v5 =	vld [tilespmem:$0x10680];
	_ =	sdelay $0x4  }
0x1cf: {  	[tilespmem:v6+s25+$0x0] =	vst.idx.msk $0xffff, v5;
	v6 =	vld [tilespmem:$0x1FFD0];
	_ =	sdelay $0x2  }
0x1d0: {  	v5 =	vld [tilespmem:$0x10290];
	_ =	sdelay $0x4  }
0x1d1: {  	[tilespmem:v6+s25+$0x0] =	vst.idx.msk $0xffff, v5;
	v6 =	vld [tilespmem:$0x1FFE0];
	_ =	sdelay $0x2  }
0x1d2: {  	v5 =	vld [tilespmem:$0x10490];
	_ =	sdelay $0x4  }
0x1d3: {  	[tilespmem:v6+s25+$0x0] =	vst.idx.msk $0xffff, v5;
	v6 =	vld [tilespmem:$0x1FFF0];
	_ =	sdelay $0x2  }
0x1d4: {  	v5 =	vld [tilespmem:$0x10690];
	_ =	sdelay $0x4  }
0x1d5: {  	[tilespmem:v6+s25+$0x0] =	vst.idx.msk $0xffff, v5  }
0x1d6: {  	v5 =	vld [tilespmem:$0x102A0];
	_ =	sdelay $0x4  }
0x1d7: {  	[tilespmem:v11+s25+$0x0] =	vst.idx.msk $0xffff, v5  }
0x1d8: {  	v5 =	vld [tilespmem:$0x104A0];
	_ =	sdelay $0x4  }
0x1d9: {  	[tilespmem:v12+s25+$0x0] =	vst.idx.msk $0xffff, v5  }
0x1da: {  	v5 =	vld [tilespmem:$0x106A0];
	_ =	sdelay $0x4  }
0x1db: {  	[tilespmem:v13+s25+$0x0] =	vst.idx.msk $0xffff, v5  }
0x1dc: {  	v5 =	vld [tilespmem:$0x102B0];
	_ =	sdelay $0x4  }
0x1dd: {  	[tilespmem:v14+s25+$0x0] =	vst.idx.msk $0xffff, v5  }
0x1de: {  	v5 =	vld [tilespmem:$0x104B0];
	_ =	sdelay $0x4  }
0x1df: {  	[tilespmem:v15+s25+$0x0] =	vst.idx.msk $0xffff, v5  }
0x1e0: {  	v5 =	vld [tilespmem:$0x106B0];
	_ =	sdelay $0x4  }
0x1e1: {  	[tilespmem:v16+s25+$0x0] =	vst.idx.msk $0xffff, v5  }
0x1e2: {  	v5 =	vld [tilespmem:$0x102C0];
	_ =	sdelay $0x4  }
0x1e3: {  	[tilespmem:v17+s25+$0x0] =	vst.idx.msk $0xffff, v5  }
0x1e4: {  	v5 =	vld [tilespmem:$0x104C0];
	_ =	sdelay $0x4  }
0x1e5: {  	[tilespmem:v18+s25+$0x0] =	vst.idx.msk $0xffff, v5  }
0x1e6: {  	v5 =	vld [tilespmem:$0x106C0];
	_ =	sdelay $0x4  }
0x1e7: {  	[tilespmem:v19+s25+$0x0] =	vst.idx.msk $0xffff, v5  }
0x1e8: {  	v5 =	vld [tilespmem:$0x102D0];
	_ =	sdelay $0x4  }
0x1e9: {  	[tilespmem:v20+s25+$0x0] =	vst.idx.msk $0xffff, v5  }
0x1ea: {  	v5 =	vld [tilespmem:$0x104D0];
	_ =	sdelay $0x4  }
0x1eb: {  	[tilespmem:v21+s25+$0x0] =	vst.idx.msk $0xffff, v5  }
0x1ec: {  	v5 =	vld [tilespmem:$0x106D0];
	_ =	sdelay $0x4  }
0x1ed: {  	[tilespmem:v22+s25+$0x0] =	vst.idx.msk $0xffff, v5  }
0x1ee: {  	v5 =	vld [tilespmem:$0x102E0];
	_ =	sdelay $0x4  }
0x1ef: {  	[tilespmem:v23+s25+$0x0] =	vst.idx.msk $0xffff, v5  }
0x1f0: {  	v5 =	vld [tilespmem:$0x104E0];
	_ =	sdelay $0x4  }
0x1f1: {  	[tilespmem:v24+s25+$0x0] =	vst.idx.msk $0xffff, v5  }
0x1f2: {  	v5 =	vld [tilespmem:$0x106E0];
	_ =	sdelay $0x4  }
0x1f3: {  	[tilespmem:v25+s25+$0x0] =	vst.idx.msk $0xffff, v5  }
0x1f4: {  	v5 =	vld [tilespmem:$0x102F0];
	_ =	sdelay $0x4  }
0x1f5: {  	[tilespmem:v26+s25+$0x0] =	vst.idx.msk $0xffff, v5  }
0x1f6: {  	v5 =	vld [tilespmem:$0x104F0];
	_ =	sdelay $0x4  }
0x1f7: {  	[tilespmem:v27+s25+$0x0] =	vst.idx.msk $0xffff, v5  }
0x1f8: {  	v5 =	vld [tilespmem:$0x106F0];
	_ =	sdelay $0x4  }
0x1f9: {  	[tilespmem:v28+s25+$0x0] =	vst.idx.msk $0xffff, v5  }
0x1fa: {  	v5 =	vld [tilespmem:$0x10300];
	_ =	sdelay $0x4  }
0x1fb: {  	[tilespmem:v29+s25+$0x0] =	vst.idx.msk $0xffff, v5  }
0x1fc: {  	v5 =	vld [tilespmem:$0x10500];
	_ =	sdelay $0x4  }
0x1fd: {  	[tilespmem:v30+s25+$0x0] =	vst.idx.msk $0xffff, v5  }
0x1fe: {  	v5 =	vld [tilespmem:$0x10700];
	_ =	sdelay $0x4  }
0x1ff: {  	[tilespmem:v31+s25+$0x0] =	vst.idx.msk $0xffff, v5  }
0x200: {  	v5 =	vld [tilespmem:$0x10310];
	_ =	sdelay $0x4  }
0x201: {  	[tilespmem:v32+s25+$0x0] =	vst.idx.msk $0xffff, v5  }
0x202: {  	v5 =	vld [tilespmem:$0x10510];
	_ =	sdelay $0x4  }
0x203: {  	[tilespmem:v33+s25+$0x0] =	vst.idx.msk $0xffff, v5  }
0x204: {  	v5 =	vld [tilespmem:$0x10710];
	_ =	sdelay $0x4  }
0x205: {  	[tilespmem:v34+s25+$0x0] =	vst.idx.msk $0xffff, v5  }
0x206: {  	v5 =	vld [tilespmem:$0x10320];
	_ =	sdelay $0x4  }
0x207: {  	[tilespmem:v35+s25+$0x0] =	vst.idx.msk $0xffff, v5  }
0x208: {  	v5 =	vld [tilespmem:$0x10520];
	_ =	sdelay $0x4  }
0x209: {  	[tilespmem:v36+s25+$0x0] =	vst.idx.msk $0xffff, v5  }
0x20a: {  	v5 =	vld [tilespmem:$0x10720];
	_ =	sdelay $0x4  }
0x20b: {  	[tilespmem:v37+s25+$0x0] =	vst.idx.msk $0xffff, v5  }
0x20c: {  	v5 =	vld [tilespmem:$0x10330];
	_ =	sdelay $0x4  }
0x20d: {  	[tilespmem:v38+s25+$0x0] =	vst.idx.msk $0xffff, v5  }
0x20e: {  	v5 =	vld [tilespmem:$0x10530];
	_ =	sdelay $0x4  }
0x20f: {  	[tilespmem:v39+s25+$0x0] =	vst.idx.msk $0xffff, v5  }
0x210: {  	v5 =	vld [tilespmem:$0x10730];
	_ =	sdelay $0x4  }
0x211: {  	[tilespmem:v40+s25+$0x0] =	vst.idx.msk $0xffff, v5  }
0x212: {  	v5 =	vld [tilespmem:$0x10340];
	_ =	sdelay $0x4  }
0x213: {  	[tilespmem:v41+s25+$0x0] =	vst.idx.msk $0xffff, v5  }
0x214: {  	v5 =	vld [tilespmem:$0x10540];
	_ =	sdelay $0x4  }
0x215: {  	[tilespmem:v42+s25+$0x0] =	vst.idx.msk $0xffff, v5  }
0x216: {  	v5 =	vld [tilespmem:$0x10740];
	_ =	sdelay $0x4  }
0x217: {  	[tilespmem:v43+s25+$0x0] =	vst.idx.msk $0xffff, v5  }
0x218: {  	v5 =	vld [tilespmem:$0x10350];
	_ =	sdelay $0x4  }
0x219: {  	[tilespmem:v44+s25+$0x0] =	vst.idx.msk $0xffff, v5  }
0x21a: {  	v5 =	vld [tilespmem:$0x10550];
	_ =	sdelay $0x4  }
0x21b: {  	[tilespmem:v45+s25+$0x0] =	vst.idx.msk $0xffff, v5  }
0x21c: {  	v5 =	vld [tilespmem:$0x10750];
	_ =	sdelay $0x4  }
0x21d: {  	[tilespmem:v46+s25+$0x0] =	vst.idx.msk $0xffff, v5  }
0x21e: {  	v5 =	vld [tilespmem:$0x10360];
	_ =	sdelay $0x4  }
0x21f: {  	[tilespmem:v47+s25+$0x0] =	vst.idx.msk $0xffff, v5  }
0x220: {  	v5 =	vld [tilespmem:$0x10560];
	_ =	sdelay $0x4  }
0x221: {  	[tilespmem:v48+s25+$0x0] =	vst.idx.msk $0xffff, v5  }
0x222: {  	v5 =	vld [tilespmem:$0x10760];
	_ =	sdelay $0x4  }
0x223: {  	[tilespmem:v49+s25+$0x0] =	vst.idx.msk $0xffff, v5  }
0x224: {  	v5 =	vld [tilespmem:$0x10370];
	_ =	sdelay $0x4  }
0x225: {  	[tilespmem:v50+s25+$0x0] =	vst.idx.msk $0xffff, v5  }
0x226: {  	v5 =	vld [tilespmem:$0x10570];
	_ =	sdelay $0x4  }
0x227: {  	[tilespmem:v51+s25+$0x0] =	vst.idx.msk $0xffff, v5  }
0x228: {  	v5 =	vld [tilespmem:$0x10770];
	_ =	sdelay $0x4  }
0x229: {  	[tilespmem:v52+s25+$0x0] =	vst.idx.msk $0xffff, v5  }
0x22a: {  	v5 =	vld [tilespmem:$0x10380];
	_ =	sdelay $0x4  }
0x22b: {  	[tilespmem:v53+s25+$0x0] =	vst.idx.msk $0xffff, v5  }
0x22c: {  	v5 =	vld [tilespmem:$0x10580];
	_ =	sdelay $0x4  }
0x22d: {  	[tilespmem:v54+s25+$0x0] =	vst.idx.msk $0xffff, v5  }
0x22e: {  	v5 =	vld [tilespmem:$0x10780];
	_ =	sdelay $0x4  }
0x22f: {  	[tilespmem:v55+s25+$0x0] =	vst.idx.msk $0xffff, v5  }
0x230: {  	v5 =	vld [tilespmem:$0x10390];
	_ =	sdelay $0x4  }
0x231: {  	[tilespmem:v56+s25+$0x0] =	vst.idx.msk $0xffff, v5  }
0x232: {  	v5 =	vld [tilespmem:$0x10590];
	_ =	sdelay $0x4  }
0x233: {  	[tilespmem:v57+s25+$0x0] =	vst.idx.msk $0xffff, v5  }
0x234: {  	v5 =	vld [tilespmem:$0x10790];
	_ =	sdelay $0x4  }
0x235: {  	[tilespmem:v58+s25+$0x0] =	vst.idx.msk $0xffff, v5  }
0x236: {  	v5 =	vld [tilespmem:$0x103A0];
	_ =	sdelay $0x4  }
0x237: {  	[tilespmem:v59+s25+$0x0] =	vst.idx.msk $0xffff, v5  }
0x238: {  	v5 =	vld [tilespmem:$0x105A0];
	_ =	sdelay $0x4  }
0x239: {  	[tilespmem:v60+s25+$0x0] =	vst.idx.msk $0xffff, v5  }
0x23a: {  	v6 =	vadd.s32 $0x2782, v2;
	v5 =	vld [tilespmem:$0x107A0];
	_ =	sdelay $0x4  }
0x23b: {  	[tilespmem:v6+s25+$0x0] =	vst.idx.msk $0xffff, v5  }
0x23c: {  	v6 =	vadd.s32 $0x29B0, v2;
	v5 =	vld [tilespmem:$0x103B0];
	_ =	sdelay $0x4  }
0x23d: {  	[tilespmem:v6+s25+$0x0] =	vst.idx.msk $0xffff, v5  }
0x23e: {  	v6 =	vadd.s32 $0x29B1, v2;
	v5 =	vld [tilespmem:$0x105B0];
	_ =	sdelay $0x4  }
0x23f: {  	[tilespmem:v6+s25+$0x0] =	vst.idx.msk $0xffff, v5  }
0x240: {  	v6 =	vadd.s32 $0x29B2, v2;
	v5 =	vld [tilespmem:$0x107B0];
	_ =	sdelay $0x4  }
0x241: {  	[tilespmem:v6+s25+$0x0] =	vst.idx.msk $0xffff, v5  }
0x242: {  	v6 =	vadd.s32 $0x2BE0, v2;
	v5 =	vld [tilespmem:$0x103C0];
	_ =	sdelay $0x4  }
0x243: {  	[tilespmem:v6+s25+$0x0] =	vst.idx.msk $0xffff, v5  }
0x244: {  	v6 =	vadd.s32 $0x2BE1, v2;
	v5 =	vld [tilespmem:$0x105C0];
	_ =	sdelay $0x4  }
0x245: {  	[tilespmem:v6+s25+$0x0] =	vst.idx.msk $0xffff, v5  }
0x246: {  	v6 =	vadd.s32 $0x2BE2, v2;
	v5 =	vld [tilespmem:$0x107C0];
	_ =	sdelay $0x4  }
0x247: {  	[tilespmem:v6+s25+$0x0] =	vst.idx.msk $0xffff, v5  }
0x248: {  	v6 =	vadd.s32 $0x2E10, v2;
	v5 =	vld [tilespmem:$0x103D0];
	_ =	sdelay $0x4  }
0x249: {  	[tilespmem:v6+s25+$0x0] =	vst.idx.msk $0xffff, v5  }
0x24a: {  	v6 =	vadd.s32 $0x2E11, v2;
	v5 =	vld [tilespmem:$0x105D0];
	_ =	sdelay $0x4  }
0x24b: {  	[tilespmem:v6+s25+$0x0] =	vst.idx.msk $0xffff, v5  }
0x24c: {  	v6 =	vadd.s32 $0x2E12, v2;
	v5 =	vld [tilespmem:$0x107D0];
	_ =	sdelay $0x4  }
0x24d: {  	[tilespmem:v6+s25+$0x0] =	vst.idx.msk $0xffff, v5  }
0x24e: {  	v6 =	vadd.s32 $0x3040, v2;
	v5 =	vld [tilespmem:$0x103E0];
	_ =	sdelay $0x4  }
0x24f: {  	[tilespmem:v6+s25+$0x0] =	vst.idx.msk $0xffff, v5  }
0x250: {  	v6 =	vadd.s32 $0x3041, v2;
	v5 =	vld [tilespmem:$0x105E0];
	_ =	sdelay $0x4  }
0x251: {  	[tilespmem:v6+s25+$0x0] =	vst.idx.msk $0xffff, v5  }
0x252: {  	v6 =	vadd.s32 $0x3042, v2;
	v5 =	vld [tilespmem:$0x107E0];
	_ =	sdelay $0x4  }
0x253: {  	[tilespmem:v6+s25+$0x0] =	vst.idx.msk $0xffff, v5  }
0x254: {  	v6 =	vadd.s32 $0x3270, v2;
	v5 =	vld [tilespmem:$0x103F0];
	_ =	sdelay $0x4  }
0x255: {  	[tilespmem:v6+s25+$0x0] =	vst.idx.msk $0xffff, v5  }
0x256: {  	v6 =	vadd.s32 $0x3271, v2;
	v5 =	vld [tilespmem:$0x105F0];
	_ =	sdelay $0x4  }
0x257: {  	[tilespmem:v6+s25+$0x0] =	vst.idx.msk $0xffff, v5  }
0x258: {  	v6 =	vadd.s32 $0x3272, v2;
	v5 =	vld [tilespmem:$0x107F0];
	_ =	sdelay $0x4  }
0x259: {  	[tilespmem:v6+s25+$0x0] =	vst.idx.msk $0xffff, v5  }
0x25a: {  	v6 =	vadd.s32 $0x34A0, v2;
	v5 =	vld [tilespmem:$0x10400];
	_ =	sdelay $0x4  }
0x25b: {  	[tilespmem:v6+s25+$0x0] =	vst.idx.msk $0xffff, v5  }
0x25c: {  	v6 =	vadd.s32 $0x34A1, v2;
	v5 =	vld [tilespmem:$0x10600];
	_ =	sdelay $0x4  }
0x25d: {  	[tilespmem:v6+s25+$0x0] =	vst.idx.msk $0xffff, v5  }
0x25e: {  	v6 =	vadd.s32 $0x34A2, v2;
	v5 =	vld [tilespmem:$0x10800];
	_ =	sdelay $0x4  }
0x25f: {  	[tilespmem:v6+s25+$0x0] =	vst.idx.msk $0xffff, v5  }
0x260: {  	v6 =	vadd.s32 $0x36D0, v2;
	v5 =	vld [tilespmem:$0x10410];
	_ =	sdelay $0x4  }
0x261: {  	[tilespmem:v6+s25+$0x0] =	vst.idx.msk $0xffff, v5  }
0x262: {  	v6 =	vadd.s32 $0x36D1, v2;
	v5 =	vld [tilespmem:$0x10610];
	_ =	sdelay $0x4  }
0x263: {  	[tilespmem:v6+s25+$0x0] =	vst.idx.msk $0xffff, v5  }
0x264: {  	v6 =	vadd.s32 $0x36D2, v2;
	v5 =	vld [tilespmem:$0x10810];
	_ =	sdelay $0x4  }
0x265: {  	[tilespmem:v6+s25+$0x0] =	vst.idx.msk $0xffff, v5  }
0x266: {  	v6 =	vadd.s32 $0x3900, v2;
	v5 =	vld [tilespmem:$0x10420];
	_ =	sdelay $0x4  }
0x267: {  	[tilespmem:v6+s25+$0x0] =	vst.idx.msk $0xffff, v5  }
0x268: {  	v6 =	vadd.s32 $0x3901, v2;
	v5 =	vld [tilespmem:$0x10620];
	_ =	sdelay $0x4  }
0x269: {  	[tilespmem:v6+s25+$0x0] =	vst.idx.msk $0xffff, v5  }
0x26a: {  	v6 =	vadd.s32 $0x3902, v2;
	v5 =	vld [tilespmem:$0x10820];
	_ =	sdelay $0x4  }
0x26b: {  	[tilespmem:v6+s25+$0x0] =	vst.idx.msk $0xffff, v5  }
0x26c: {  	v6 =	vadd.s32 $0x3B30, v2;
	v5 =	vld [tilespmem:$0x10430];
	_ =	sdelay $0x4  }
0x26d: {  	[tilespmem:v6+s25+$0x0] =	vst.idx.msk $0xffff, v5  }
0x26e: {  	v6 =	vadd.s32 $0x3B31, v2;
	v5 =	vld [tilespmem:$0x10630];
	_ =	sdelay $0x4  }
0x26f: {  	[tilespmem:v6+s25+$0x0] =	vst.idx.msk $0xffff, v5  }
0x270: {  	v6 =	vadd.s32 $0x3B32, v2;
	v5 =	vld [tilespmem:$0x10830];
	_ =	sdelay $0x4  }
0x271: {  	[tilespmem:v6+s25+$0x0] =	vst.idx.msk $0xffff, v5  }
0x272: {  	v6 =	vadd.s32 $0x3D60, v2;
	v5 =	vld [tilespmem:$0x10440];
	_ =	sdelay $0x4  }
0x273: {  	[tilespmem:v6+s25+$0x0] =	vst.idx.msk $0xffff, v5  }
0x274: {  	v6 =	vadd.s32 $0x3D61, v2;
	v5 =	vld [tilespmem:$0x10640];
	_ =	sdelay $0x4  }
0x275: {  	[tilespmem:v6+s25+$0x0] =	vst.idx.msk $0xffff, v5  }
0x276: {  	v6 =	vadd.s32 $0x3D62, v2;
	v5 =	vld [tilespmem:$0x10840];
	_ =	sdelay $0x4  }
0x277: {  	[tilespmem:v6+s25+$0x0] =	vst.idx.msk $0xffff, v5  }
0x278: {  	v6 =	vadd.s32 $0x3F90, v2;
	v5 =	vld [tilespmem:$0x10450];
	_ =	sdelay $0x4  }
0x279: {  	[tilespmem:v6+s25+$0x0] =	vst.idx.msk $0xffff, v5  }
0x27a: {  	v6 =	vadd.s32 $0x3F91, v2;
	v5 =	vld [tilespmem:$0x10650];
	_ =	sdelay $0x4  }
0x27b: {  	[tilespmem:v6+s25+$0x0] =	vst.idx.msk $0xffff, v5  }
0x27c: {  	v6 =	vadd.s32 $0x3F92, v2;
	v5 =	vld [tilespmem:$0x10850];
	_ =	sdelay $0x4  }
0x27d: {  	[tilespmem:v6+s25+$0x0] =	vst.idx.msk $0xffff, v5  }
0x27e: {  	v6 =	vadd.s32 $0x41C0, v2;
	v5 =	vld [tilespmem:$0x10460];
	_ =	sdelay $0x4  }
0x27f: {  	[tilespmem:v6+s25+$0x0] =	vst.idx.msk $0xffff, v5  }
0x280: {  	v6 =	vadd.s32 $0x41C1, v2;
	v5 =	vld [tilespmem:$0x10660];
	_ =	sdelay $0x4  }
0x281: {  	[tilespmem:v6+s25+$0x0] =	vst.idx.msk $0xffff, v5  }
0x282: {  	v6 =	vadd.s32 $0x41C2, v2;
	v5 =	vld [tilespmem:$0x10860];
	_ =	sdelay $0x4  }
0x283: {  	[tilespmem:v6+s25+$0x0] =	vst.idx.msk $0xffff, v5  }
0x284: {  	v6 =	vadd.s32 $0x43F0, v2;
	v5 =	vld [tilespmem:$0x10470];
	_ =	sdelay $0x4  }
0x285: {  	[tilespmem:v6+s25+$0x0] =	vst.idx.msk $0xffff, v5  }
0x286: {  	v6 =	vadd.s32 $0x43F1, v2;
	v5 =	vld [tilespmem:$0x10670];
	_ =	sdelay $0x4  }
0x287: {  	[tilespmem:v6+s25+$0x0] =	vst.idx.msk $0xffff, v5  }
0x288: {  	v6 =	vadd.s32 $0x43F2, v2;
	v5 =	vld [tilespmem:$0x10870];
	_ =	sdelay $0x2  }
0x289: {  	s26 =	sadd.s32 $0x1, s26  }
0x28a: {  	p0 =	sne.s32 s26, s9  }
.Ltmp1:
0x28b: {  	[tilespmem:v6+s25+$0x0] =	vst.idx.msk $0xffff, v5;
	(pc) =	sbr.rel @p0 .LBB2_1-.Ltmp1, $4  }
0x28c: {  	[hbm4b:s8+s3] =	stream.linear.scatter [tilespmem:s25], [sflag:$0x2], $0x4600, $0x38;
	[tilespmem:$0x14E80] =	vst v63  }
0x28d: {  	_ =	swait.ge [sflag:s12], $0x4600  }
0x28e: {  	[sflag:s12] =	ssyncset.done $0x0  }
0x28f: {  	[sflag:s12] =	ssyncadd.s32 $0xFFFFBA00  }
0x290: {  	_ =	sfence.sel $0x180000  }
0x291: {  	[bflag:$0x0] =	sbarrier.arrive $0xFFFF  }
0x292: {  	_ =	strace $0x90000047  }
0x293: {  	s0 =	stileid.u32;
	[bflag:$0x2] =	sbarrier.arrive $0xFFFF  }
0x294: {  	p0 =	sne.s32 s0, $0x0;
	s0 =	rddreg [dreg:$0x6]  }
0x295: {  	s0 =	sadd.s32 @!p0 $0x100000, s0  }
0x296: {  	[sflag:s0] =	ssyncadd.tile.s32 @!p0 $0x1;
	_ =	shalt  }
.Lfunc_end2:
_tile_overlayer_lowered:
.L_overlay_start_2:
0x297: {  	(tag) =	ssettag $0x2  }
0x298: {  	s0 =	rddreg [dreg:$0x0];
	s2 =	stileid.u32  }
0x299: {  	s1 =	rddreg [dreg:$0x1];
	p0 =	sne.s32 s2, $0x0  }
0x29a: {  	s3 =	rddreg [dreg:$0x2];
	[bflag:$0x3] =	sbarrier.arrive $0xFFFF;
	s2 =	simm.s32 @!p0 $0x1C02  }
0x29b: {  	[timem:s3], [sflag:s2] =	dma.local @!p0 [hbm:s0], s1  }
0x29c: {  	s0 =	simm.s32 @!p0 $0x2  }
0x29d: {  	_ =	swait.ge @!p0 [sflag:s0], s1  }
0x29e: {  	s1 =	ssub.s32 @!p0 $0x0, s1;
	[sflag:s0] =	ssyncset.done @!p0 $0x0  }
0x29f: {  	[sflag:s0] =	ssyncadd.s32 @!p0 s1  }
0x2a0: {  	[bflag:$0x3] =	sbarrier.arrive $0xFFFF  }
0x2a1: {  	_ =	shalt  }

</sc_bundles>
